<compile_context>
chip_gen: v7x
topology: tpu7x:2x2x1
jax: 0.10.2.dev20260603
libtpu: 0.0.44.dev20260713+nightly
codegen_flags: <defaults>
</compile_context>

<pallas_src>
import functools

import jax
import jax.numpy as jnp
from jax import lax
from jax.experimental import pallas as pl
from jax.experimental.pallas import tpu as pltpu
from jax.experimental.pallas import tpu_sc as plsc

NC = 2
NS = 16
NW = NC * NS
LANES = 16

_GATHER_DNUMS = lax.GatherDimensionNumbers(
    offset_dims=(), collapsed_slice_dims=(0,), start_index_map=(0,))


def _rotate(vec, pattern):
    return lax.gather(vec, pattern[:, None], _GATHER_DNUMS, (1,),
                      mode=lax.GatherScatterMode.PROMISE_IN_BOUNDS)


@functools.partial(jax.jit, static_argnames=("V", "D"))
def _retile(embT, tail, V, D):
    P = 2 * D
    W = 4 * D
    NBLK = V // W
    TAIL = V - NBLK * W
    BASE = NBLK // NW
    mesh = plsc.VectorSubcoreMesh(core_axis_name="c", subcore_axis_name="s")

    @functools.partial(
        pl.kernel,
        mesh=mesh,
        out_type=jax.ShapeDtypeStruct((V // 2, P), jnp.float32),
        scratch_types=[
            pltpu.VMEM((D, W), jnp.float32),
            pltpu.VMEM((D, W), jnp.float32),
            pltpu.VMEM((W // 2, P), jnp.float32),
            pltpu.VMEM((W // 2, P), jnp.float32),
            pltpu.SemaphoreType.DMA,
            pltpu.SemaphoreType.DMA,
            pltpu.SemaphoreType.DMA,
            pltpu.SemaphoreType.DMA,
        ],
        compiler_params=pltpu.CompilerParams(
            use_tc_tiling_on_sc=True, needs_layout_passes=False),
    )
    def body(embT_hbm, tail_hbm, out_hbm, in0, in1, ot0, ot1, is0, is1, os0, os1):
        wid = lax.axis_index("s") * NC + lax.axis_index("c")
        inb = (in0, in1)
        otb = (ot0, ot1)
        isem = (is0, is1)
        osem = (os0, os1)
        nblk = BASE + jnp.where(wid < NBLK - BASE * NW, 1, 0)
        iota = jnp.arange(LANES, dtype=jnp.int32)
        rot = [(iota + r) % LANES for r in range(LANES)]

        def load(k, t):
            b = wid + k * NW
            return pltpu.make_async_copy(
                embT_hbm.at[:, pl.ds(b * W, W)], inb[t], isem[t])

        def store(k, t):
            b = wid + k * NW
            return pltpu.make_async_copy(
                otb[t], out_hbm.at[pl.ds(b * (W // 2), W // 2), :], osem[t])

        def transpose(t, npg):
            src, dst = inb[t], otb[t]

            ncg = P // LANES

            @plsc.parallel_loop(0, npg * ncg, unroll=4)
            def _(i):
                pg = i // ncg
                cg = lax.rem(i, ncg)
                h = jnp.where(cg >= D // LANES, 1, 0).astype(jnp.int32)
                src_col = 2 * iota + (2 * LANES * pg + h)
                dst_row = iota + LANES * pg
                ccg = lax.rem(cg, D // LANES)
                for r in range(LANES):
                    src_row = LANES * ccg + rot[r]
                    val = plsc.load_gather(src, [src_row, src_col])
                    plsc.store_scatter(
                        dst, [dst_row, LANES * cg + rot[r]], val)

        load(0, 0).start()

        @pl.when(nblk > 1)
        def _():
            load(1, 1).start()

        def pair(kk, carry):
            for t in range(2):
                k = kk * 2 + t

                @pl.when(k < nblk)
                def _():
                    load(k, t).wait()

                    @pl.when(k >= 2)
                    def _():
                        store(k, t).wait()

                    transpose(t, W // 2 // LANES)
                    store(k, t).start()

                    @pl.when(k + 2 < nblk)
                    def _():
                        load(k + 2, t).start()

            return carry

        lax.fori_loop(0, (BASE + 2) // 2, pair, 0)
        for t in range(2):
            @pl.when(nblk > t)
            def _():
                store(0, t).wait()

        if TAIL:
            @pl.when(wid == NW - 1)
            def _():
                pltpu.sync_copy(tail_hbm, otb[0].at[pl.ds(0, TAIL // 2), :])
                pltpu.sync_copy(otb[0].at[pl.ds(0, TAIL // 2), :],
                                out_hbm.at[pl.ds(NBLK * (W // 2), TAIL // 2), :])

    return body(embT, tail)


@functools.partial(jax.jit, static_argnames=("B", "S", "D"))
def _embed(xT, emb2, pos_pad, B, S, D):
    BW = B // NW
    P = 2 * D
    mesh = plsc.VectorSubcoreMesh(core_axis_name="c", subcore_axis_name="s")

    @functools.partial(
        pl.kernel,
        mesh=mesh,
        out_type=jax.ShapeDtypeStruct((S, D, B), jnp.float32),
        scratch_types=[
            pltpu.VMEM((S, BW), jnp.int32),
            pltpu.VMEM((BW,), jnp.int32),
            pltpu.VMEM((BW,), jnp.int32),
            pltpu.VMEM((BW, P), jnp.float32),
            pltpu.VMEM((BW, P), jnp.float32),
            pltpu.VMEM((D, BW), jnp.float32),
            pltpu.VMEM((D, BW), jnp.float32),
            pltpu.VMEM((S, P), jnp.float32),
            pltpu.SemaphoreType.DMA,
            pltpu.SemaphoreType.DMA,
            pltpu.SemaphoreType.DMA,
            pltpu.SemaphoreType.DMA,
        ],
        compiler_params=pltpu.CompilerParams(
            use_tc_tiling_on_sc=True, needs_layout_passes=False),
    )
    def body(xT_hbm, emb_hbm, pos_hbm, out_hbm,
             xloc, idx0, idx1, gb0, gb1, os0, os1, pos_v,
             gsem0, gsem1, osem0, osem1):
        wid = lax.axis_index("s") * NC + lax.axis_index("c")
        b0 = wid * BW
        idx = (idx0, idx1)
        gbuf = (gb0, gb1)
        oslab = (os0, os1)
        gsem = (gsem0, gsem1)
        osem = (osem0, osem1)

        pltpu.sync_copy(pos_hbm, pos_v)
        pltpu.sync_copy(xT_hbm.at[:, pl.ds(b0, BW)], xloc)

        def build_idx(s, t):
            for g in range(BW // LANES):
                sl = pl.ds(g * LANES, LANES)
                idx[t][sl] = lax.shift_right_logical(xloc[s, sl], 1)

        def gather(t):
            return pltpu.make_async_copy(emb_hbm.at[idx[t]], gbuf[t], gsem[t])

        def store(s, t):
            return pltpu.make_async_copy(
                oslab[t], out_hbm.at[s, :, pl.ds(b0, BW)], osem[t])

        def compute(s, t):
            gb, ob = gbuf[t], oslab[t]
            iota = jnp.arange(LANES, dtype=jnp.int32)
            rot = [(iota + r) % LANES for r in range(LANES)]
            for dc in range(D // LANES):
                pchunk = pos_v[s, pl.ds(dc * LANES, LANES)]
                prot = [_rotate(pchunk, rot[r]) for r in range(LANES)]

                @plsc.parallel_loop(0, BW // LANES, unroll=4)
                def _(g):
                    xv = xloc[s, pl.ds(g * LANES, LANES)]
                    colbase = (xv & 1) * D + dc * LANES
                    row_l = iota + g * LANES
                    for r in range(LANES):
                        val = plsc.load_gather(gb, [row_l, colbase + rot[r]])
                        plsc.store_scatter(
                            ob, [dc * LANES + rot[r], row_l], val + prot[r])

        build_idx(0, 0)
        gather(0).start()
        build_idx(1, 1)
        gather(1).start()

        def pair(ss, carry):
            for t in range(2):
                s = ss * 2 + t
                gather(t).wait()

                @pl.when(s >= 2)
                def _():
                    store(s, t).wait()

                compute(s, t)
                store(s, t).start()

                @pl.when(s + 2 < S)
                def _():
                    build_idx(s + 2, t)
                    gather(t).start()

            return carry

        lax.fori_loop(0, S // 2, pair, 0)
        store(S - 2, 0).wait()
        store(S - 1, 1).wait()

    return body(xT, emb2, pos_pad)


def kernel(x, emb_table, pos_table):
    B, S = x.shape
    V, D = emb_table.shape
    xT = jnp.swapaxes(x, 0, 1)
    embT = jnp.swapaxes(emb_table, 0, 1)
    nfull = (V // (2 * D)) * (2 * D)
    tail = emb_table[nfull:].reshape(-1, 2 * D)
    emb2 = _retile(embT, tail, V, D)
    pos_pad = jnp.pad(pos_table, ((0, 0), (0, D)))
    out = _embed(xT, emb2, pos_pad, B, S, D)
    return jnp.transpose(out, (2, 0, 1))

# --- scband reference (transcript-rebuilt; emitter-appended) ---
"""Pipeline reference for scband-input-and-positional-encoding-63548336111698 (READ-ONLY COPY).

The authoritative reference and input builder live on the scoring server;
editing this copy changes nothing except your own understanding.
"""

import jax, jax.numpy as jnp
import numpy as np

VOCAB = 1000000
EMBED_DIM = 64
MAX_SEQ_LEN = 200
BATCH = 4096
SEQ_LEN = 200


def setup_inputs(seed: int = 0) -> dict:
    key = jax.random.key(seed)
    k1, k2, k3 = jax.random.split(key, 3)
    x = jax.random.randint(k1, (BATCH, SEQ_LEN), 0, VOCAB, dtype=jnp.int64 if jax.config.jax_enable_x64 else jnp.int32)
    emb_table = jax.random.normal(k2, (VOCAB, EMBED_DIM), dtype=jnp.float32)
    pos_table = jax.random.normal(k3, (MAX_SEQ_LEN, EMBED_DIM), dtype=jnp.float32)
    return {"x": x, "emb_table": emb_table, "pos_table": pos_table}


def reference(x, emb_table, pos_table):
    # token embedding lookup: gather rows of emb_table
    tok = jnp.take(emb_table, x, axis=0)  # [B, S, D]
    seq_len = x.shape[1]
    pos_ids = jnp.arange(seq_len)
    pos = jnp.take(pos_table, pos_ids, axis=0)  # [S, D]
    out = tok + pos[None, :, :]
    return out

if __name__ == "__main__":
    import jax
    _d = setup_inputs()
    print(jax.jit(kernel)(*tuple(_d.values())))

</pallas_src>

<mosaic_0001>
#map = affine_map<(d0, d1) -> (0, 0)>
module attributes {stable_mosaic.version = 14 : i64} {
  func.func @body(%arg0: i32, %arg1: i32, %arg2: memref<64x1000000xf32, #tpu.memory_space<hbm>>, %arg3: memref<32x128xf32, #tpu.memory_space<hbm>>, %arg4: memref<500000x128xf32, #tpu.memory_space<hbm>>, %arg5: memref<64x256xf32, #tpu.memory_space<vmem>>, %arg6: memref<64x256xf32, #tpu.memory_space<vmem>>, %arg7: memref<128x128xf32, #tpu.memory_space<vmem>>, %arg8: memref<128x128xf32, #tpu.memory_space<vmem>>, %arg9: memref<!tpu.dma_semaphore, #tpu.memory_space<semaphore_mem>>, %arg10: memref<!tpu.dma_semaphore, #tpu.memory_space<semaphore_mem>>, %arg11: memref<!tpu.dma_semaphore, #tpu.memory_space<semaphore_mem>>, %arg12: memref<!tpu.dma_semaphore, #tpu.memory_space<semaphore_mem>>) attributes {dimension_semantics = [#tpu.dimension_semantics<core_parallel>, #tpu.dimension_semantics<subcore_parallel>], iteration_bounds = array<i64: 2, 16>, scalar_prefetch = 0 : i64, scratch_operands = 8 : i64, tpu.core_type = #tpu.core_type<sc_vector_subcore>, window_params = [{transform_indices = #map}, {transform_indices = #map}, {transform_indices = #map}]} {
    %mul3A = arith.constant 2 : i32
    %mul3A_0 = arith.muli %arg1, %mul3A : i32
    %add3A = arith.addi %mul3A_0, %arg0 : i32
    %lt3A = arith.constant 2 : i32
    %lt3A_1 = arith.cmpi slt, %add3A, %lt3A : i32
    %jit3A = arith.constant 1 : i32
    %jit3A_2 = arith.constant 0 : i32
    %select_n3A = arith.select %lt3A_1, %jit3A, %jit3A_2 : i32
    %add3A_3 = arith.constant 122 : i32
    %add3A_4 = arith.addi %add3A_3, %select_n3A : i32
    %iota3A = tpu.iota {dimensions = array<i32: 0>} : vector<16xi32>
    %add3A_5 = arith.constant 0 : i32
    %add3A_6 = vector.broadcast %add3A_5 : i32 to vector<16xi32>
    %add3A_7 = arith.addi %iota3A, %add3A_6 : vector<16xi32>
    %jit3A_8 = arith.constant 16 : i32
    %eq3A = arith.constant 0 : i32
    %eq3A_9 = arith.cmpi eq, %jit3A_8, %eq3A : i32
    %jit3A_10 = arith.constant 1 : i32
    %select_n3A_11 = arith.select %eq3A_9, %jit3A_10, %jit3A_8 : i32
    %rem3A = vector.broadcast %select_n3A_11 : i32 to vector<16xi32>
    %rem3A_12 = arith.remsi %add3A_7, %rem3A : vector<16xi32>
    %ne3A = arith.constant 0 : i32
    %ne3A_13 = vector.broadcast %ne3A : i32 to vector<16xi32>
    %ne3A_14 = arith.cmpi ne, %rem3A_12, %ne3A_13 : vector<16xi32>
    %lt3A_15 = arith.constant 0 : i32
    %lt3A_16 = vector.broadcast %lt3A_15 : i32 to vector<16xi32>
    %lt3A_17 = arith.cmpi slt, %rem3A_12, %lt3A_16 : vector<16xi32>
    %lt3A_18 = arith.constant 0 : i32
    %lt3A_19 = arith.cmpi slt, %select_n3A_11, %lt3A_18 : i32
    %ne3A_20 = vector.broadcast %lt3A_19 : i1 to vector<16xi1>
    %ne3A_21 = vector.broadcast %ne3A_20 : vector<16xi1> to vector<16xi1>
    %ne3A_22 = arith.xori %lt3A_17, %ne3A_21 : vector<16xi1>
    %and3A = arith.andi %ne3A_22, %ne3A_14 : vector<16xi1>
    %add3A_23 = vector.broadcast %select_n3A_11 : i32 to vector<16xi32>
    %add3A_24 = arith.addi %rem3A_12, %add3A_23 : vector<16xi32>
    %select_n3A_25 = arith.select %and3A, %add3A_24, %rem3A_12 : vector<16xi1>, vector<16xi32>
    %add3A_26 = arith.constant 1 : i32
    %add3A_27 = vector.broadcast %add3A_26 : i32 to vector<16xi32>
    %add3A_28 = arith.addi %iota3A, %add3A_27 : vector<16xi32>
    %jit3A_29 = arith.constant 16 : i32
    %eq3A_30 = arith.constant 0 : i32
    %eq3A_31 = arith.cmpi eq, %jit3A_29, %eq3A_30 : i32
    %jit3A_32 = arith.constant 1 : i32
    %select_n3A_33 = arith.select %eq3A_31, %jit3A_32, %jit3A_29 : i32
    %rem3A_34 = vector.broadcast %select_n3A_33 : i32 to vector<16xi32>
    %rem3A_35 = arith.remsi %add3A_28, %rem3A_34 : vector<16xi32>
    %ne3A_36 = arith.constant 0 : i32
    %ne3A_37 = vector.broadcast %ne3A_36 : i32 to vector<16xi32>
    %ne3A_38 = arith.cmpi ne, %rem3A_35, %ne3A_37 : vector<16xi32>
    %lt3A_39 = arith.constant 0 : i32
    %lt3A_40 = vector.broadcast %lt3A_39 : i32 to vector<16xi32>
    %lt3A_41 = arith.cmpi slt, %rem3A_35, %lt3A_40 : vector<16xi32>
    %lt3A_42 = arith.constant 0 : i32
    %lt3A_43 = arith.cmpi slt, %select_n3A_33, %lt3A_42 : i32
    %ne3A_44 = vector.broadcast %lt3A_43 : i1 to vector<16xi1>
    %ne3A_45 = vector.broadcast %ne3A_44 : vector<16xi1> to vector<16xi1>
    %ne3A_46 = arith.xori %lt3A_41, %ne3A_45 : vector<16xi1>
    %and3A_47 = arith.andi %ne3A_46, %ne3A_38 : vector<16xi1>
    %add3A_48 = vector.broadcast %select_n3A_33 : i32 to vector<16xi32>
    %add3A_49 = arith.addi %rem3A_35, %add3A_48 : vector<16xi32>
    %select_n3A_50 = arith.select %and3A_47, %add3A_49, %rem3A_35 : vector<16xi1>, vector<16xi32>
    %add3A_51 = arith.constant 2 : i32
    %add3A_52 = vector.broadcast %add3A_51 : i32 to vector<16xi32>
    %add3A_53 = arith.addi %iota3A, %add3A_52 : vector<16xi32>
    %jit3A_54 = arith.constant 16 : i32
    %eq3A_55 = arith.constant 0 : i32
    %eq3A_56 = arith.cmpi eq, %jit3A_54, %eq3A_55 : i32
    %jit3A_57 = arith.constant 1 : i32
    %select_n3A_58 = arith.select %eq3A_56, %jit3A_57, %jit3A_54 : i32
    %rem3A_59 = vector.broadcast %select_n3A_58 : i32 to vector<16xi32>
    %rem3A_60 = arith.remsi %add3A_53, %rem3A_59 : vector<16xi32>
    %ne3A_61 = arith.constant 0 : i32
    %ne3A_62 = vector.broadcast %ne3A_61 : i32 to vector<16xi32>
    %ne3A_63 = arith.cmpi ne, %rem3A_60, %ne3A_62 : vector<16xi32>
    %lt3A_64 = arith.constant 0 : i32
    %lt3A_65 = vector.broadcast %lt3A_64 : i32 to vector<16xi32>
    %lt3A_66 = arith.cmpi slt, %rem3A_60, %lt3A_65 : vector<16xi32>
    %lt3A_67 = arith.constant 0 : i32
    %lt3A_68 = arith.cmpi slt, %select_n3A_58, %lt3A_67 : i32
    %ne3A_69 = vector.broadcast %lt3A_68 : i1 to vector<16xi1>
    %ne3A_70 = vector.broadcast %ne3A_69 : vector<16xi1> to vector<16xi1>
    %ne3A_71 = arith.xori %lt3A_66, %ne3A_70 : vector<16xi1>
    %and3A_72 = arith.andi %ne3A_71, %ne3A_63 : vector<16xi1>
    %add3A_73 = vector.broadcast %select_n3A_58 : i32 to vector<16xi32>
    %add3A_74 = arith.addi %rem3A_60, %add3A_73 : vector<16xi32>
    %select_n3A_75 = arith.select %and3A_72, %add3A_74, %rem3A_60 : vector<16xi1>, vector<16xi32>
    %add3A_76 = arith.constant 3 : i32
    %add3A_77 = vector.broadcast %add3A_76 : i32 to vector<16xi32>
    %add3A_78 = arith.addi %iota3A, %add3A_77 : vector<16xi32>
    %jit3A_79 = arith.constant 16 : i32
    %eq3A_80 = arith.constant 0 : i32
    %eq3A_81 = arith.cmpi eq, %jit3A_79, %eq3A_80 : i32
    %jit3A_82 = arith.constant 1 : i32
    %select_n3A_83 = arith.select %eq3A_81, %jit3A_82, %jit3A_79 : i32
    %rem3A_84 = vector.broadcast %select_n3A_83 : i32 to vector<16xi32>
    %rem3A_85 = arith.remsi %add3A_78, %rem3A_84 : vector<16xi32>
    %ne3A_86 = arith.constant 0 : i32
    %ne3A_87 = vector.broadcast %ne3A_86 : i32 to vector<16xi32>
    %ne3A_88 = arith.cmpi ne, %rem3A_85, %ne3A_87 : vector<16xi32>
    %lt3A_89 = arith.constant 0 : i32
    %lt3A_90 = vector.broadcast %lt3A_89 : i32 to vector<16xi32>
    %lt3A_91 = arith.cmpi slt, %rem3A_85, %lt3A_90 : vector<16xi32>
    %lt3A_92 = arith.constant 0 : i32
    %lt3A_93 = arith.cmpi slt, %select_n3A_83, %lt3A_92 : i32
    %ne3A_94 = vector.broadcast %lt3A_93 : i1 to vector<16xi1>
    %ne3A_95 = vector.broadcast %ne3A_94 : vector<16xi1> to vector<16xi1>
    %ne3A_96 = arith.xori %lt3A_91, %ne3A_95 : vector<16xi1>
    %and3A_97 = arith.andi %ne3A_96, %ne3A_88 : vector<16xi1>
    %add3A_98 = vector.broadcast %select_n3A_83 : i32 to vector<16xi32>
    %add3A_99 = arith.addi %rem3A_85, %add3A_98 : vector<16xi32>
    %select_n3A_100 = arith.select %and3A_97, %add3A_99, %rem3A_85 : vector<16xi1>, vector<16xi32>
    %add3A_101 = arith.constant 4 : i32
    %add3A_102 = vector.broadcast %add3A_101 : i32 to vector<16xi32>
    %add3A_103 = arith.addi %iota3A, %add3A_102 : vector<16xi32>
    %jit3A_104 = arith.constant 16 : i32
    %eq3A_105 = arith.constant 0 : i32
    %eq3A_106 = arith.cmpi eq, %jit3A_104, %eq3A_105 : i32
    %jit3A_107 = arith.constant 1 : i32
    %select_n3A_108 = arith.select %eq3A_106, %jit3A_107, %jit3A_104 : i32
    %rem3A_109 = vector.broadcast %select_n3A_108 : i32 to vector<16xi32>
    %rem3A_110 = arith.remsi %add3A_103, %rem3A_109 : vector<16xi32>
    %ne3A_111 = arith.constant 0 : i32
    %ne3A_112 = vector.broadcast %ne3A_111 : i32 to vector<16xi32>
    %ne3A_113 = arith.cmpi ne, %rem3A_110, %ne3A_112 : vector<16xi32>
    %lt3A_114 = arith.constant 0 : i32
    %lt3A_115 = vector.broadcast %lt3A_114 : i32 to vector<16xi32>
    %lt3A_116 = arith.cmpi slt, %rem3A_110, %lt3A_115 : vector<16xi32>
    %lt3A_117 = arith.constant 0 : i32
    %lt3A_118 = arith.cmpi slt, %select_n3A_108, %lt3A_117 : i32
    %ne3A_119 = vector.broadcast %lt3A_118 : i1 to vector<16xi1>
    %ne3A_120 = vector.broadcast %ne3A_119 : vector<16xi1> to vector<16xi1>
    %ne3A_121 = arith.xori %lt3A_116, %ne3A_120 : vector<16xi1>
    %and3A_122 = arith.andi %ne3A_121, %ne3A_113 : vector<16xi1>
    %add3A_123 = vector.broadcast %select_n3A_108 : i32 to vector<16xi32>
    %add3A_124 = arith.addi %rem3A_110, %add3A_123 : vector<16xi32>
    %select_n3A_125 = arith.select %and3A_122, %add3A_124, %rem3A_110 : vector<16xi1>, vector<16xi32>
    %add3A_126 = arith.constant 5 : i32
    %add3A_127 = vector.broadcast %add3A_126 : i32 to vector<16xi32>
    %add3A_128 = arith.addi %iota3A, %add3A_127 : vector<16xi32>
    %jit3A_129 = arith.constant 16 : i32
    %eq3A_130 = arith.constant 0 : i32
    %eq3A_131 = arith.cmpi eq, %jit3A_129, %eq3A_130 : i32
    %jit3A_132 = arith.constant 1 : i32
    %select_n3A_133 = arith.select %eq3A_131, %jit3A_132, %jit3A_129 : i32
    %rem3A_134 = vector.broadcast %select_n3A_133 : i32 to vector<16xi32>
    %rem3A_135 = arith.remsi %add3A_128, %rem3A_134 : vector<16xi32>
    %ne3A_136 = arith.constant 0 : i32
    %ne3A_137 = vector.broadcast %ne3A_136 : i32 to vector<16xi32>
    %ne3A_138 = arith.cmpi ne, %rem3A_135, %ne3A_137 : vector<16xi32>
    %lt3A_139 = arith.constant 0 : i32
    %lt3A_140 = vector.broadcast %lt3A_139 : i32 to vector<16xi32>
    %lt3A_141 = arith.cmpi slt, %rem3A_135, %lt3A_140 : vector<16xi32>
    %lt3A_142 = arith.constant 0 : i32
    %lt3A_143 = arith.cmpi slt, %select_n3A_133, %lt3A_142 : i32
    %ne3A_144 = vector.broadcast %lt3A_143 : i1 to vector<16xi1>
    %ne3A_145 = vector.broadcast %ne3A_144 : vector<16xi1> to vector<16xi1>
    %ne3A_146 = arith.xori %lt3A_141, %ne3A_145 : vector<16xi1>
    %and3A_147 = arith.andi %ne3A_146, %ne3A_138 : vector<16xi1>
    %add3A_148 = vector.broadcast %select_n3A_133 : i32 to vector<16xi32>
    %add3A_149 = arith.addi %rem3A_135, %add3A_148 : vector<16xi32>
    %select_n3A_150 = arith.select %and3A_147, %add3A_149, %rem3A_135 : vector<16xi1>, vector<16xi32>
    %add3A_151 = arith.constant 6 : i32
    %add3A_152 = vector.broadcast %add3A_151 : i32 to vector<16xi32>
    %add3A_153 = arith.addi %iota3A, %add3A_152 : vector<16xi32>
    %jit3A_154 = arith.constant 16 : i32
    %eq3A_155 = arith.constant 0 : i32
    %eq3A_156 = arith.cmpi eq, %jit3A_154, %eq3A_155 : i32
    %jit3A_157 = arith.constant 1 : i32
    %select_n3A_158 = arith.select %eq3A_156, %jit3A_157, %jit3A_154 : i32
    %rem3A_159 = vector.broadcast %select_n3A_158 : i32 to vector<16xi32>
    %rem3A_160 = arith.remsi %add3A_153, %rem3A_159 : vector<16xi32>
    %ne3A_161 = arith.constant 0 : i32
    %ne3A_162 = vector.broadcast %ne3A_161 : i32 to vector<16xi32>
    %ne3A_163 = arith.cmpi ne, %rem3A_160, %ne3A_162 : vector<16xi32>
    %lt3A_164 = arith.constant 0 : i32
    %lt3A_165 = vector.broadcast %lt3A_164 : i32 to vector<16xi32>
    %lt3A_166 = arith.cmpi slt, %rem3A_160, %lt3A_165 : vector<16xi32>
    %lt3A_167 = arith.constant 0 : i32
    %lt3A_168 = arith.cmpi slt, %select_n3A_158, %lt3A_167 : i32
    %ne3A_169 = vector.broadcast %lt3A_168 : i1 to vector<16xi1>
    %ne3A_170 = vector.broadcast %ne3A_169 : vector<16xi1> to vector<16xi1>
    %ne3A_171 = arith.xori %lt3A_166, %ne3A_170 : vector<16xi1>
    %and3A_172 = arith.andi %ne3A_171, %ne3A_163 : vector<16xi1>
    %add3A_173 = vector.broadcast %select_n3A_158 : i32 to vector<16xi32>
    %add3A_174 = arith.addi %rem3A_160, %add3A_173 : vector<16xi32>
    %select_n3A_175 = arith.select %and3A_172, %add3A_174, %rem3A_160 : vector<16xi1>, vector<16xi32>
    %add3A_176 = arith.constant 7 : i32
    %add3A_177 = vector.broadcast %add3A_176 : i32 to vector<16xi32>
    %add3A_178 = arith.addi %iota3A, %add3A_177 : vector<16xi32>
    %jit3A_179 = arith.constant 16 : i32
    %eq3A_180 = arith.constant 0 : i32
    %eq3A_181 = arith.cmpi eq, %jit3A_179, %eq3A_180 : i32
    %jit3A_182 = arith.constant 1 : i32
    %select_n3A_183 = arith.select %eq3A_181, %jit3A_182, %jit3A_179 : i32
    %rem3A_184 = vector.broadcast %select_n3A_183 : i32 to vector<16xi32>
    %rem3A_185 = arith.remsi %add3A_178, %rem3A_184 : vector<16xi32>
    %ne3A_186 = arith.constant 0 : i32
    %ne3A_187 = vector.broadcast %ne3A_186 : i32 to vector<16xi32>
    %ne3A_188 = arith.cmpi ne, %rem3A_185, %ne3A_187 : vector<16xi32>
    %lt3A_189 = arith.constant 0 : i32
    %lt3A_190 = vector.broadcast %lt3A_189 : i32 to vector<16xi32>
    %lt3A_191 = arith.cmpi slt, %rem3A_185, %lt3A_190 : vector<16xi32>
    %lt3A_192 = arith.constant 0 : i32
    %lt3A_193 = arith.cmpi slt, %select_n3A_183, %lt3A_192 : i32
    %ne3A_194 = vector.broadcast %lt3A_193 : i1 to vector<16xi1>
    %ne3A_195 = vector.broadcast %ne3A_194 : vector<16xi1> to vector<16xi1>
    %ne3A_196 = arith.xori %lt3A_191, %ne3A_195 : vector<16xi1>
    %and3A_197 = arith.andi %ne3A_196, %ne3A_188 : vector<16xi1>
    %add3A_198 = vector.broadcast %select_n3A_183 : i32 to vector<16xi32>
    %add3A_199 = arith.addi %rem3A_185, %add3A_198 : vector<16xi32>
    %select_n3A_200 = arith.select %and3A_197, %add3A_199, %rem3A_185 : vector<16xi1>, vector<16xi32>
    %add3A_201 = arith.constant 8 : i32
    %add3A_202 = vector.broadcast %add3A_201 : i32 to vector<16xi32>
    %add3A_203 = arith.addi %iota3A, %add3A_202 : vector<16xi32>
    %jit3A_204 = arith.constant 16 : i32
    %eq3A_205 = arith.constant 0 : i32
    %eq3A_206 = arith.cmpi eq, %jit3A_204, %eq3A_205 : i32
    %jit3A_207 = arith.constant 1 : i32
    %select_n3A_208 = arith.select %eq3A_206, %jit3A_207, %jit3A_204 : i32
    %rem3A_209 = vector.broadcast %select_n3A_208 : i32 to vector<16xi32>
    %rem3A_210 = arith.remsi %add3A_203, %rem3A_209 : vector<16xi32>
    %ne3A_211 = arith.constant 0 : i32
    %ne3A_212 = vector.broadcast %ne3A_211 : i32 to vector<16xi32>
    %ne3A_213 = arith.cmpi ne, %rem3A_210, %ne3A_212 : vector<16xi32>
    %lt3A_214 = arith.constant 0 : i32
    %lt3A_215 = vector.broadcast %lt3A_214 : i32 to vector<16xi32>
    %lt3A_216 = arith.cmpi slt, %rem3A_210, %lt3A_215 : vector<16xi32>
    %lt3A_217 = arith.constant 0 : i32
    %lt3A_218 = arith.cmpi slt, %select_n3A_208, %lt3A_217 : i32
    %ne3A_219 = vector.broadcast %lt3A_218 : i1 to vector<16xi1>
    %ne3A_220 = vector.broadcast %ne3A_219 : vector<16xi1> to vector<16xi1>
    %ne3A_221 = arith.xori %lt3A_216, %ne3A_220 : vector<16xi1>
    %and3A_222 = arith.andi %ne3A_221, %ne3A_213 : vector<16xi1>
    %add3A_223 = vector.broadcast %select_n3A_208 : i32 to vector<16xi32>
    %add3A_224 = arith.addi %rem3A_210, %add3A_223 : vector<16xi32>
    %select_n3A_225 = arith.select %and3A_222, %add3A_224, %rem3A_210 : vector<16xi1>, vector<16xi32>
    %add3A_226 = arith.constant 9 : i32
    %add3A_227 = vector.broadcast %add3A_226 : i32 to vector<16xi32>
    %add3A_228 = arith.addi %iota3A, %add3A_227 : vector<16xi32>
    %jit3A_229 = arith.constant 16 : i32
    %eq3A_230 = arith.constant 0 : i32
    %eq3A_231 = arith.cmpi eq, %jit3A_229, %eq3A_230 : i32
    %jit3A_232 = arith.constant 1 : i32
    %select_n3A_233 = arith.select %eq3A_231, %jit3A_232, %jit3A_229 : i32
    %rem3A_234 = vector.broadcast %select_n3A_233 : i32 to vector<16xi32>
    %rem3A_235 = arith.remsi %add3A_228, %rem3A_234 : vector<16xi32>
    %ne3A_236 = arith.constant 0 : i32
    %ne3A_237 = vector.broadcast %ne3A_236 : i32 to vector<16xi32>
    %ne3A_238 = arith.cmpi ne, %rem3A_235, %ne3A_237 : vector<16xi32>
    %lt3A_239 = arith.constant 0 : i32
    %lt3A_240 = vector.broadcast %lt3A_239 : i32 to vector<16xi32>
    %lt3A_241 = arith.cmpi slt, %rem3A_235, %lt3A_240 : vector<16xi32>
    %lt3A_242 = arith.constant 0 : i32
    %lt3A_243 = arith.cmpi slt, %select_n3A_233, %lt3A_242 : i32
    %ne3A_244 = vector.broadcast %lt3A_243 : i1 to vector<16xi1>
    %ne3A_245 = vector.broadcast %ne3A_244 : vector<16xi1> to vector<16xi1>
    %ne3A_246 = arith.xori %lt3A_241, %ne3A_245 : vector<16xi1>
    %and3A_247 = arith.andi %ne3A_246, %ne3A_238 : vector<16xi1>
    %add3A_248 = vector.broadcast %select_n3A_233 : i32 to vector<16xi32>
    %add3A_249 = arith.addi %rem3A_235, %add3A_248 : vector<16xi32>
    %select_n3A_250 = arith.select %and3A_247, %add3A_249, %rem3A_235 : vector<16xi1>, vector<16xi32>
    %add3A_251 = arith.constant 10 : i32
    %add3A_252 = vector.broadcast %add3A_251 : i32 to vector<16xi32>
    %add3A_253 = arith.addi %iota3A, %add3A_252 : vector<16xi32>
    %jit3A_254 = arith.constant 16 : i32
    %eq3A_255 = arith.constant 0 : i32
    %eq3A_256 = arith.cmpi eq, %jit3A_254, %eq3A_255 : i32
    %jit3A_257 = arith.constant 1 : i32
    %select_n3A_258 = arith.select %eq3A_256, %jit3A_257, %jit3A_254 : i32
    %rem3A_259 = vector.broadcast %select_n3A_258 : i32 to vector<16xi32>
    %rem3A_260 = arith.remsi %add3A_253, %rem3A_259 : vector<16xi32>
    %ne3A_261 = arith.constant 0 : i32
    %ne3A_262 = vector.broadcast %ne3A_261 : i32 to vector<16xi32>
    %ne3A_263 = arith.cmpi ne, %rem3A_260, %ne3A_262 : vector<16xi32>
    %lt3A_264 = arith.constant 0 : i32
    %lt3A_265 = vector.broadcast %lt3A_264 : i32 to vector<16xi32>
    %lt3A_266 = arith.cmpi slt, %rem3A_260, %lt3A_265 : vector<16xi32>
    %lt3A_267 = arith.constant 0 : i32
    %lt3A_268 = arith.cmpi slt, %select_n3A_258, %lt3A_267 : i32
    %ne3A_269 = vector.broadcast %lt3A_268 : i1 to vector<16xi1>
    %ne3A_270 = vector.broadcast %ne3A_269 : vector<16xi1> to vector<16xi1>
    %ne3A_271 = arith.xori %lt3A_266, %ne3A_270 : vector<16xi1>
    %and3A_272 = arith.andi %ne3A_271, %ne3A_263 : vector<16xi1>
    %add3A_273 = vector.broadcast %select_n3A_258 : i32 to vector<16xi32>
    %add3A_274 = arith.addi %rem3A_260, %add3A_273 : vector<16xi32>
    %select_n3A_275 = arith.select %and3A_272, %add3A_274, %rem3A_260 : vector<16xi1>, vector<16xi32>
    %add3A_276 = arith.constant 11 : i32
    %add3A_277 = vector.broadcast %add3A_276 : i32 to vector<16xi32>
    %add3A_278 = arith.addi %iota3A, %add3A_277 : vector<16xi32>
    %jit3A_279 = arith.constant 16 : i32
    %eq3A_280 = arith.constant 0 : i32
    %eq3A_281 = arith.cmpi eq, %jit3A_279, %eq3A_280 : i32
    %jit3A_282 = arith.constant 1 : i32
    %select_n3A_283 = arith.select %eq3A_281, %jit3A_282, %jit3A_279 : i32
    %rem3A_284 = vector.broadcast %select_n3A_283 : i32 to vector<16xi32>
    %rem3A_285 = arith.remsi %add3A_278, %rem3A_284 : vector<16xi32>
    %ne3A_286 = arith.constant 0 : i32
    %ne3A_287 = vector.broadcast %ne3A_286 : i32 to vector<16xi32>
    %ne3A_288 = arith.cmpi ne, %rem3A_285, %ne3A_287 : vector<16xi32>
    %lt3A_289 = arith.constant 0 : i32
    %lt3A_290 = vector.broadcast %lt3A_289 : i32 to vector<16xi32>
    %lt3A_291 = arith.cmpi slt, %rem3A_285, %lt3A_290 : vector<16xi32>
    %lt3A_292 = arith.constant 0 : i32
    %lt3A_293 = arith.cmpi slt, %select_n3A_283, %lt3A_292 : i32
    %ne3A_294 = vector.broadcast %lt3A_293 : i1 to vector<16xi1>
    %ne3A_295 = vector.broadcast %ne3A_294 : vector<16xi1> to vector<16xi1>
    %ne3A_296 = arith.xori %lt3A_291, %ne3A_295 : vector<16xi1>
    %and3A_297 = arith.andi %ne3A_296, %ne3A_288 : vector<16xi1>
    %add3A_298 = vector.broadcast %select_n3A_283 : i32 to vector<16xi32>
    %add3A_299 = arith.addi %rem3A_285, %add3A_298 : vector<16xi32>
    %select_n3A_300 = arith.select %and3A_297, %add3A_299, %rem3A_285 : vector<16xi1>, vector<16xi32>
    %add3A_301 = arith.constant 12 : i32
    %add3A_302 = vector.broadcast %add3A_301 : i32 to vector<16xi32>
    %add3A_303 = arith.addi %iota3A, %add3A_302 : vector<16xi32>
    %jit3A_304 = arith.constant 16 : i32
    %eq3A_305 = arith.constant 0 : i32
    %eq3A_306 = arith.cmpi eq, %jit3A_304, %eq3A_305 : i32
    %jit3A_307 = arith.constant 1 : i32
    %select_n3A_308 = arith.select %eq3A_306, %jit3A_307, %jit3A_304 : i32
    %rem3A_309 = vector.broadcast %select_n3A_308 : i32 to vector<16xi32>
    %rem3A_310 = arith.remsi %add3A_303, %rem3A_309 : vector<16xi32>
    %ne3A_311 = arith.constant 0 : i32
    %ne3A_312 = vector.broadcast %ne3A_311 : i32 to vector<16xi32>
    %ne3A_313 = arith.cmpi ne, %rem3A_310, %ne3A_312 : vector<16xi32>
    %lt3A_314 = arith.constant 0 : i32
    %lt3A_315 = vector.broadcast %lt3A_314 : i32 to vector<16xi32>
    %lt3A_316 = arith.cmpi slt, %rem3A_310, %lt3A_315 : vector<16xi32>
    %lt3A_317 = arith.constant 0 : i32
    %lt3A_318 = arith.cmpi slt, %select_n3A_308, %lt3A_317 : i32
    %ne3A_319 = vector.broadcast %lt3A_318 : i1 to vector<16xi1>
    %ne3A_320 = vector.broadcast %ne3A_319 : vector<16xi1> to vector<16xi1>
    %ne3A_321 = arith.xori %lt3A_316, %ne3A_320 : vector<16xi1>
    %and3A_322 = arith.andi %ne3A_321, %ne3A_313 : vector<16xi1>
    %add3A_323 = vector.broadcast %select_n3A_308 : i32 to vector<16xi32>
    %add3A_324 = arith.addi %rem3A_310, %add3A_323 : vector<16xi32>
    %select_n3A_325 = arith.select %and3A_322, %add3A_324, %rem3A_310 : vector<16xi1>, vector<16xi32>
    %add3A_326 = arith.constant 13 : i32
    %add3A_327 = vector.broadcast %add3A_326 : i32 to vector<16xi32>
    %add3A_328 = arith.addi %iota3A, %add3A_327 : vector<16xi32>
    %jit3A_329 = arith.constant 16 : i32
    %eq3A_330 = arith.constant 0 : i32
    %eq3A_331 = arith.cmpi eq, %jit3A_329, %eq3A_330 : i32
    %jit3A_332 = arith.constant 1 : i32
    %select_n3A_333 = arith.select %eq3A_331, %jit3A_332, %jit3A_329 : i32
    %rem3A_334 = vector.broadcast %select_n3A_333 : i32 to vector<16xi32>
    %rem3A_335 = arith.remsi %add3A_328, %rem3A_334 : vector<16xi32>
    %ne3A_336 = arith.constant 0 : i32
    %ne3A_337 = vector.broadcast %ne3A_336 : i32 to vector<16xi32>
    %ne3A_338 = arith.cmpi ne, %rem3A_335, %ne3A_337 : vector<16xi32>
    %lt3A_339 = arith.constant 0 : i32
    %lt3A_340 = vector.broadcast %lt3A_339 : i32 to vector<16xi32>
    %lt3A_341 = arith.cmpi slt, %rem3A_335, %lt3A_340 : vector<16xi32>
    %lt3A_342 = arith.constant 0 : i32
    %lt3A_343 = arith.cmpi slt, %select_n3A_333, %lt3A_342 : i32
    %ne3A_344 = vector.broadcast %lt3A_343 : i1 to vector<16xi1>
    %ne3A_345 = vector.broadcast %ne3A_344 : vector<16xi1> to vector<16xi1>
    %ne3A_346 = arith.xori %lt3A_341, %ne3A_345 : vector<16xi1>
    %and3A_347 = arith.andi %ne3A_346, %ne3A_338 : vector<16xi1>
    %add3A_348 = vector.broadcast %select_n3A_333 : i32 to vector<16xi32>
    %add3A_349 = arith.addi %rem3A_335, %add3A_348 : vector<16xi32>
    %select_n3A_350 = arith.select %and3A_347, %add3A_349, %rem3A_335 : vector<16xi1>, vector<16xi32>
    %add3A_351 = arith.constant 14 : i32
    %add3A_352 = vector.broadcast %add3A_351 : i32 to vector<16xi32>
    %add3A_353 = arith.addi %iota3A, %add3A_352 : vector<16xi32>
    %jit3A_354 = arith.constant 16 : i32
    %eq3A_355 = arith.constant 0 : i32
    %eq3A_356 = arith.cmpi eq, %jit3A_354, %eq3A_355 : i32
    %jit3A_357 = arith.constant 1 : i32
    %select_n3A_358 = arith.select %eq3A_356, %jit3A_357, %jit3A_354 : i32
    %rem3A_359 = vector.broadcast %select_n3A_358 : i32 to vector<16xi32>
    %rem3A_360 = arith.remsi %add3A_353, %rem3A_359 : vector<16xi32>
    %ne3A_361 = arith.constant 0 : i32
    %ne3A_362 = vector.broadcast %ne3A_361 : i32 to vector<16xi32>
    %ne3A_363 = arith.cmpi ne, %rem3A_360, %ne3A_362 : vector<16xi32>
    %lt3A_364 = arith.constant 0 : i32
    %lt3A_365 = vector.broadcast %lt3A_364 : i32 to vector<16xi32>
    %lt3A_366 = arith.cmpi slt, %rem3A_360, %lt3A_365 : vector<16xi32>
    %lt3A_367 = arith.constant 0 : i32
    %lt3A_368 = arith.cmpi slt, %select_n3A_358, %lt3A_367 : i32
    %ne3A_369 = vector.broadcast %lt3A_368 : i1 to vector<16xi1>
    %ne3A_370 = vector.broadcast %ne3A_369 : vector<16xi1> to vector<16xi1>
    %ne3A_371 = arith.xori %lt3A_366, %ne3A_370 : vector<16xi1>
    %and3A_372 = arith.andi %ne3A_371, %ne3A_363 : vector<16xi1>
    %add3A_373 = vector.broadcast %select_n3A_358 : i32 to vector<16xi32>
    %add3A_374 = arith.addi %rem3A_360, %add3A_373 : vector<16xi32>
    %select_n3A_375 = arith.select %and3A_372, %add3A_374, %rem3A_360 : vector<16xi1>, vector<16xi32>
    %add3A_376 = arith.constant 15 : i32
    %add3A_377 = vector.broadcast %add3A_376 : i32 to vector<16xi32>
    %add3A_378 = arith.addi %iota3A, %add3A_377 : vector<16xi32>
    %jit3A_379 = arith.constant 16 : i32
    %eq3A_380 = arith.constant 0 : i32
    %eq3A_381 = arith.cmpi eq, %jit3A_379, %eq3A_380 : i32
    %jit3A_382 = arith.constant 1 : i32
    %select_n3A_383 = arith.select %eq3A_381, %jit3A_382, %jit3A_379 : i32
    %rem3A_384 = vector.broadcast %select_n3A_383 : i32 to vector<16xi32>
    %rem3A_385 = arith.remsi %add3A_378, %rem3A_384 : vector<16xi32>
    %ne3A_386 = arith.constant 0 : i32
    %ne3A_387 = vector.broadcast %ne3A_386 : i32 to vector<16xi32>
    %ne3A_388 = arith.cmpi ne, %rem3A_385, %ne3A_387 : vector<16xi32>
    %lt3A_389 = arith.constant 0 : i32
    %lt3A_390 = vector.broadcast %lt3A_389 : i32 to vector<16xi32>
    %lt3A_391 = arith.cmpi slt, %rem3A_385, %lt3A_390 : vector<16xi32>
    %lt3A_392 = arith.constant 0 : i32
    %lt3A_393 = arith.cmpi slt, %select_n3A_383, %lt3A_392 : i32
    %ne3A_394 = vector.broadcast %lt3A_393 : i1 to vector<16xi1>
    %ne3A_395 = vector.broadcast %ne3A_394 : vector<16xi1> to vector<16xi1>
    %ne3A_396 = arith.xori %lt3A_391, %ne3A_395 : vector<16xi1>
    %and3A_397 = arith.andi %ne3A_396, %ne3A_388 : vector<16xi1>
    %add3A_398 = vector.broadcast %select_n3A_383 : i32 to vector<16xi32>
    %add3A_399 = arith.addi %rem3A_385, %add3A_398 : vector<16xi32>
    %select_n3A_400 = arith.select %and3A_397, %add3A_399, %rem3A_385 : vector<16xi1>, vector<16xi32>
    %add3A_401 = arith.constant 0 : i32
    %add3A_402 = arith.addi %add3A, %add3A_401 : i32
    %mul3A_403 = arith.constant 256 : i32
    %mul3A_404 = arith.muli %add3A_402, %mul3A_403 : i32
    %dma_start3A = arith.constant 0 : i32
    %dma_start3A_405 = tpu.memref_slice %arg2[%dma_start3A, %mul3A_404] : memref<64x1000000xf32, #tpu.memory_space<hbm>> -> memref<64x256xf32, #tpu.memory_space<hbm>>
    %dma_start3A_406 = arith.constant 0 : i32
    %dma_start3A_407 = tpu.memref_slice %arg2[%dma_start3A_406, %mul3A_404] : memref<64x1000000xf32, #tpu.memory_space<hbm>> -> memref<64x256xf32, #tpu.memory_space<hbm>>
    tpu.enqueue_dma source(%dma_start3A_407 : memref<64x256xf32, #tpu.memory_space<hbm>>) target(%arg5 : memref<64x256xf32, #tpu.memory_space<vmem>>) target_semaphore(%arg9 : memref<!tpu.dma_semaphore, #tpu.memory_space<semaphore_mem>>)
    %gt3A = arith.constant 1 : i32
    %gt3A_408 = arith.cmpi sgt, %add3A_4, %gt3A : i32
    %convert_element_type3A = arith.extui %gt3A_408 : i1 to i32
    %cond3A = arith.constant 0 : i32
    %cond3A_409 = arith.cmpi ne, %convert_element_type3A, %cond3A : i32
    scf.if %cond3A_409 {
      %add3A_430 = arith.constant 32 : i32
      %add3A_431 = arith.addi %add3A, %add3A_430 : i32
      %mul3A_432 = arith.constant 256 : i32
      %mul3A_433 = arith.muli %add3A_431, %mul3A_432 : i32
      %dma_start3A_434 = arith.constant 0 : i32
      %dma_start3A_435 = tpu.memref_slice %arg2[%dma_start3A_434, %mul3A_433] : memref<64x1000000xf32, #tpu.memory_space<hbm>> -> memref<64x256xf32, #tpu.memory_space<hbm>>
      %dma_start3A_436 = arith.constant 0 : i32
      %dma_start3A_437 = tpu.memref_slice %arg2[%dma_start3A_436, %mul3A_433] : memref<64x1000000xf32, #tpu.memory_space<hbm>> -> memref<64x256xf32, #tpu.memory_space<hbm>>
      tpu.enqueue_dma source(%dma_start3A_437 : memref<64x256xf32, #tpu.memory_space<hbm>>) target(%arg6 : memref<64x256xf32, #tpu.memory_space<vmem>>) target_semaphore(%arg10 : memref<!tpu.dma_semaphore, #tpu.memory_space<semaphore_mem>>)
    } else {
    }
    %scan3A = arith.constant 0 : i32
    %scan3A_410 = arith.constant 0 : i32
    %scan3A_411 = arith.constant 62 : i32
    %scan3A_412 = arith.addi %scan3A_410, %scan3A_411 : i32
    %scan3A_413 = arith.constant 1 : i32
    scf.for %scan3A_430 = %scan3A_410 to %scan3A_412 step %scan3A_413  : i32 {
      %mul3A_431 = arith.constant 2 : i32
      %mul3A_432 = arith.muli %scan3A_430, %mul3A_431 : i32
      %add3A_433 = arith.constant 0 : i32
      %add3A_434 = arith.addi %mul3A_432, %add3A_433 : i32
      %lt3A_435 = arith.cmpi slt, %add3A_434, %add3A_4 : i32
      %convert_element_type3A_436 = arith.extui %lt3A_435 : i1 to i32
      %cond3A_437 = arith.constant 0 : i32
      %cond3A_438 = arith.cmpi ne, %convert_element_type3A_436, %cond3A_437 : i32
      scf.if %cond3A_438 {
        %mul3A_447 = arith.constant 32 : i32
        %mul3A_448 = arith.muli %add3A_434, %mul3A_447 : i32
        %add3A_449 = arith.addi %add3A, %mul3A_448 : i32
        %mul3A_450 = arith.constant 256 : i32
        %mul3A_451 = arith.muli %add3A_449, %mul3A_450 : i32
        %dma_wait3A = arith.constant 0 : i32
        %dma_wait3A_452 = tpu.memref_slice %arg2[%dma_wait3A, %mul3A_451] : memref<64x1000000xf32, #tpu.memory_space<hbm>> -> memref<64x256xf32, #tpu.memory_space<hbm>>
        %dma_wait3A_453 = arith.constant 0 : i32
        %dma_wait3A_454 = tpu.memref_slice %arg2[%dma_wait3A_453, %mul3A_451] : memref<64x1000000xf32, #tpu.memory_space<hbm>> -> memref<64x256xf32, #tpu.memory_space<hbm>>
        tpu.wait_dma2 semaphore(%arg9 : memref<!tpu.dma_semaphore, #tpu.memory_space<semaphore_mem>>) src(%dma_wait3A_454 : memref<64x256xf32, #tpu.memory_space<hbm>>) dst(%arg5 : memref<64x256xf32, #tpu.memory_space<vmem>>)
        %ge3A = arith.constant 2 : i32
        %ge3A_455 = arith.cmpi sge, %add3A_434, %ge3A : i32
        %convert_element_type3A_456 = arith.extui %ge3A_455 : i1 to i32
        %cond3A_457 = arith.constant 0 : i32
        %cond3A_458 = arith.cmpi ne, %convert_element_type3A_456, %cond3A_457 : i32
        scf.if %cond3A_458 {
          %mul3A_476 = arith.constant 32 : i32
          %mul3A_477 = arith.muli %add3A_434, %mul3A_476 : i32
          %add3A_478 = arith.addi %add3A, %mul3A_477 : i32
          %mul3A_479 = arith.constant 128 : i32
          %mul3A_480 = arith.muli %add3A_478, %mul3A_479 : i32
          %dma_wait3A_481 = arith.constant 0 : i32
          %dma_wait3A_482 = tpu.memref_slice %arg4[%mul3A_480, %dma_wait3A_481] : memref<500000x128xf32, #tpu.memory_space<hbm>> -> memref<128x128xf32, #tpu.memory_space<hbm>>
          %dma_wait3A_483 = arith.constant 0 : i32
          %dma_wait3A_484 = tpu.memref_slice %arg4[%mul3A_480, %dma_wait3A_483] : memref<500000x128xf32, #tpu.memory_space<hbm>> -> memref<128x128xf32, #tpu.memory_space<hbm>>
          tpu.wait_dma2 semaphore(%arg11 : memref<!tpu.dma_semaphore, #tpu.memory_space<semaphore_mem>>) src(%arg7 : memref<128x128xf32, #tpu.memory_space<vmem>>) dst(%dma_wait3A_484 : memref<128x128xf32, #tpu.memory_space<hbm>>)
        } else {
        }
        %parallel_loop3A = arith.constant 0 : i32
        %parallel_loop3A_459 = arith.constant 64 : i32
        %parallel_loop3A_460 = arith.constant 1 : i32
        scf.for %parallel_loop3A_476 = %parallel_loop3A to %parallel_loop3A_459 step %parallel_loop3A_460  : i32 {
          %parallel_loop3A_477 = arith.constant 8 : i32
          %parallel_loop3A_478 = arith.divsi %parallel_loop3A_476, %parallel_loop3A_477 : i32
          %parallel_loop3A_479 = arith.constant 0 : i32
          %parallel_loop3A_480 = arith.cmpi sgt, %parallel_loop3A_476, %parallel_loop3A_479 : i32
          %parallel_loop3A_481 = arith.extui %parallel_loop3A_480 : i1 to i32
          %parallel_loop3A_482 = arith.constant 0 : i32
          %parallel_loop3A_483 = arith.cmpi slt, %parallel_loop3A_476, %parallel_loop3A_482 : i32
          %parallel_loop3A_484 = arith.extui %parallel_loop3A_483 : i1 to i32
          %parallel_loop3A_485 = arith.subi %parallel_loop3A_481, %parallel_loop3A_484 : i32
          %parallel_loop3A_486 = arith.constant 0 : i32
          %parallel_loop3A_487 = arith.cmpi sgt, %parallel_loop3A_477, %parallel_loop3A_486 : i32
          %parallel_loop3A_488 = arith.extui %parallel_loop3A_487 : i1 to i32
          %parallel_loop3A_489 = arith.constant 0 : i32
          %parallel_loop3A_490 = arith.cmpi slt, %parallel_loop3A_477, %parallel_loop3A_489 : i32
          %parallel_loop3A_491 = arith.extui %parallel_loop3A_490 : i1 to i32
          %parallel_loop3A_492 = arith.subi %parallel_loop3A_488, %parallel_loop3A_491 : i32
          %parallel_loop3A_493 = arith.cmpi ne, %parallel_loop3A_485, %parallel_loop3A_492 : i32
          %parallel_loop3A_494 = arith.remsi %parallel_loop3A_476, %parallel_loop3A_477 : i32
          %parallel_loop3A_495 = arith.constant 0 : i32
          %parallel_loop3A_496 = arith.cmpi ne, %parallel_loop3A_494, %parallel_loop3A_495 : i32
          %parallel_loop3A_497 = arith.andi %parallel_loop3A_493, %parallel_loop3A_496 : i1
          %parallel_loop3A_498 = arith.constant 1 : i32
          %parallel_loop3A_499 = arith.subi %parallel_loop3A_478, %parallel_loop3A_498 : i32
          %parallel_loop3A_500 = arith.select %parallel_loop3A_497, %parallel_loop3A_499, %parallel_loop3A_478 : i32
          %parallel_loop3A_501 = arith.constant 8 : i32
          %parallel_loop3A_502 = arith.remsi %parallel_loop3A_476, %parallel_loop3A_501 : i32
          %parallel_loop3A_503 = arith.constant 4 : i32
          %parallel_loop3A_504 = arith.cmpi sge, %parallel_loop3A_502, %parallel_loop3A_503 : i32
          %parallel_loop3A_505 = arith.constant 1 : i32
          %parallel_loop3A_506 = arith.constant 0 : i32
          %parallel_loop3A_507 = arith.select %parallel_loop3A_504, %parallel_loop3A_505, %parallel_loop3A_506 : i32
          %parallel_loop3A_508 = arith.constant 2 : i32
          %parallel_loop3A_509 = vector.broadcast %parallel_loop3A_508 : i32 to vector<16xi32>
          %parallel_loop3A_510 = arith.muli %parallel_loop3A_509, %iota3A : vector<16xi32>
          %parallel_loop3A_511 = arith.constant 32 : i32
          %parallel_loop3A_512 = arith.muli %parallel_loop3A_511, %parallel_loop3A_500 : i32
          %parallel_loop3A_513 = arith.addi %parallel_loop3A_512, %parallel_loop3A_507 : i32
          %parallel_loop3A_514 = vector.broadcast %parallel_loop3A_513 : i32 to vector<16xi32>
          %parallel_loop3A_515 = arith.addi %parallel_loop3A_510, %parallel_loop3A_514 : vector<16xi32>
          %parallel_loop3A_516 = arith.constant 16 : i32
          %parallel_loop3A_517 = arith.muli %parallel_loop3A_516, %parallel_loop3A_500 : i32
          %parallel_loop3A_518 = vector.broadcast %parallel_loop3A_517 : i32 to vector<16xi32>
          %parallel_loop3A_519 = arith.addi %iota3A, %parallel_loop3A_518 : vector<16xi32>
          %parallel_loop3A_520 = arith.constant 4 : i32
          %parallel_loop3A_521 = arith.remsi %parallel_loop3A_502, %parallel_loop3A_520 : i32
          %parallel_loop3A_522 = arith.constant 16 : i32
          %parallel_loop3A_523 = arith.muli %parallel_loop3A_522, %parallel_loop3A_521 : i32
          %parallel_loop3A_524 = vector.broadcast %parallel_loop3A_523 : i32 to vector<16xi32>
          %parallel_loop3A_525 = arith.addi %parallel_loop3A_524, %select_n3A_25 : vector<16xi32>
          %parallel_loop3A_526 = tpu.vector_load_idx %arg5[%parallel_loop3A_525, %parallel_loop3A_515] : memref<64x256xf32, #tpu.memory_space<vmem>>[vector<16xi32>, vector<16xi32>], vector<16xf32>,
          %parallel_loop3A_527 = arith.constant 16 : i32
          %parallel_loop3A_528 = arith.muli %parallel_loop3A_527, %parallel_loop3A_502 : i32
          %parallel_loop3A_529 = vector.broadcast %parallel_loop3A_528 : i32 to vector<16xi32>
          %parallel_loop3A_530 = arith.addi %parallel_loop3A_529, %select_n3A_25 : vector<16xi32>
          tpu.vector_store_idx %arg7[%parallel_loop3A_519, %parallel_loop3A_530], %parallel_loop3A_526 : memref<128x128xf32, #tpu.memory_space<vmem>>[vector<16xi32>, vector<16xi32>], vector<16xf32>,
          %parallel_loop3A_531 = arith.constant 16 : i32
          %parallel_loop3A_532 = arith.muli %parallel_loop3A_531, %parallel_loop3A_521 : i32
          %parallel_loop3A_533 = vector.broadcast %parallel_loop3A_532 : i32 to vector<16xi32>
          %parallel_loop3A_534 = arith.addi %parallel_loop3A_533, %select_n3A_50 : vector<16xi32>
          %parallel_loop3A_535 = tpu.vector_load_idx %arg5[%parallel_loop3A_534, %parallel_loop3A_515] : memref<64x256xf32, #tpu.memory_space<vmem>>[vector<16xi32>, vector<16xi32>], vector<16xf32>,
          %parallel_loop3A_536 = arith.constant 16 : i32
          %parallel_loop3A_537 = arith.muli %parallel_loop3A_536, %parallel_loop3A_502 : i32
          %parallel_loop3A_538 = vector.broadcast %parallel_loop3A_537 : i32 to vector<16xi32>
          %parallel_loop3A_539 = arith.addi %parallel_loop3A_538, %select_n3A_50 : vector<16xi32>
          tpu.vector_store_idx %arg7[%parallel_loop3A_519, %parallel_loop3A_539], %parallel_loop3A_535 : memref<128x128xf32, #tpu.memory_space<vmem>>[vector<16xi32>, vector<16xi32>], vector<16xf32>,
          %parallel_loop3A_540 = arith.constant 16 : i32
          %parallel_loop3A_541 = arith.muli %parallel_loop3A_540, %parallel_loop3A_521 : i32
          %parallel_loop3A_542 = vector.broadcast %parallel_loop3A_541 : i32 to vector<16xi32>
          %parallel_loop3A_543 = arith.addi %parallel_loop3A_542, %select_n3A_75 : vector<16xi32>
          %parallel_loop3A_544 = tpu.vector_load_idx %arg5[%parallel_loop3A_543, %parallel_loop3A_515] : memref<64x256xf32, #tpu.memory_space<vmem>>[vector<16xi32>, vector<16xi32>], vector<16xf32>,
          %parallel_loop3A_545 = arith.constant 16 : i32
          %parallel_loop3A_546 = arith.muli %parallel_loop3A_545, %parallel_loop3A_502 : i32
          %parallel_loop3A_547 = vector.broadcast %parallel_loop3A_546 : i32 to vector<16xi32>
          %parallel_loop3A_548 = arith.addi %parallel_loop3A_547, %select_n3A_75 : vector<16xi32>
          tpu.vector_store_idx %arg7[%parallel_loop3A_519, %parallel_loop3A_548], %parallel_loop3A_544 : memref<128x128xf32, #tpu.memory_space<vmem>>[vector<16xi32>, vector<16xi32>], vector<16xf32>,
          %parallel_loop3A_549 = arith.constant 16 : i32
          %parallel_loop3A_550 = arith.muli %parallel_loop3A_549, %parallel_loop3A_521 : i32
          %parallel_loop3A_551 = vector.broadcast %parallel_loop3A_550 : i32 to vector<16xi32>
          %parallel_loop3A_552 = arith.addi %parallel_loop3A_551, %select_n3A_100 : vector<16xi32>
          %parallel_loop3A_553 = tpu.vector_load_idx %arg5[%parallel_loop3A_552, %parallel_loop3A_515] : memref<64x256xf32, #tpu.memory_space<vmem>>[vector<16xi32>, vector<16xi32>], vector<16xf32>,
          %parallel_loop3A_554 = arith.constant 16 : i32
          %parallel_loop3A_555 = arith.muli %parallel_loop3A_554, %parallel_loop3A_502 : i32
          %parallel_loop3A_556 = vector.broadcast %parallel_loop3A_555 : i32 to vector<16xi32>
          %parallel_loop3A_557 = arith.addi %parallel_loop3A_556, %select_n3A_100 : vector<16xi32>
          tpu.vector_store_idx %arg7[%parallel_loop3A_519, %parallel_loop3A_557], %parallel_loop3A_553 : memref<128x128xf32, #tpu.memory_space<vmem>>[vector<16xi32>, vector<16xi32>], vector<16xf32>,
          %parallel_loop3A_558 = arith.constant 16 : i32
          %parallel_loop3A_559 = arith.muli %parallel_loop3A_558, %parallel_loop3A_521 : i32
          %parallel_loop3A_560 = vector.broadcast %parallel_loop3A_559 : i32 to vector<16xi32>
          %parallel_loop3A_561 = arith.addi %parallel_loop3A_560, %select_n3A_125 : vector<16xi32>
          %parallel_loop3A_562 = tpu.vector_load_idx %arg5[%parallel_loop3A_561, %parallel_loop3A_515] : memref<64x256xf32, #tpu.memory_space<vmem>>[vector<16xi32>, vector<16xi32>], vector<16xf32>,
          %parallel_loop3A_563 = arith.constant 16 : i32
          %parallel_loop3A_564 = arith.muli %parallel_loop3A_563, %parallel_loop3A_502 : i32
          %parallel_loop3A_565 = vector.broadcast %parallel_loop3A_564 : i32 to vector<16xi32>
          %parallel_loop3A_566 = arith.addi %parallel_loop3A_565, %select_n3A_125 : vector<16xi32>
          tpu.vector_store_idx %arg7[%parallel_loop3A_519, %parallel_loop3A_566], %parallel_loop3A_562 : memref<128x128xf32, #tpu.memory_space<vmem>>[vector<16xi32>, vector<16xi32>], vector<16xf32>,
          %parallel_loop3A_567 = arith.constant 16 : i32
          %parallel_loop3A_568 = arith.muli %parallel_loop3A_567, %parallel_loop3A_521 : i32
          %parallel_loop3A_569 = vector.broadcast %parallel_loop3A_568 : i32 to vector<16xi32>
          %parallel_loop3A_570 = arith.addi %parallel_loop3A_569, %select_n3A_150 : vector<16xi32>
          %parallel_loop3A_571 = tpu.vector_load_idx %arg5[%parallel_loop3A_570, %parallel_loop3A_515] : memref<64x256xf32, #tpu.memory_space<vmem>>[vector<16xi32>, vector<16xi32>], vector<16xf32>,
          %parallel_loop3A_572 = arith.constant 16 : i32
          %parallel_loop3A_573 = arith.muli %parallel_loop3A_572, %parallel_loop3A_502 : i32
          %parallel_loop3A_574 = vector.broadcast %parallel_loop3A_573 : i32 to vector<16xi32>
          %parallel_loop3A_575 = arith.addi %parallel_loop3A_574, %select_n3A_150 : vector<16xi32>
          tpu.vector_store_idx %arg7[%parallel_loop3A_519, %parallel_loop3A_575], %parallel_loop3A_571 : memref<128x128xf32, #tpu.memory_space<vmem>>[vector<16xi32>, vector<16xi32>], vector<16xf32>,
          %parallel_loop3A_576 = arith.constant 16 : i32
          %parallel_loop3A_577 = arith.muli %parallel_loop3A_576, %parallel_loop3A_521 : i32
          %parallel_loop3A_578 = vector.broadcast %parallel_loop3A_577 : i32 to vector<16xi32>
          %parallel_loop3A_579 = arith.addi %parallel_loop3A_578, %select_n3A_175 : vector<16xi32>
          %parallel_loop3A_580 = tpu.vector_load_idx %arg5[%parallel_loop3A_579, %parallel_loop3A_515] : memref<64x256xf32, #tpu.memory_space<vmem>>[vector<16xi32>, vector<16xi32>], vector<16xf32>,
          %parallel_loop3A_581 = arith.constant 16 : i32
          %parallel_loop3A_582 = arith.muli %parallel_loop3A_581, %parallel_loop3A_502 : i32
          %parallel_loop3A_583 = vector.broadcast %parallel_loop3A_582 : i32 to vector<16xi32>
          %parallel_loop3A_584 = arith.addi %parallel_loop3A_583, %select_n3A_175 : vector<16xi32>
          tpu.vector_store_idx %arg7[%parallel_loop3A_519, %parallel_loop3A_584], %parallel_loop3A_580 : memref<128x128xf32, #tpu.memory_space<vmem>>[vector<16xi32>, vector<16xi32>], vector<16xf32>,
          %parallel_loop3A_585 = arith.constant 16 : i32
          %parallel_loop3A_586 = arith.muli %parallel_loop3A_585, %parallel_loop3A_521 : i32
          %parallel_loop3A_587 = vector.broadcast %parallel_loop3A_586 : i32 to vector<16xi32>
          %parallel_loop3A_588 = arith.addi %parallel_loop3A_587, %select_n3A_200 : vector<16xi32>
          %parallel_loop3A_589 = tpu.vector_load_idx %arg5[%parallel_loop3A_588, %parallel_loop3A_515] : memref<64x256xf32, #tpu.memory_space<vmem>>[vector<16xi32>, vector<16xi32>], vector<16xf32>,
          %parallel_loop3A_590 = arith.constant 16 : i32
          %parallel_loop3A_591 = arith.muli %parallel_loop3A_590, %parallel_loop3A_502 : i32
          %parallel_loop3A_592 = vector.broadcast %parallel_loop3A_591 : i32 to vector<16xi32>
          %parallel_loop3A_593 = arith.addi %parallel_loop3A_592, %select_n3A_200 : vector<16xi32>
          tpu.vector_store_idx %arg7[%parallel_loop3A_519, %parallel_loop3A_593], %parallel_loop3A_589 : memref<128x128xf32, #tpu.memory_space<vmem>>[vector<16xi32>, vector<16xi32>], vector<16xf32>,
          %parallel_loop3A_594 = arith.constant 16 : i32
          %parallel_loop3A_595 = arith.muli %parallel_loop3A_594, %parallel_loop3A_521 : i32
          %parallel_loop3A_596 = vector.broadcast %parallel_loop3A_595 : i32 to vector<16xi32>
          %parallel_loop3A_597 = arith.addi %parallel_loop3A_596, %select_n3A_225 : vector<16xi32>
          %parallel_loop3A_598 = tpu.vector_load_idx %arg5[%parallel_loop3A_597, %parallel_loop3A_515] : memref<64x256xf32, #tpu.memory_space<vmem>>[vector<16xi32>, vector<16xi32>], vector<16xf32>,
          %parallel_loop3A_599 = arith.constant 16 : i32
          %parallel_loop3A_600 = arith.muli %parallel_loop3A_599, %parallel_loop3A_502 : i32
          %parallel_loop3A_601 = vector.broadcast %parallel_loop3A_600 : i32 to vector<16xi32>
          %parallel_loop3A_602 = arith.addi %parallel_loop3A_601, %select_n3A_225 : vector<16xi32>
          tpu.vector_store_idx %arg7[%parallel_loop3A_519, %parallel_loop3A_602], %parallel_loop3A_598 : memref<128x128xf32, #tpu.memory_space<vmem>>[vector<16xi32>, vector<16xi32>], vector<16xf32>,
          %parallel_loop3A_603 = arith.constant 16 : i32
          %parallel_loop3A_604 = arith.muli %parallel_loop3A_603, %parallel_loop3A_521 : i32
          %parallel_loop3A_605 = vector.broadcast %parallel_loop3A_604 : i32 to vector<16xi32>
          %parallel_loop3A_606 = arith.addi %parallel_loop3A_605, %select_n3A_250 : vector<16xi32>
          %parallel_loop3A_607 = tpu.vector_load_idx %arg5[%parallel_loop3A_606, %parallel_loop3A_515] : memref<64x256xf32, #tpu.memory_space<vmem>>[vector<16xi32>, vector<16xi32>], vector<16xf32>,
          %parallel_loop3A_608 = arith.constant 16 : i32
          %parallel_loop3A_609 = arith.muli %parallel_loop3A_608, %parallel_loop3A_502 : i32
          %parallel_loop3A_610 = vector.broadcast %parallel_loop3A_609 : i32 to vector<16xi32>
          %parallel_loop3A_611 = arith.addi %parallel_loop3A_610, %select_n3A_250 : vector<16xi32>
          tpu.vector_store_idx %arg7[%parallel_loop3A_519, %parallel_loop3A_611], %parallel_loop3A_607 : memref<128x128xf32, #tpu.memory_space<vmem>>[vector<16xi32>, vector<16xi32>], vector<16xf32>,
          %parallel_loop3A_612 = arith.constant 16 : i32
          %parallel_loop3A_613 = arith.muli %parallel_loop3A_612, %parallel_loop3A_521 : i32
          %parallel_loop3A_614 = vector.broadcast %parallel_loop3A_613 : i32 to vector<16xi32>
          %parallel_loop3A_615 = arith.addi %parallel_loop3A_614, %select_n3A_275 : vector<16xi32>
          %parallel_loop3A_616 = tpu.vector_load_idx %arg5[%parallel_loop3A_615, %parallel_loop3A_515] : memref<64x256xf32, #tpu.memory_space<vmem>>[vector<16xi32>, vector<16xi32>], vector<16xf32>,
          %parallel_loop3A_617 = arith.constant 16 : i32
          %parallel_loop3A_618 = arith.muli %parallel_loop3A_617, %parallel_loop3A_502 : i32
          %parallel_loop3A_619 = vector.broadcast %parallel_loop3A_618 : i32 to vector<16xi32>
          %parallel_loop3A_620 = arith.addi %parallel_loop3A_619, %select_n3A_275 : vector<16xi32>
          tpu.vector_store_idx %arg7[%parallel_loop3A_519, %parallel_loop3A_620], %parallel_loop3A_616 : memref<128x128xf32, #tpu.memory_space<vmem>>[vector<16xi32>, vector<16xi32>], vector<16xf32>,
          %parallel_loop3A_621 = arith.constant 16 : i32
          %parallel_loop3A_622 = arith.muli %parallel_loop3A_621, %parallel_loop3A_521 : i32
          %parallel_loop3A_623 = vector.broadcast %parallel_loop3A_622 : i32 to vector<16xi32>
          %parallel_loop3A_624 = arith.addi %parallel_loop3A_623, %select_n3A_300 : vector<16xi32>
          %parallel_loop3A_625 = tpu.vector_load_idx %arg5[%parallel_loop3A_624, %parallel_loop3A_515] : memref<64x256xf32, #tpu.memory_space<vmem>>[vector<16xi32>, vector<16xi32>], vector<16xf32>,
          %parallel_loop3A_626 = arith.constant 16 : i32
          %parallel_loop3A_627 = arith.muli %parallel_loop3A_626, %parallel_loop3A_502 : i32
          %parallel_loop3A_628 = vector.broadcast %parallel_loop3A_627 : i32 to vector<16xi32>
          %parallel_loop3A_629 = arith.addi %parallel_loop3A_628, %select_n3A_300 : vector<16xi32>
          tpu.vector_store_idx %arg7[%parallel_loop3A_519, %parallel_loop3A_629], %parallel_loop3A_625 : memref<128x128xf32, #tpu.memory_space<vmem>>[vector<16xi32>, vector<16xi32>], vector<16xf32>,
          %parallel_loop3A_630 = arith.constant 16 : i32
          %parallel_loop3A_631 = arith.muli %parallel_loop3A_630, %parallel_loop3A_521 : i32
          %parallel_loop3A_632 = vector.broadcast %parallel_loop3A_631 : i32 to vector<16xi32>
          %parallel_loop3A_633 = arith.addi %parallel_loop3A_632, %select_n3A_325 : vector<16xi32>
          %parallel_loop3A_634 = tpu.vector_load_idx %arg5[%parallel_loop3A_633, %parallel_loop3A_515] : memref<64x256xf32, #tpu.memory_space<vmem>>[vector<16xi32>, vector<16xi32>], vector<16xf32>,
          %parallel_loop3A_635 = arith.constant 16 : i32
          %parallel_loop3A_636 = arith.muli %parallel_loop3A_635, %parallel_loop3A_502 : i32
          %parallel_loop3A_637 = vector.broadcast %parallel_loop3A_636 : i32 to vector<16xi32>
          %parallel_loop3A_638 = arith.addi %parallel_loop3A_637, %select_n3A_325 : vector<16xi32>
          tpu.vector_store_idx %arg7[%parallel_loop3A_519, %parallel_loop3A_638], %parallel_loop3A_634 : memref<128x128xf32, #tpu.memory_space<vmem>>[vector<16xi32>, vector<16xi32>], vector<16xf32>,
          %parallel_loop3A_639 = arith.constant 16 : i32
          %parallel_loop3A_640 = arith.muli %parallel_loop3A_639, %parallel_loop3A_521 : i32
          %parallel_loop3A_641 = vector.broadcast %parallel_loop3A_640 : i32 to vector<16xi32>
          %parallel_loop3A_642 = arith.addi %parallel_loop3A_641, %select_n3A_350 : vector<16xi32>
          %parallel_loop3A_643 = tpu.vector_load_idx %arg5[%parallel_loop3A_642, %parallel_loop3A_515] : memref<64x256xf32, #tpu.memory_space<vmem>>[vector<16xi32>, vector<16xi32>], vector<16xf32>,
          %parallel_loop3A_644 = arith.constant 16 : i32
          %parallel_loop3A_645 = arith.muli %parallel_loop3A_644, %parallel_loop3A_502 : i32
          %parallel_loop3A_646 = vector.broadcast %parallel_loop3A_645 : i32 to vector<16xi32>
          %parallel_loop3A_647 = arith.addi %parallel_loop3A_646, %select_n3A_350 : vector<16xi32>
          tpu.vector_store_idx %arg7[%parallel_loop3A_519, %parallel_loop3A_647], %parallel_loop3A_643 : memref<128x128xf32, #tpu.memory_space<vmem>>[vector<16xi32>, vector<16xi32>], vector<16xf32>,
          %parallel_loop3A_648 = arith.constant 16 : i32
          %parallel_loop3A_649 = arith.muli %parallel_loop3A_648, %parallel_loop3A_521 : i32
          %parallel_loop3A_650 = vector.broadcast %parallel_loop3A_649 : i32 to vector<16xi32>
          %parallel_loop3A_651 = arith.addi %parallel_loop3A_650, %select_n3A_375 : vector<16xi32>
          %parallel_loop3A_652 = tpu.vector_load_idx %arg5[%parallel_loop3A_651, %parallel_loop3A_515] : memref<64x256xf32, #tpu.memory_space<vmem>>[vector<16xi32>, vector<16xi32>], vector<16xf32>,
          %parallel_loop3A_653 = arith.constant 16 : i32
          %parallel_loop3A_654 = arith.muli %parallel_loop3A_653, %parallel_loop3A_502 : i32
          %parallel_loop3A_655 = vector.broadcast %parallel_loop3A_654 : i32 to vector<16xi32>
          %parallel_loop3A_656 = arith.addi %parallel_loop3A_655, %select_n3A_375 : vector<16xi32>
          tpu.vector_store_idx %arg7[%parallel_loop3A_519, %parallel_loop3A_656], %parallel_loop3A_652 : memref<128x128xf32, #tpu.memory_space<vmem>>[vector<16xi32>, vector<16xi32>], vector<16xf32>,
          %parallel_loop3A_657 = arith.constant 16 : i32
          %parallel_loop3A_658 = arith.muli %parallel_loop3A_657, %parallel_loop3A_521 : i32
          %parallel_loop3A_659 = vector.broadcast %parallel_loop3A_658 : i32 to vector<16xi32>
          %parallel_loop3A_660 = arith.addi %parallel_loop3A_659, %select_n3A_400 : vector<16xi32>
          %parallel_loop3A_661 = tpu.vector_load_idx %arg5[%parallel_loop3A_660, %parallel_loop3A_515] : memref<64x256xf32, #tpu.memory_space<vmem>>[vector<16xi32>, vector<16xi32>], vector<16xf32>,
          %parallel_loop3A_662 = arith.constant 16 : i32
          %parallel_loop3A_663 = arith.muli %parallel_loop3A_662, %parallel_loop3A_502 : i32
          %parallel_loop3A_664 = vector.broadcast %parallel_loop3A_663 : i32 to vector<16xi32>
          %parallel_loop3A_665 = arith.addi %parallel_loop3A_664, %select_n3A_400 : vector<16xi32>
          tpu.vector_store_idx %arg7[%parallel_loop3A_519, %parallel_loop3A_665], %parallel_loop3A_661 : memref<128x128xf32, #tpu.memory_space<vmem>>[vector<16xi32>, vector<16xi32>], vector<16xf32>,
        } {sc.loop_unroll_factor = 4 : i64, sc.parallel_access}
        %mul3A_461 = arith.constant 32 : i32
        %mul3A_462 = arith.muli %add3A_434, %mul3A_461 : i32
        %add3A_463 = arith.addi %add3A, %mul3A_462 : i32
        %mul3A_464 = arith.constant 128 : i32
        %mul3A_465 = arith.muli %add3A_463, %mul3A_464 : i32
        %dma_start3A_466 = arith.constant 0 : i32
        %dma_start3A_467 = tpu.memref_slice %arg4[%mul3A_465, %dma_start3A_466] : memref<500000x128xf32, #tpu.memory_space<hbm>> -> memref<128x128xf32, #tpu.memory_space<hbm>>
        %dma_start3A_468 = arith.constant 0 : i32
        %dma_start3A_469 = tpu.memref_slice %arg4[%mul3A_465, %dma_start3A_468] : memref<500000x128xf32, #tpu.memory_space<hbm>> -> memref<128x128xf32, #tpu.memory_space<hbm>>
        tpu.enqueue_dma source(%arg7 : memref<128x128xf32, #tpu.memory_space<vmem>>) target(%dma_start3A_469 : memref<128x128xf32, #tpu.memory_space<hbm>>) target_semaphore(%arg11 : memref<!tpu.dma_semaphore, #tpu.memory_space<semaphore_mem>>)
        %add3A_470 = arith.constant 2 : i32
        %add3A_471 = arith.addi %add3A_434, %add3A_470 : i32
        %lt3A_472 = arith.cmpi slt, %add3A_471, %add3A_4 : i32
        %convert_element_type3A_473 = arith.extui %lt3A_472 : i1 to i32
        %cond3A_474 = arith.constant 0 : i32
        %cond3A_475 = arith.cmpi ne, %convert_element_type3A_473, %cond3A_474 : i32
        scf.if %cond3A_475 {
          %add3A_476 = arith.constant 2 : i32
          %add3A_477 = arith.addi %add3A_434, %add3A_476 : i32
          %mul3A_478 = arith.constant 32 : i32
          %mul3A_479 = arith.muli %add3A_477, %mul3A_478 : i32
          %add3A_480 = arith.addi %add3A, %mul3A_479 : i32
          %mul3A_481 = arith.constant 256 : i32
          %mul3A_482 = arith.muli %add3A_480, %mul3A_481 : i32
          %dma_start3A_483 = arith.constant 0 : i32
          %dma_start3A_484 = tpu.memref_slice %arg2[%dma_start3A_483, %mul3A_482] : memref<64x1000000xf32, #tpu.memory_space<hbm>> -> memref<64x256xf32, #tpu.memory_space<hbm>>
          %dma_start3A_485 = arith.constant 0 : i32
          %dma_start3A_486 = tpu.memref_slice %arg2[%dma_start3A_485, %mul3A_482] : memref<64x1000000xf32, #tpu.memory_space<hbm>> -> memref<64x256xf32, #tpu.memory_space<hbm>>
          tpu.enqueue_dma source(%dma_start3A_486 : memref<64x256xf32, #tpu.memory_space<hbm>>) target(%arg5 : memref<64x256xf32, #tpu.memory_space<vmem>>) target_semaphore(%arg9 : memref<!tpu.dma_semaphore, #tpu.memory_space<semaphore_mem>>)
        } else {
        }
      } else {
      }
      %mul3A_439 = arith.constant 2 : i32
      %mul3A_440 = arith.muli %scan3A_430, %mul3A_439 : i32
      %add3A_441 = arith.constant 1 : i32
      %add3A_442 = arith.addi %mul3A_440, %add3A_441 : i32
      %lt3A_443 = arith.cmpi slt, %add3A_442, %add3A_4 : i32
      %convert_element_type3A_444 = arith.extui %lt3A_443 : i1 to i32
      %cond3A_445 = arith.constant 0 : i32
      %cond3A_446 = arith.cmpi ne, %convert_element_type3A_444, %cond3A_445 : i32
      scf.if %cond3A_446 {
        %mul3A_447 = arith.constant 32 : i32
        %mul3A_448 = arith.muli %add3A_442, %mul3A_447 : i32
        %add3A_449 = arith.addi %add3A, %mul3A_448 : i32
        %mul3A_450 = arith.constant 256 : i32
        %mul3A_451 = arith.muli %add3A_449, %mul3A_450 : i32
        %dma_wait3A = arith.constant 0 : i32
        %dma_wait3A_452 = tpu.memref_slice %arg2[%dma_wait3A, %mul3A_451] : memref<64x1000000xf32, #tpu.memory_space<hbm>> -> memref<64x256xf32, #tpu.memory_space<hbm>>
        %dma_wait3A_453 = arith.constant 0 : i32
        %dma_wait3A_454 = tpu.memref_slice %arg2[%dma_wait3A_453, %mul3A_451] : memref<64x1000000xf32, #tpu.memory_space<hbm>> -> memref<64x256xf32, #tpu.memory_space<hbm>>
        tpu.wait_dma2 semaphore(%arg10 : memref<!tpu.dma_semaphore, #tpu.memory_space<semaphore_mem>>) src(%dma_wait3A_454 : memref<64x256xf32, #tpu.memory_space<hbm>>) dst(%arg6 : memref<64x256xf32, #tpu.memory_space<vmem>>)
        %ge3A = arith.constant 2 : i32
        %ge3A_455 = arith.cmpi sge, %add3A_442, %ge3A : i32
        %convert_element_type3A_456 = arith.extui %ge3A_455 : i1 to i32
        %cond3A_457 = arith.constant 0 : i32
        %cond3A_458 = arith.cmpi ne, %convert_element_type3A_456, %cond3A_457 : i32
        scf.if %cond3A_458 {
          %mul3A_476 = arith.constant 32 : i32
          %mul3A_477 = arith.muli %add3A_442, %mul3A_476 : i32
          %add3A_478 = arith.addi %add3A, %mul3A_477 : i32
          %mul3A_479 = arith.constant 128 : i32
          %mul3A_480 = arith.muli %add3A_478, %mul3A_479 : i32
          %dma_wait3A_481 = arith.constant 0 : i32
          %dma_wait3A_482 = tpu.memref_slice %arg4[%mul3A_480, %dma_wait3A_481] : memref<500000x128xf32, #tpu.memory_space<hbm>> -> memref<128x128xf32, #tpu.memory_space<hbm>>
          %dma_wait3A_483 = arith.constant 0 : i32
          %dma_wait3A_484 = tpu.memref_slice %arg4[%mul3A_480, %dma_wait3A_483] : memref<500000x128xf32, #tpu.memory_space<hbm>> -> memref<128x128xf32, #tpu.memory_space<hbm>>
          tpu.wait_dma2 semaphore(%arg12 : memref<!tpu.dma_semaphore, #tpu.memory_space<semaphore_mem>>) src(%arg8 : memref<128x128xf32, #tpu.memory_space<vmem>>) dst(%dma_wait3A_484 : memref<128x128xf32, #tpu.memory_space<hbm>>)
        } else {
        }
        %parallel_loop3A = arith.constant 0 : i32
        %parallel_loop3A_459 = arith.constant 64 : i32
        %parallel_loop3A_460 = arith.constant 1 : i32
        scf.for %parallel_loop3A_476 = %parallel_loop3A to %parallel_loop3A_459 step %parallel_loop3A_460  : i32 {
          %parallel_loop3A_477 = arith.constant 8 : i32
          %parallel_loop3A_478 = arith.divsi %parallel_loop3A_476, %parallel_loop3A_477 : i32
          %parallel_loop3A_479 = arith.constant 0 : i32
          %parallel_loop3A_480 = arith.cmpi sgt, %parallel_loop3A_476, %parallel_loop3A_479 : i32
          %parallel_loop3A_481 = arith.extui %parallel_loop3A_480 : i1 to i32
          %parallel_loop3A_482 = arith.constant 0 : i32
          %parallel_loop3A_483 = arith.cmpi slt, %parallel_loop3A_476, %parallel_loop3A_482 : i32
          %parallel_loop3A_484 = arith.extui %parallel_loop3A_483 : i1 to i32
          %parallel_loop3A_485 = arith.subi %parallel_loop3A_481, %parallel_loop3A_484 : i32
          %parallel_loop3A_486 = arith.constant 0 : i32
          %parallel_loop3A_487 = arith.cmpi sgt, %parallel_loop3A_477, %parallel_loop3A_486 : i32
          %parallel_loop3A_488 = arith.extui %parallel_loop3A_487 : i1 to i32
          %parallel_loop3A_489 = arith.constant 0 : i32
          %parallel_loop3A_490 = arith.cmpi slt, %parallel_loop3A_477, %parallel_loop3A_489 : i32
          %parallel_loop3A_491 = arith.extui %parallel_loop3A_490 : i1 to i32
          %parallel_loop3A_492 = arith.subi %parallel_loop3A_488, %parallel_loop3A_491 : i32
          %parallel_loop3A_493 = arith.cmpi ne, %parallel_loop3A_485, %parallel_loop3A_492 : i32
          %parallel_loop3A_494 = arith.remsi %parallel_loop3A_476, %parallel_loop3A_477 : i32
          %parallel_loop3A_495 = arith.constant 0 : i32
          %parallel_loop3A_496 = arith.cmpi ne, %parallel_loop3A_494, %parallel_loop3A_495 : i32
          %parallel_loop3A_497 = arith.andi %parallel_loop3A_493, %parallel_loop3A_496 : i1
          %parallel_loop3A_498 = arith.constant 1 : i32
          %parallel_loop3A_499 = arith.subi %parallel_loop3A_478, %parallel_loop3A_498 : i32
          %parallel_loop3A_500 = arith.select %parallel_loop3A_497, %parallel_loop3A_499, %parallel_loop3A_478 : i32
          %parallel_loop3A_501 = arith.constant 8 : i32
          %parallel_loop3A_502 = arith.remsi %parallel_loop3A_476, %parallel_loop3A_501 : i32
          %parallel_loop3A_503 = arith.constant 4 : i32
          %parallel_loop3A_504 = arith.cmpi sge, %parallel_loop3A_502, %parallel_loop3A_503 : i32
          %parallel_loop3A_505 = arith.constant 1 : i32
          %parallel_loop3A_506 = arith.constant 0 : i32
          %parallel_loop3A_507 = arith.select %parallel_loop3A_504, %parallel_loop3A_505, %parallel_loop3A_506 : i32
          %parallel_loop3A_508 = arith.constant 2 : i32
          %parallel_loop3A_509 = vector.broadcast %parallel_loop3A_508 : i32 to vector<16xi32>
          %parallel_loop3A_510 = arith.muli %parallel_loop3A_509, %iota3A : vector<16xi32>
          %parallel_loop3A_511 = arith.constant 32 : i32
          %parallel_loop3A_512 = arith.muli %parallel_loop3A_511, %parallel_loop3A_500 : i32
          %parallel_loop3A_513 = arith.addi %parallel_loop3A_512, %parallel_loop3A_507 : i32
          %parallel_loop3A_514 = vector.broadcast %parallel_loop3A_513 : i32 to vector<16xi32>
          %parallel_loop3A_515 = arith.addi %parallel_loop3A_510, %parallel_loop3A_514 : vector<16xi32>
          %parallel_loop3A_516 = arith.constant 16 : i32
          %parallel_loop3A_517 = arith.muli %parallel_loop3A_516, %parallel_loop3A_500 : i32
          %parallel_loop3A_518 = vector.broadcast %parallel_loop3A_517 : i32 to vector<16xi32>
          %parallel_loop3A_519 = arith.addi %iota3A, %parallel_loop3A_518 : vector<16xi32>
          %parallel_loop3A_520 = arith.constant 4 : i32
          %parallel_loop3A_521 = arith.remsi %parallel_loop3A_502, %parallel_loop3A_520 : i32
          %parallel_loop3A_522 = arith.constant 16 : i32
          %parallel_loop3A_523 = arith.muli %parallel_loop3A_522, %parallel_loop3A_521 : i32
          %parallel_loop3A_524 = vector.broadcast %parallel_loop3A_523 : i32 to vector<16xi32>
          %parallel_loop3A_525 = arith.addi %parallel_loop3A_524, %select_n3A_25 : vector<16xi32>
          %parallel_loop3A_526 = tpu.vector_load_idx %arg6[%parallel_loop3A_525, %parallel_loop3A_515] : memref<64x256xf32, #tpu.memory_space<vmem>>[vector<16xi32>, vector<16xi32>], vector<16xf32>,
          %parallel_loop3A_527 = arith.constant 16 : i32
          %parallel_loop3A_528 = arith.muli %parallel_loop3A_527, %parallel_loop3A_502 : i32
          %parallel_loop3A_529 = vector.broadcast %parallel_loop3A_528 : i32 to vector<16xi32>
          %parallel_loop3A_530 = arith.addi %parallel_loop3A_529, %select_n3A_25 : vector<16xi32>
          tpu.vector_store_idx %arg8[%parallel_loop3A_519, %parallel_loop3A_530], %parallel_loop3A_526 : memref<128x128xf32, #tpu.memory_space<vmem>>[vector<16xi32>, vector<16xi32>], vector<16xf32>,
          %parallel_loop3A_531 = arith.constant 16 : i32
          %parallel_loop3A_532 = arith.muli %parallel_loop3A_531, %parallel_loop3A_521 : i32
          %parallel_loop3A_533 = vector.broadcast %parallel_loop3A_532 : i32 to vector<16xi32>
          %parallel_loop3A_534 = arith.addi %parallel_loop3A_533, %select_n3A_50 : vector<16xi32>
          %parallel_loop3A_535 = tpu.vector_load_idx %arg6[%parallel_loop3A_534, %parallel_loop3A_515] : memref<64x256xf32, #tpu.memory_space<vmem>>[vector<16xi32>, vector<16xi32>], vector<16xf32>,
          %parallel_loop3A_536 = arith.constant 16 : i32
          %parallel_loop3A_537 = arith.muli %parallel_loop3A_536, %parallel_loop3A_502 : i32
          %parallel_loop3A_538 = vector.broadcast %parallel_loop3A_537 : i32 to vector<16xi32>
          %parallel_loop3A_539 = arith.addi %parallel_loop3A_538, %select_n3A_50 : vector<16xi32>
          tpu.vector_store_idx %arg8[%parallel_loop3A_519, %parallel_loop3A_539], %parallel_loop3A_535 : memref<128x128xf32, #tpu.memory_space<vmem>>[vector<16xi32>, vector<16xi32>], vector<16xf32>,
          %parallel_loop3A_540 = arith.constant 16 : i32
          %parallel_loop3A_541 = arith.muli %parallel_loop3A_540, %parallel_loop3A_521 : i32
          %parallel_loop3A_542 = vector.broadcast %parallel_loop3A_541 : i32 to vector<16xi32>
          %parallel_loop3A_543 = arith.addi %parallel_loop3A_542, %select_n3A_75 : vector<16xi32>
          %parallel_loop3A_544 = tpu.vector_load_idx %arg6[%parallel_loop3A_543, %parallel_loop3A_515] : memref<64x256xf32, #tpu.memory_space<vmem>>[vector<16xi32>, vector<16xi32>], vector<16xf32>,
          %parallel_loop3A_545 = arith.constant 16 : i32
          %parallel_loop3A_546 = arith.muli %parallel_loop3A_545, %parallel_loop3A_502 : i32
          %parallel_loop3A_547 = vector.broadcast %parallel_loop3A_546 : i32 to vector<16xi32>
          %parallel_loop3A_548 = arith.addi %parallel_loop3A_547, %select_n3A_75 : vector<16xi32>
          tpu.vector_store_idx %arg8[%parallel_loop3A_519, %parallel_loop3A_548], %parallel_loop3A_544 : memref<128x128xf32, #tpu.memory_space<vmem>>[vector<16xi32>, vector<16xi32>], vector<16xf32>,
          %parallel_loop3A_549 = arith.constant 16 : i32
          %parallel_loop3A_550 = arith.muli %parallel_loop3A_549, %parallel_loop3A_521 : i32
          %parallel_loop3A_551 = vector.broadcast %parallel_loop3A_550 : i32 to vector<16xi32>
          %parallel_loop3A_552 = arith.addi %parallel_loop3A_551, %select_n3A_100 : vector<16xi32>
          %parallel_loop3A_553 = tpu.vector_load_idx %arg6[%parallel_loop3A_552, %parallel_loop3A_515] : memref<64x256xf32, #tpu.memory_space<vmem>>[vector<16xi32>, vector<16xi32>], vector<16xf32>,
          %parallel_loop3A_554 = arith.constant 16 : i32
          %parallel_loop3A_555 = arith.muli %parallel_loop3A_554, %parallel_loop3A_502 : i32
          %parallel_loop3A_556 = vector.broadcast %parallel_loop3A_555 : i32 to vector<16xi32>
          %parallel_loop3A_557 = arith.addi %parallel_loop3A_556, %select_n3A_100 : vector<16xi32>
          tpu.vector_store_idx %arg8[%parallel_loop3A_519, %parallel_loop3A_557], %parallel_loop3A_553 : memref<128x128xf32, #tpu.memory_space<vmem>>[vector<16xi32>, vector<16xi32>], vector<16xf32>,
          %parallel_loop3A_558 = arith.constant 16 : i32
          %parallel_loop3A_559 = arith.muli %parallel_loop3A_558, %parallel_loop3A_521 : i32
          %parallel_loop3A_560 = vector.broadcast %parallel_loop3A_559 : i32 to vector<16xi32>
          %parallel_loop3A_561 = arith.addi %parallel_loop3A_560, %select_n3A_125 : vector<16xi32>
          %parallel_loop3A_562 = tpu.vector_load_idx %arg6[%parallel_loop3A_561, %parallel_loop3A_515] : memref<64x256xf32, #tpu.memory_space<vmem>>[vector<16xi32>, vector<16xi32>], vector<16xf32>,
          %parallel_loop3A_563 = arith.constant 16 : i32
          %parallel_loop3A_564 = arith.muli %parallel_loop3A_563, %parallel_loop3A_502 : i32
          %parallel_loop3A_565 = vector.broadcast %parallel_loop3A_564 : i32 to vector<16xi32>
          %parallel_loop3A_566 = arith.addi %parallel_loop3A_565, %select_n3A_125 : vector<16xi32>
          tpu.vector_store_idx %arg8[%parallel_loop3A_519, %parallel_loop3A_566], %parallel_loop3A_562 : memref<128x128xf32, #tpu.memory_space<vmem>>[vector<16xi32>, vector<16xi32>], vector<16xf32>,
          %parallel_loop3A_567 = arith.constant 16 : i32
          %parallel_loop3A_568 = arith.muli %parallel_loop3A_567, %parallel_loop3A_521 : i32
          %parallel_loop3A_569 = vector.broadcast %parallel_loop3A_568 : i32 to vector<16xi32>
          %parallel_loop3A_570 = arith.addi %parallel_loop3A_569, %select_n3A_150 : vector<16xi32>
          %parallel_loop3A_571 = tpu.vector_load_idx %arg6[%parallel_loop3A_570, %parallel_loop3A_515] : memref<64x256xf32, #tpu.memory_space<vmem>>[vector<16xi32>, vector<16xi32>], vector<16xf32>,
          %parallel_loop3A_572 = arith.constant 16 : i32
          %parallel_loop3A_573 = arith.muli %parallel_loop3A_572, %parallel_loop3A_502 : i32
          %parallel_loop3A_574 = vector.broadcast %parallel_loop3A_573 : i32 to vector<16xi32>
          %parallel_loop3A_575 = arith.addi %parallel_loop3A_574, %select_n3A_150 : vector<16xi32>
          tpu.vector_store_idx %arg8[%parallel_loop3A_519, %parallel_loop3A_575], %parallel_loop3A_571 : memref<128x128xf32, #tpu.memory_space<vmem>>[vector<16xi32>, vector<16xi32>], vector<16xf32>,
          %parallel_loop3A_576 = arith.constant 16 : i32
          %parallel_loop3A_577 = arith.muli %parallel_loop3A_576, %parallel_loop3A_521 : i32
          %parallel_loop3A_578 = vector.broadcast %parallel_loop3A_577 : i32 to vector<16xi32>
          %parallel_loop3A_579 = arith.addi %parallel_loop3A_578, %select_n3A_175 : vector<16xi32>
          %parallel_loop3A_580 = tpu.vector_load_idx %arg6[%parallel_loop3A_579, %parallel_loop3A_515] : memref<64x256xf32, #tpu.memory_space<vmem>>[vector<16xi32>, vector<16xi32>], vector<16xf32>,
          %parallel_loop3A_581 = arith.constant 16 : i32
          %parallel_loop3A_582 = arith.muli %parallel_loop3A_581, %parallel_loop3A_502 : i32
          %parallel_loop3A_583 = vector.broadcast %parallel_loop3A_582 : i32 to vector<16xi32>
          %parallel_loop3A_584 = arith.addi %parallel_loop3A_583, %select_n3A_175 : vector<16xi32>
          tpu.vector_store_idx %arg8[%parallel_loop3A_519, %parallel_loop3A_584], %parallel_loop3A_580 : memref<128x128xf32, #tpu.memory_space<vmem>>[vector<16xi32>, vector<16xi32>], vector<16xf32>,
          %parallel_loop3A_585 = arith.constant 16 : i32
          %parallel_loop3A_586 = arith.muli %parallel_loop3A_585, %parallel_loop3A_521 : i32
          %parallel_loop3A_587 = vector.broadcast %parallel_loop3A_586 : i32 to vector<16xi32>
          %parallel_loop3A_588 = arith.addi %parallel_loop3A_587, %select_n3A_200 : vector<16xi32>
          %parallel_loop3A_589 = tpu.vector_load_idx %arg6[%parallel_loop3A_588, %parallel_loop3A_515] : memref<64x256xf32, #tpu.memory_space<vmem>>[vector<16xi32>, vector<16xi32>], vector<16xf32>,
          %parallel_loop3A_590 = arith.constant 16 : i32
          %parallel_loop3A_591 = arith.muli %parallel_loop3A_590, %parallel_loop3A_502 : i32
          %parallel_loop3A_592 = vector.broadcast %parallel_loop3A_591 : i32 to vector<16xi32>
          %parallel_loop3A_593 = arith.addi %parallel_loop3A_592, %select_n3A_200 : vector<16xi32>
          tpu.vector_store_idx %arg8[%parallel_loop3A_519, %parallel_loop3A_593], %parallel_loop3A_589 : memref<128x128xf32, #tpu.memory_space<vmem>>[vector<16xi32>, vector<16xi32>], vector<16xf32>,
          %parallel_loop3A_594 = arith.constant 16 : i32
          %parallel_loop3A_595 = arith.muli %parallel_loop3A_594, %parallel_loop3A_521 : i32
          %parallel_loop3A_596 = vector.broadcast %parallel_loop3A_595 : i32 to vector<16xi32>
          %parallel_loop3A_597 = arith.addi %parallel_loop3A_596, %select_n3A_225 : vector<16xi32>
          %parallel_loop3A_598 = tpu.vector_load_idx %arg6[%parallel_loop3A_597, %parallel_loop3A_515] : memref<64x256xf32, #tpu.memory_space<vmem>>[vector<16xi32>, vector<16xi32>], vector<16xf32>,
          %parallel_loop3A_599 = arith.constant 16 : i32
          %parallel_loop3A_600 = arith.muli %parallel_loop3A_599, %parallel_loop3A_502 : i32
          %parallel_loop3A_601 = vector.broadcast %parallel_loop3A_600 : i32 to vector<16xi32>
          %parallel_loop3A_602 = arith.addi %parallel_loop3A_601, %select_n3A_225 : vector<16xi32>
          tpu.vector_store_idx %arg8[%parallel_loop3A_519, %parallel_loop3A_602], %parallel_loop3A_598 : memref<128x128xf32, #tpu.memory_space<vmem>>[vector<16xi32>, vector<16xi32>], vector<16xf32>,
          %parallel_loop3A_603 = arith.constant 16 : i32
          %parallel_loop3A_604 = arith.muli %parallel_loop3A_603, %parallel_loop3A_521 : i32
          %parallel_loop3A_605 = vector.broadcast %parallel_loop3A_604 : i32 to vector<16xi32>
          %parallel_loop3A_606 = arith.addi %parallel_loop3A_605, %select_n3A_250 : vector<16xi32>
          %parallel_loop3A_607 = tpu.vector_load_idx %arg6[%parallel_loop3A_606, %parallel_loop3A_515] : memref<64x256xf32, #tpu.memory_space<vmem>>[vector<16xi32>, vector<16xi32>], vector<16xf32>,
          %parallel_loop3A_608 = arith.constant 16 : i32
          %parallel_loop3A_609 = arith.muli %parallel_loop3A_608, %parallel_loop3A_502 : i32
          %parallel_loop3A_610 = vector.broadcast %parallel_loop3A_609 : i32 to vector<16xi32>
          %parallel_loop3A_611 = arith.addi %parallel_loop3A_610, %select_n3A_250 : vector<16xi32>
          tpu.vector_store_idx %arg8[%parallel_loop3A_519, %parallel_loop3A_611], %parallel_loop3A_607 : memref<128x128xf32, #tpu.memory_space<vmem>>[vector<16xi32>, vector<16xi32>], vector<16xf32>,
          %parallel_loop3A_612 = arith.constant 16 : i32
          %parallel_loop3A_613 = arith.muli %parallel_loop3A_612, %parallel_loop3A_521 : i32
          %parallel_loop3A_614 = vector.broadcast %parallel_loop3A_613 : i32 to vector<16xi32>
          %parallel_loop3A_615 = arith.addi %parallel_loop3A_614, %select_n3A_275 : vector<16xi32>
          %parallel_loop3A_616 = tpu.vector_load_idx %arg6[%parallel_loop3A_615, %parallel_loop3A_515] : memref<64x256xf32, #tpu.memory_space<vmem>>[vector<16xi32>, vector<16xi32>], vector<16xf32>,
          %parallel_loop3A_617 = arith.constant 16 : i32
          %parallel_loop3A_618 = arith.muli %parallel_loop3A_617, %parallel_loop3A_502 : i32
          %parallel_loop3A_619 = vector.broadcast %parallel_loop3A_618 : i32 to vector<16xi32>
          %parallel_loop3A_620 = arith.addi %parallel_loop3A_619, %select_n3A_275 : vector<16xi32>
          tpu.vector_store_idx %arg8[%parallel_loop3A_519, %parallel_loop3A_620], %parallel_loop3A_616 : memref<128x128xf32, #tpu.memory_space<vmem>>[vector<16xi32>, vector<16xi32>], vector<16xf32>,
          %parallel_loop3A_621 = arith.constant 16 : i32
          %parallel_loop3A_622 = arith.muli %parallel_loop3A_621, %parallel_loop3A_521 : i32
          %parallel_loop3A_623 = vector.broadcast %parallel_loop3A_622 : i32 to vector<16xi32>
          %parallel_loop3A_624 = arith.addi %parallel_loop3A_623, %select_n3A_300 : vector<16xi32>
          %parallel_loop3A_625 = tpu.vector_load_idx %arg6[%parallel_loop3A_624, %parallel_loop3A_515] : memref<64x256xf32, #tpu.memory_space<vmem>>[vector<16xi32>, vector<16xi32>], vector<16xf32>,
          %parallel_loop3A_626 = arith.constant 16 : i32
          %parallel_loop3A_627 = arith.muli %parallel_loop3A_626, %parallel_loop3A_502 : i32
          %parallel_loop3A_628 = vector.broadcast %parallel_loop3A_627 : i32 to vector<16xi32>
          %parallel_loop3A_629 = arith.addi %parallel_loop3A_628, %select_n3A_300 : vector<16xi32>
          tpu.vector_store_idx %arg8[%parallel_loop3A_519, %parallel_loop3A_629], %parallel_loop3A_625 : memref<128x128xf32, #tpu.memory_space<vmem>>[vector<16xi32>, vector<16xi32>], vector<16xf32>,
          %parallel_loop3A_630 = arith.constant 16 : i32
          %parallel_loop3A_631 = arith.muli %parallel_loop3A_630, %parallel_loop3A_521 : i32
          %parallel_loop3A_632 = vector.broadcast %parallel_loop3A_631 : i32 to vector<16xi32>
          %parallel_loop3A_633 = arith.addi %parallel_loop3A_632, %select_n3A_325 : vector<16xi32>
          %parallel_loop3A_634 = tpu.vector_load_idx %arg6[%parallel_loop3A_633, %parallel_loop3A_515] : memref<64x256xf32, #tpu.memory_space<vmem>>[vector<16xi32>, vector<16xi32>], vector<16xf32>,
          %parallel_loop3A_635 = arith.constant 16 : i32
          %parallel_loop3A_636 = arith.muli %parallel_loop3A_635, %parallel_loop3A_502 : i32
          %parallel_loop3A_637 = vector.broadcast %parallel_loop3A_636 : i32 to vector<16xi32>
          %parallel_loop3A_638 = arith.addi %parallel_loop3A_637, %select_n3A_325 : vector<16xi32>
          tpu.vector_store_idx %arg8[%parallel_loop3A_519, %parallel_loop3A_638], %parallel_loop3A_634 : memref<128x128xf32, #tpu.memory_space<vmem>>[vector<16xi32>, vector<16xi32>], vector<16xf32>,
          %parallel_loop3A_639 = arith.constant 16 : i32
          %parallel_loop3A_640 = arith.muli %parallel_loop3A_639, %parallel_loop3A_521 : i32
          %parallel_loop3A_641 = vector.broadcast %parallel_loop3A_640 : i32 to vector<16xi32>
          %parallel_loop3A_642 = arith.addi %parallel_loop3A_641, %select_n3A_350 : vector<16xi32>
          %parallel_loop3A_643 = tpu.vector_load_idx %arg6[%parallel_loop3A_642, %parallel_loop3A_515] : memref<64x256xf32, #tpu.memory_space<vmem>>[vector<16xi32>, vector<16xi32>], vector<16xf32>,
          %parallel_loop3A_644 = arith.constant 16 : i32
          %parallel_loop3A_645 = arith.muli %parallel_loop3A_644, %parallel_loop3A_502 : i32
          %parallel_loop3A_646 = vector.broadcast %parallel_loop3A_645 : i32 to vector<16xi32>
          %parallel_loop3A_647 = arith.addi %parallel_loop3A_646, %select_n3A_350 : vector<16xi32>
          tpu.vector_store_idx %arg8[%parallel_loop3A_519, %parallel_loop3A_647], %parallel_loop3A_643 : memref<128x128xf32, #tpu.memory_space<vmem>>[vector<16xi32>, vector<16xi32>], vector<16xf32>,
          %parallel_loop3A_648 = arith.constant 16 : i32
          %parallel_loop3A_649 = arith.muli %parallel_loop3A_648, %parallel_loop3A_521 : i32
          %parallel_loop3A_650 = vector.broadcast %parallel_loop3A_649 : i32 to vector<16xi32>
          %parallel_loop3A_651 = arith.addi %parallel_loop3A_650, %select_n3A_375 : vector<16xi32>
          %parallel_loop3A_652 = tpu.vector_load_idx %arg6[%parallel_loop3A_651, %parallel_loop3A_515] : memref<64x256xf32, #tpu.memory_space<vmem>>[vector<16xi32>, vector<16xi32>], vector<16xf32>,
          %parallel_loop3A_653 = arith.constant 16 : i32
          %parallel_loop3A_654 = arith.muli %parallel_loop3A_653, %parallel_loop3A_502 : i32
          %parallel_loop3A_655 = vector.broadcast %parallel_loop3A_654 : i32 to vector<16xi32>
          %parallel_loop3A_656 = arith.addi %parallel_loop3A_655, %select_n3A_375 : vector<16xi32>
          tpu.vector_store_idx %arg8[%parallel_loop3A_519, %parallel_loop3A_656], %parallel_loop3A_652 : memref<128x128xf32, #tpu.memory_space<vmem>>[vector<16xi32>, vector<16xi32>], vector<16xf32>,
          %parallel_loop3A_657 = arith.constant 16 : i32
          %parallel_loop3A_658 = arith.muli %parallel_loop3A_657, %parallel_loop3A_521 : i32
          %parallel_loop3A_659 = vector.broadcast %parallel_loop3A_658 : i32 to vector<16xi32>
          %parallel_loop3A_660 = arith.addi %parallel_loop3A_659, %select_n3A_400 : vector<16xi32>
          %parallel_loop3A_661 = tpu.vector_load_idx %arg6[%parallel_loop3A_660, %parallel_loop3A_515] : memref<64x256xf32, #tpu.memory_space<vmem>>[vector<16xi32>, vector<16xi32>], vector<16xf32>,
          %parallel_loop3A_662 = arith.constant 16 : i32
          %parallel_loop3A_663 = arith.muli %parallel_loop3A_662, %parallel_loop3A_502 : i32
          %parallel_loop3A_664 = vector.broadcast %parallel_loop3A_663 : i32 to vector<16xi32>
          %parallel_loop3A_665 = arith.addi %parallel_loop3A_664, %select_n3A_400 : vector<16xi32>
          tpu.vector_store_idx %arg8[%parallel_loop3A_519, %parallel_loop3A_665], %parallel_loop3A_661 : memref<128x128xf32, #tpu.memory_space<vmem>>[vector<16xi32>, vector<16xi32>], vector<16xf32>,
        } {sc.loop_unroll_factor = 4 : i64, sc.parallel_access}
        %mul3A_461 = arith.constant 32 : i32
        %mul3A_462 = arith.muli %add3A_442, %mul3A_461 : i32
        %add3A_463 = arith.addi %add3A, %mul3A_462 : i32
        %mul3A_464 = arith.constant 128 : i32
        %mul3A_465 = arith.muli %add3A_463, %mul3A_464 : i32
        %dma_start3A_466 = arith.constant 0 : i32
        %dma_start3A_467 = tpu.memref_slice %arg4[%mul3A_465, %dma_start3A_466] : memref<500000x128xf32, #tpu.memory_space<hbm>> -> memref<128x128xf32, #tpu.memory_space<hbm>>
        %dma_start3A_468 = arith.constant 0 : i32
        %dma_start3A_469 = tpu.memref_slice %arg4[%mul3A_465, %dma_start3A_468] : memref<500000x128xf32, #tpu.memory_space<hbm>> -> memref<128x128xf32, #tpu.memory_space<hbm>>
        tpu.enqueue_dma source(%arg8 : memref<128x128xf32, #tpu.memory_space<vmem>>) target(%dma_start3A_469 : memref<128x128xf32, #tpu.memory_space<hbm>>) target_semaphore(%arg12 : memref<!tpu.dma_semaphore, #tpu.memory_space<semaphore_mem>>)
        %add3A_470 = arith.constant 2 : i32
        %add3A_471 = arith.addi %add3A_442, %add3A_470 : i32
        %lt3A_472 = arith.cmpi slt, %add3A_471, %add3A_4 : i32
        %convert_element_type3A_473 = arith.extui %lt3A_472 : i1 to i32
        %cond3A_474 = arith.constant 0 : i32
        %cond3A_475 = arith.cmpi ne, %convert_element_type3A_473, %cond3A_474 : i32
        scf.if %cond3A_475 {
          %add3A_476 = arith.constant 2 : i32
          %add3A_477 = arith.addi %add3A_442, %add3A_476 : i32
          %mul3A_478 = arith.constant 32 : i32
          %mul3A_479 = arith.muli %add3A_477, %mul3A_478 : i32
          %add3A_480 = arith.addi %add3A, %mul3A_479 : i32
          %mul3A_481 = arith.constant 256 : i32
          %mul3A_482 = arith.muli %add3A_480, %mul3A_481 : i32
          %dma_start3A_483 = arith.constant 0 : i32
          %dma_start3A_484 = tpu.memref_slice %arg2[%dma_start3A_483, %mul3A_482] : memref<64x1000000xf32, #tpu.memory_space<hbm>> -> memref<64x256xf32, #tpu.memory_space<hbm>>
          %dma_start3A_485 = arith.constant 0 : i32
          %dma_start3A_486 = tpu.memref_slice %arg2[%dma_start3A_485, %mul3A_482] : memref<64x1000000xf32, #tpu.memory_space<hbm>> -> memref<64x256xf32, #tpu.memory_space<hbm>>
          tpu.enqueue_dma source(%dma_start3A_486 : memref<64x256xf32, #tpu.memory_space<hbm>>) target(%arg6 : memref<64x256xf32, #tpu.memory_space<vmem>>) target_semaphore(%arg10 : memref<!tpu.dma_semaphore, #tpu.memory_space<semaphore_mem>>)
        } else {
        }
      } else {
      }
    }
    %scan3A_414 = arith.constant 62 : i32
    %gt3A_415 = arith.constant 0 : i32
    %gt3A_416 = arith.cmpi sgt, %add3A_4, %gt3A_415 : i32
    %convert_element_type3A_417 = arith.extui %gt3A_416 : i1 to i32
    %cond3A_418 = arith.constant 0 : i32
    %cond3A_419 = arith.cmpi ne, %convert_element_type3A_417, %cond3A_418 : i32
    scf.if %cond3A_419 {
      %add3A_430 = arith.constant 0 : i32
      %add3A_431 = arith.addi %add3A, %add3A_430 : i32
      %mul3A_432 = arith.constant 128 : i32
      %mul3A_433 = arith.muli %add3A_431, %mul3A_432 : i32
      %dma_wait3A = arith.constant 0 : i32
      %dma_wait3A_434 = tpu.memref_slice %arg4[%mul3A_433, %dma_wait3A] : memref<500000x128xf32, #tpu.memory_space<hbm>> -> memref<128x128xf32, #tpu.memory_space<hbm>>
      %dma_wait3A_435 = arith.constant 0 : i32
      %dma_wait3A_436 = tpu.memref_slice %arg4[%mul3A_433, %dma_wait3A_435] : memref<500000x128xf32, #tpu.memory_space<hbm>> -> memref<128x128xf32, #tpu.memory_space<hbm>>
      tpu.wait_dma2 semaphore(%arg11 : memref<!tpu.dma_semaphore, #tpu.memory_space<semaphore_mem>>) src(%arg7 : memref<128x128xf32, #tpu.memory_space<vmem>>) dst(%dma_wait3A_436 : memref<128x128xf32, #tpu.memory_space<hbm>>)
    } else {
    }
    %gt3A_420 = arith.constant 1 : i32
    %gt3A_421 = arith.cmpi sgt, %add3A_4, %gt3A_420 : i32
    %convert_element_type3A_422 = arith.extui %gt3A_421 : i1 to i32
    %cond3A_423 = arith.constant 0 : i32
    %cond3A_424 = arith.cmpi ne, %convert_element_type3A_422, %cond3A_423 : i32
    scf.if %cond3A_424 {
      %add3A_430 = arith.constant 0 : i32
      %add3A_431 = arith.addi %add3A, %add3A_430 : i32
      %mul3A_432 = arith.constant 128 : i32
      %mul3A_433 = arith.muli %add3A_431, %mul3A_432 : i32
      %dma_wait3A = arith.constant 0 : i32
      %dma_wait3A_434 = tpu.memref_slice %arg4[%mul3A_433, %dma_wait3A] : memref<500000x128xf32, #tpu.memory_space<hbm>> -> memref<128x128xf32, #tpu.memory_space<hbm>>
      %dma_wait3A_435 = arith.constant 0 : i32
      %dma_wait3A_436 = tpu.memref_slice %arg4[%mul3A_433, %dma_wait3A_435] : memref<500000x128xf32, #tpu.memory_space<hbm>> -> memref<128x128xf32, #tpu.memory_space<hbm>>
      tpu.wait_dma2 semaphore(%arg12 : memref<!tpu.dma_semaphore, #tpu.memory_space<semaphore_mem>>) src(%arg8 : memref<128x128xf32, #tpu.memory_space<vmem>>) dst(%dma_wait3A_436 : memref<128x128xf32, #tpu.memory_space<hbm>>)
    } else {
    }
    %eq3A_425 = arith.constant 31 : i32
    %eq3A_426 = arith.cmpi eq, %add3A, %eq3A_425 : i32
    %convert_element_type3A_427 = arith.extui %eq3A_426 : i1 to i32
    %cond3A_428 = arith.constant 0 : i32
    %cond3A_429 = arith.cmpi ne, %convert_element_type3A_427, %cond3A_428 : i32
    scf.if %cond3A_429 {
      "tpu.region"() ({
        %run_scoped3A = tpu.sem_alloc : memref<!tpu.dma_semaphore, #tpu.memory_space<semaphore_mem>>
        %dma_start3A_430 = arith.constant 0 : i32
        %dma_start3A_431 = arith.constant 0 : i32
        %dma_start3A_432 = tpu.memref_slice %arg7[%dma_start3A_430, %dma_start3A_431] : memref<128x128xf32, #tpu.memory_space<vmem>> -> memref<32x128xf32, #tpu.memory_space<vmem>>
        %dma_start3A_433 = arith.constant 0 : i32
        %dma_start3A_434 = arith.constant 0 : i32
        %dma_start3A_435 = tpu.memref_slice %arg7[%dma_start3A_433, %dma_start3A_434] : memref<128x128xf32, #tpu.memory_space<vmem>> -> memref<32x128xf32, #tpu.memory_space<vmem>>
        tpu.enqueue_dma source(%arg3 : memref<32x128xf32, #tpu.memory_space<hbm>>) target(%dma_start3A_435 : memref<32x128xf32, #tpu.memory_space<vmem>>) target_semaphore(%run_scoped3A : memref<!tpu.dma_semaphore, #tpu.memory_space<semaphore_mem>>)
        %dma_wait3A = arith.constant 0 : i32
        %dma_wait3A_436 = arith.constant 0 : i32
        %dma_wait3A_437 = tpu.memref_slice %arg7[%dma_wait3A, %dma_wait3A_436] : memref<128x128xf32, #tpu.memory_space<vmem>> -> memref<32x128xf32, #tpu.memory_space<vmem>>
        %dma_wait3A_438 = arith.constant 0 : i32
        %dma_wait3A_439 = arith.constant 0 : i32
        %dma_wait3A_440 = tpu.memref_slice %arg7[%dma_wait3A_438, %dma_wait3A_439] : memref<128x128xf32, #tpu.memory_space<vmem>> -> memref<32x128xf32, #tpu.memory_space<vmem>>
        tpu.wait_dma2 semaphore(%run_scoped3A : memref<!tpu.dma_semaphore, #tpu.memory_space<semaphore_mem>>) src(%arg3 : memref<32x128xf32, #tpu.memory_space<hbm>>) dst(%dma_wait3A_440 : memref<32x128xf32, #tpu.memory_space<vmem>>)
        tpu.yield
      }) : () -> ()
      "tpu.region"() ({
        %run_scoped3A = tpu.sem_alloc : memref<!tpu.dma_semaphore, #tpu.memory_space<semaphore_mem>>
        %dma_start3A_430 = arith.constant 0 : i32
        %dma_start3A_431 = arith.constant 0 : i32
        %dma_start3A_432 = tpu.memref_slice %arg7[%dma_start3A_430, %dma_start3A_431] : memref<128x128xf32, #tpu.memory_space<vmem>> -> memref<32x128xf32, #tpu.memory_space<vmem>>
        %dma_start3A_433 = arith.constant 499968 : i32
        %dma_start3A_434 = arith.constant 0 : i32
        %dma_start3A_435 = tpu.memref_slice %arg4[%dma_start3A_433, %dma_start3A_434] : memref<500000x128xf32, #tpu.memory_space<hbm>> -> memref<32x128xf32, #tpu.memory_space<hbm>>
        %dma_start3A_436 = arith.constant 499968 : i32
        %dma_start3A_437 = arith.constant 0 : i32
        %dma_start3A_438 = tpu.memref_slice %arg4[%dma_start3A_436, %dma_start3A_437] : memref<500000x128xf32, #tpu.memory_space<hbm>> -> memref<32x128xf32, #tpu.memory_space<hbm>>
        %dma_start3A_439 = arith.constant 0 : i32
        %dma_start3A_440 = arith.constant 0 : i32
        %dma_start3A_441 = tpu.memref_slice %arg7[%dma_start3A_439, %dma_start3A_440] : memref<128x128xf32, #tpu.memory_space<vmem>> -> memref<32x128xf32, #tpu.memory_space<vmem>>
        tpu.enqueue_dma source(%dma_start3A_441 : memref<32x128xf32, #tpu.memory_space<vmem>>) target(%dma_start3A_438 : memref<32x128xf32, #tpu.memory_space<hbm>>) target_semaphore(%run_scoped3A : memref<!tpu.dma_semaphore, #tpu.memory_space<semaphore_mem>>)
        %dma_wait3A = arith.constant 0 : i32
        %dma_wait3A_442 = arith.constant 0 : i32
        %dma_wait3A_443 = tpu.memref_slice %arg7[%dma_wait3A, %dma_wait3A_442] : memref<128x128xf32, #tpu.memory_space<vmem>> -> memref<32x128xf32, #tpu.memory_space<vmem>>
        %dma_wait3A_444 = arith.constant 499968 : i32
        %dma_wait3A_445 = arith.constant 0 : i32
        %dma_wait3A_446 = tpu.memref_slice %arg4[%dma_wait3A_444, %dma_wait3A_445] : memref<500000x128xf32, #tpu.memory_space<hbm>> -> memref<32x128xf32, #tpu.memory_space<hbm>>
        %dma_wait3A_447 = arith.constant 499968 : i32
        %dma_wait3A_448 = arith.constant 0 : i32
        %dma_wait3A_449 = tpu.memref_slice %arg4[%dma_wait3A_447, %dma_wait3A_448] : memref<500000x128xf32, #tpu.memory_space<hbm>> -> memref<32x128xf32, #tpu.memory_space<hbm>>
        %dma_wait3A_450 = arith.constant 0 : i32
        %dma_wait3A_451 = arith.constant 0 : i32
        %dma_wait3A_452 = tpu.memref_slice %arg7[%dma_wait3A_450, %dma_wait3A_451] : memref<128x128xf32, #tpu.memory_space<vmem>> -> memref<32x128xf32, #tpu.memory_space<vmem>>
        tpu.wait_dma2 semaphore(%run_scoped3A : memref<!tpu.dma_semaphore, #tpu.memory_space<semaphore_mem>>) src(%dma_wait3A_452 : memref<32x128xf32, #tpu.memory_space<vmem>>) dst(%dma_wait3A_449 : memref<32x128xf32, #tpu.memory_space<hbm>>)
        tpu.yield
      }) : () -> ()
    } else {
    }
    return
  }
}

</mosaic_0001>

<sc_bundles>
// kernel: _retile.3.cloned.1.call-start
scs
__scs_entry_jumppad:
0x0: {  	(pc) =	sbr.rel $0x88, $3  }
0x1: {  	(tag) =	ssettag $0x0;
	lr =	simm.s32 $0x1  }
0x2: {  	[smem:$0x3F9F] =	sst lr;
	_ =	strace $0xD0000000  }
0x3: {  	_ = 	snop  }
0x4: {  	_ = 	snop  }
0x5: {  	_ = 	snop  }
0x6: {  	_ = 	snop  }
0x7: {  	_ = 	snop  }
__scs_overlays_trampoline_lowered:
0x8: {  	[smem:$0x3FAE] =	sst s0  }
0x9: {  	[smem:$0x3FAF] =	sst s1  }
0xa: {  	[smem:$0x3FB0] =	sst s2  }
0xb: {  	[smem:$0x3FB1] =	sst s3  }
0xc: {  	[smem:$0x3FB2] =	sst s4  }
0xd: {  	[smem:$0x3FB3] =	sst s5  }
0xe: {  	[smem:$0x3FB4] =	sst s6  }
0xf: {  	[smem:$0x3FB5] =	sst s7  }
0x10: {  	[smem:$0x3FB6] =	sst s8  }
0x11: {  	[smem:$0x3FB7] =	sst s9;
	s0 =	simm.s32 @!p0 $0x0  }
0x12: {  	s1 =	sld [smem:$0x3F9D];
	s0 =	simm.s32 @p0 $0x1  }
0x13: {  	[smem:$0x3FB8] =	sst s0;
	s0 =	simm.s32 @!p1 $0x0  }
0x14: {  	s2 =	sld [smem:$0x3F9C];
	s0 =	simm.s32 @p1 $0x1  }
0x15: {  	[smem:$0x3FB9] =	sst s0;
	s0 =	simm.s32 @!p2 $0x0  }
0x16: {  	s3 =	sld [smem:$0x3FDB];
	s0 =	simm.s32 @p2 $0x1  }
0x17: {  	s4 =	simm.s32 $0x1BF5;
	[smem:$0x3FBB] =	sst s0  }
0x18: {  	s0 =	sld [smem:$0x3F9E];
	_ =	swait.ge [sflag:s4], $0x0  }
0x19: {  	s7 =	sld [smem:$0x3F9F]  }
0x1a: {  	s8 =	sadd.s32 $0xFFFFE003, lr  }
0x1b: {  	s9 =	sadd.s32 $0xFFFFFEF7, lr;
	s5 =	simm.s32 $0xFFFFFFFF;
	p2 =	slt.u32 s8, $0xFFFFF086  }
0x1c: {  	p1 =	slt.u32 s9, $0xF7A;
	s5 =	simm.s32 @!p2 $0x0  }
0x1d: {  	s5 =	simm.s32 @p1 $0x1;
	p0 =	seq.s32 s7, s2  }
0x1e: {  	s7 =	smul.u32 @!p0 $0xF7A, s2;
	p2 =	seq.s32 @!p0 s5, $0x0  }
0x1f: {  	s9 =	smul.u32 $0xF7A, s1;
	s8 =	simm.s32 @!p0 $0x1BF5;
	p2 =	por !p2, p0  }
0x20: {  	[sflag:s8] =	ssyncset.s32 @!p0 $0xFFFFF086;
	s6 =	sadd.s32 @!p0 s3, s7;
	s7 =	simm.s32 @!p0 $0x108  }
0x21: {  	s3 =	sadd.s32 s3, s9;
	s6 =	sadd.s32 @!p0 $0x88, s6;
	s7 =	simm.s32 @p2 $0x1082  }
0x22: {  	[simem:s7], [sflag:s8] =	dma.local @!p0 [hbm:s6], $0xF7A  }
0x23: {  	s9 =	sor.u32 $0xD0000000, s2;
	s6 =	simm.s32 $0x108;
	_ =	swait.ge @!p0 [sflag:s8], $0x0  }
0x24: {  	s3 =	sadd.s32 $0x88, s3;
	s6 =	simm.s32 @!p1 $0x1082;
	[sflag:s4] =	ssyncset.s32 $0xFFFFF086  }
0x25: {  	[simem:s6], [sflag:s4] =	dma.local [hbm:s3], $0xF7A  }
0x26: {  	[smem:$0x3F9F] =	sst s1;
	(tag) =	ssettag s2;
	_ =	strace s9  }
0x27: {  	s1 =	sld [smem:$0x3FAF]  }
0x28: {  	s2 =	sld [smem:$0x3FB0]  }
0x29: {  	s4 =	sld [smem:$0x3FB2]  }
0x2a: {  	p0 =	seq.s32 s5, $0x0;
	s5 =	sld [smem:$0x3FB3]  }
0x2b: {  	s6 =	sld [smem:$0x3FB4]  }
0x2c: {  	s7 =	sld [smem:$0x3FB5]  }
0x2d: {  	s3 =	simm.s32 $0x108;
	s8 =	sld [smem:$0x3FB6]  }
0x2e: {  	s3 =	simm.s32 @!p0 $0x1082;
	s9 =	sld [smem:$0x3FB7]  }
0x2f: {  	lr =	sadd.s32 s0, s3;
	s0 =	sld [smem:$0x3FAE]  }
0x30: {  	s3 =	sld [smem:$0x3FB1]  }
0x31: {  	[smem:$0x3FBA] =	sst s10  }
0x32: {  	s10 =	sld [smem:$0x3FB8];
	_ =	sdelay $0x3  }
0x33: {  	p0 =	seq.s32 s10, $0x1;
	s10 =	sld [smem:$0x3FBA];
	_ =	sdelay $0x3  }
0x34: {  	[smem:$0x3FBA] =	sst s10  }
0x35: {  	s10 =	sld [smem:$0x3FB9];
	_ =	sdelay $0x3  }
0x36: {  	p1 =	seq.s32 s10, $0x1;
	s10 =	sld [smem:$0x3FBA];
	_ =	sdelay $0x3  }
0x37: {  	[smem:$0x3FBA] =	sst s10  }
0x38: {  	s10 =	sld [smem:$0x3FBB]  }
0x39: {  	_ = 	snop;
	(pc) =	sbr.ind lr, $3  }
0x3a: {  	_ = 	snop  }
0x3b: {  	_ = 	snop  }
0x3c: {  	p2 =	seq.s32 s10, $0x1;
	s10 =	sld [smem:$0x3FBA]  }
0x3d: {  	_ =	shalt  }
0x3e: {  	_ =	shalt  }
0x3f: {  	_ =	shalt  }
0x40: {  	_ =	shalt  }
0x41: {  	_ =	shalt  }
0x42: {  	_ =	shalt  }
0x43: {  	_ =	shalt  }
0x44: {  	_ =	shalt  }
0x45: {  	_ =	shalt  }
0x46: {  	_ =	shalt  }
0x47: {  	_ =	shalt  }
0x48: {  	_ =	shalt  }
0x49: {  	_ =	shalt  }
0x4a: {  	_ =	shalt  }
0x4b: {  	_ =	shalt  }
0x4c: {  	_ =	shalt  }
0x4d: {  	_ =	shalt  }
0x4e: {  	_ =	shalt  }
0x4f: {  	_ =	shalt  }
0x50: {  	_ =	shalt  }
0x51: {  	_ =	shalt  }
0x52: {  	_ =	shalt  }
0x53: {  	_ =	shalt  }
0x54: {  	_ =	shalt  }
0x55: {  	_ =	shalt  }
0x56: {  	_ =	shalt  }
0x57: {  	_ =	shalt  }
0x58: {  	_ =	shalt  }
0x59: {  	_ =	shalt  }
0x5a: {  	_ =	shalt  }
0x5b: {  	_ =	shalt  }
0x5c: {  	_ =	shalt  }
0x5d: {  	_ =	shalt  }
0x5e: {  	_ =	shalt  }
0x5f: {  	_ =	shalt  }
0x60: {  	_ =	shalt  }
0x61: {  	_ =	shalt  }
0x62: {  	_ =	shalt  }
0x63: {  	_ =	shalt  }
0x64: {  	_ =	shalt  }
0x65: {  	_ =	shalt  }
0x66: {  	_ =	shalt  }
0x67: {  	_ =	shalt  }
0x68: {  	_ =	shalt  }
0x69: {  	_ =	shalt  }
0x6a: {  	_ =	shalt  }
0x6b: {  	_ =	shalt  }
0x6c: {  	_ =	shalt  }
0x6d: {  	_ =	shalt  }
0x6e: {  	_ =	shalt  }
0x6f: {  	_ =	shalt  }
0x70: {  	_ =	shalt  }
0x71: {  	_ =	shalt  }
0x72: {  	_ =	shalt  }
0x73: {  	_ =	shalt  }
0x74: {  	_ =	shalt  }
0x75: {  	_ =	shalt  }
0x76: {  	_ =	shalt  }
0x77: {  	_ =	shalt  }
0x78: {  	_ =	shalt  }
0x79: {  	_ =	shalt  }
0x7a: {  	_ =	shalt  }
0x7b: {  	_ =	shalt  }
0x7c: {  	_ =	shalt  }
0x7d: {  	_ =	shalt  }
0x7e: {  	_ =	shalt  }
0x7f: {  	_ =	shalt  }
0x80: {  	_ =	shalt  }
0x81: {  	_ =	shalt  }
0x82: {  	_ =	shalt  }
0x83: {  	_ =	shalt  }
0x84: {  	_ =	shalt  }
0x85: {  	_ =	shalt  }
0x86: {  	_ =	shalt  }
0x87: {  	_ =	shalt  }
.Lfunc_end0:
.L_simem_size_0:
called_computation_lowered:
.L_overlay_start_0:
0x88: {  	s2 =	sld [smem:$0x3FD9]  }
0x89: {  	s3 =	sld [smem:$0x3FFE];
	_ =	sdelay $0x1  }
0x8a: {  	s1 =	srdreg.scid  }
0x8b: {  	s0 =	sand.u32 $0x1, s1  }
0x8c: {  	s18 =	sshll.u32 s0, $0xA;
	s2 =	sadd.s32 s3, s2  }
0x8d: {  	s2 =	sadd.s32 s2, s18  }
0x8e: {  	[smem:$0x3FC6] =	sst s2  }
0x8f: {  	_ = 	snop  }
0x90: {  	s2 =	sld [smem:$0x3FC9]  }
0x91: {  	s19 =	sld [smem:$0x3FC8]  }
0x92: {  	s4 =	sld [smem:$0x3FD0];
	(tm) =	ssettm $0x1  }
0x93: {  	s5 =	sld [smem:$0x3FFB];
	_ =	sdelay $0x3  }
0x94: {  	_ =	strace s5  }
0x95: {  	s5 =	sld [smem:$0x3FFC];
	_ =	sdelay $0x3  }
0x96: {  	_ =	strace s5  }
0x97: {  	s5 =	sld [smem:$0x3FFD];
	_ =	sdelay $0x3  }
0x98: {  	_ =	strace s5  }
0x99: {  	_ =	strace $0x8FFFFFFF  }
0x9a: {  	s20 =	sld [smem:$0x3FDB];
	_ =	sdelay $0x1  }
0x9b: {  	s6 =	simm.s32 $_scs_section_size  }
0x9c: {  	s7 =	simm.s32 $_size__tile_overlayer_lowered;
	s8 =	simm.s32 $_tile_overlayer_lowered  }
0x9d: {  	s23 =	simm.s32 $0x1BFF;
	s22 =	sshll.u32 s8, $0x1;
	s5 =	sadd.s32 s6, s20  }
0x9e: {  	s9 =	simm.s32 $0x0;
	s21 =	sshll.u32 s7, $0x1;
	s7 =	sadd.s32 s22, s5  }
0x9f: {  	[timem:s9], [sflag:s23] =	dma.local [hbm:s7], s21  }
0xa0: {  	_ =	swait.ge [sflag:s23], s21  }
0xa1: {  	s6 =	ssub.s32 $0x0, s21;
	[sflag:s23] =	ssyncset.done $0x0  }
0xa2: {  	[sflag:s23] =	ssyncadd.s32 s6;
	_ =	sdelay $0x1  }
0xa3: {  	s24 =	simm.s32 $0x1B8B  }
0xa4: {  	_ =	swait.ge [sflag:s24], $0x1  }
0xa5: {  	[sflag:s24] =	ssyncset.done $0x0  }
0xa6: {  	s25 =	simm.s32 $0x1B8E;
	[sflag:s24] =	ssyncadd.s32 $0xFFFFFFFF  }
0xa7: {  	s26 =	simm.s32 $execute0_lowered;
	[smem:$0x3FD2] =	sst s25  }
0xa8: {  	s6 =	sshll.u32 s26, $0x1;
	_ =	strace $0x80000046;
	[dreg:$0x1] =	wrdreg $0xFFFFFFFF  }
0xa9: {  	s28 =	simm.s32 $_size_execute0_lowered;
	s5 =	sadd.s32 s5, s6;
	[dreg:$0x0] =	wrdreg $0x0  }
0xaa: {  	s6 =	sshll.u32 s28, $0x1;
	[dreg:$0x2] =	wrdreg s5  }
0xab: {  	[dreg:$0x3] =	wrdreg s6  }
0xac: {  	[dreg:$0x4] =	wrdreg $0xC0  }
0xad: {  	_ =	task [dreg:s9], $0x5FFFF  }
0xae: {  	[dreg:$0x1] =	wrdreg $0xFFFFFFFF  }
0xaf: {  	[dreg:$0x0] =	wrdreg $0x60  }
0xb0: {  	[dreg:$0x2] =	wrdreg s2  }
0xb1: {  	[dreg:$0x3] =	wrdreg s19  }
0xb2: {  	[dreg:$0x4] =	wrdreg s4  }
0xb3: {  	[dreg:$0x5] =	wrdreg $0x9  }
0xb4: {  	_ =	task.clear_ibuf [dreg:s9], $0x6FFFF;
	_ =	strace $0x90000046  }
0xb5: {  	s29 =	simm.s32 $0x9;
	_ =	strace $0x80000048  }
0xb6: {  	_ =	swait.ge [sflag:s29], $0x1  }
0xb7: {  	[sflag:s29] =	ssyncadd.s32 $0xFFFFFFFF  }
0xb8: {  	_ =	strace $0x90000048  }
0xb9: {  	_ =	sfence  }
0xba: {  	s30 =	sld [smem:$0x0];
	_ =	sdelay $0x2  }
0xbb: {  	s31 =	sshll.u32 s1, $0xD;
	s1 =	sshrl.u32 s1, $0x2  }
0xbc: {  	s3 =	sand.u32 $0x4000, s31;
	s1 =	sadd.s32 s1, s30  }
0xbd: {  	s0 =	sor.u32 s3, s0;
	s1 =	sshll.u32 s1, $0x11  }
0xbe: {  	s0 =	sor.u32 s1, s0  }
0xbf: {  	s0 =	sadd.s32 $0x8F2B, s0  }
0xc0: {  	[sflag:s0] =	ssyncadd.remote.s32 $0x1  }
0xc1: {  	_ =	sfence.sel $0xFFFF  }
0xc2: {  	[dreg:$0x0] =	wrdreg $0xFFFFFFFF;
	(pc) =	sbr.abs _section_cstart, $3  }
0xc3: {  	[dreg:$0x1] =	wrdreg $0xFFFFFFFF  }
0xc4: {  	_ =	task.clear_ibuf [dreg:s9], $0x2FFFF;
	_ =	strace $0x9FFFFFFF  }
0xc5: {  	(tm) =	ssettm $0x7FFFFFFF  }
tec
execute0_lowered:
.L_overlay_start_1:
0x0: {  	(tag) =	ssettag $0x1  }
0x1: {  	vm7 =	vcmask $0x300;
	v0 =	vimm.s32 $0xB80;
	vm4 =	vcmask $0x704  }
0x2: {  	vm5 =	vcmask $0xB08;
	vm6 =	vcmask $0xF0C;
	vm3 =	vcmask $0x1310  }
0x3: {  	vm2 =	vcmask $0x1714;
	v1 =	vimm.s32 $0xFEDCBA9;
	v2 =	vimm.s32 $0x87654321  }
0x4: {  	vm1 =	vcmask $0x1B18;
	vm0 =	vcmask $0x1F1C;
	v4 =	vimm.s32 $0x210FEDCB  }
0x5: {  	v6 =	vimm.s32 $0xA9876543;
	v7 =	vimm.s32 $0x80;
	v8 =	vimm.s32 $0x43210FED  }
0x6: {  	v11 =	vimm.s32 $0xCBA98765;
	v13 =	vimm.s32 $0x180;
	v17 =	vimm.s32 $0xFEDCBA98  }
0x7: {  	v18 =	vimm.s32 $0x380;
	v32 =	vimm.s32 $0x800;
	v36 =	vimm.s32 $0x1200  }
0x8: {  	v37 =	vimm.s32 $0x1280;
	v38 =	vimm.s32 $0x1300;
	v39 =	vimm.s32 $0x1380  }
0x9: {  	v40 =	vimm.s32 $0x1800;
	v41 =	vimm.s32 $0x1880;
	v42 =	vimm.s32 $0x1900  }
0xa: {  	v43 =	vimm.s32 $0x1980;
	v44 =	vimm.s32 $0x1A00;
	v45 =	vimm.s32 $0x1A80  }
0xb: {  	v46 =	vimm.s32 $0x1B00;
	v47 =	vimm.s32 $0x2B80;
	v48 =	vimm.s32 $0x2000  }
0xc: {  	v49 =	vimm.s32 $0x2080;
	v50 =	vimm.s32 $0x2100;
	v51 =	vimm.s32 $0x2180  }
0xd: {  	v52 =	vimm.s32 $0x2200;
	v53 =	vimm.s32 $0x2280;
	v54 =	vimm.s32 $0x2300  }
0xe: {  	v55 =	vimm.s32 $0x2380;
	v56 =	vimm.s32 $0x2800;
	v57 =	vimm.s32 $0x2880  }
0xf: {  	v58 =	vimm.s32 $0x2900;
	v59 =	vimm.s32 $0x2980;
	v60 =	vimm.s32 $0x2A00  }
0x10: {  	v61 =	vimm.s32 $0x2A80;
	v62 =	vimm.s32 $0x2B00;
	v63 =	vimm.s32 $0x3B80  }
0x11: {  	vm9 =	vcmask $0x2320;
	vm10 =	vcmask $0x2724;
	vm11 =	vcmask $0x2B28  }
0x12: {  	vm12 =	vcmask $0x2F2C;
	vm13 =	vcmask $0x3330;
	vm14 =	vcmask $0x3734  }
0x13: {  	vm15 =	vcmask $0x3B38;
	v0 =	vsel vm7, $0x0, v0;
	v1 =	vunpack.c.l.s4.s8 v1  }
0x14: {  	v2 =	vunpack.c.l.s4.s8 v2;
	v4 =	vunpack.c.l.s4.s8 v4;
	v6 =	vunpack.c.l.s4.s8 v6  }
0x15: {  	v7 =	vsel vm7, $0x100, v7;
	v8 =	vunpack.c.l.s4.s8 v8;
	v15 =	vunpack.c.l.s4.s8 v11  }
0x16: {  	v11 =	vsel vm7, $0x200, v13;
	v13 =	vimm.s32 $0x280;
	v17 =	vunpack.c.l.s4.s8 v17  }
0x17: {  	v33 =	vsel vm7, $0x1880, v40;
	v34 =	vsel vm7, $0x1900, v41;
	v35 =	vsel vm7, $0x1980, v42  }
0x18: {  	v40 =	vsel vm7, $0x2000, v47;
	v41 =	vsel vm7, $0x2080, v48;
	v42 =	vsel vm7, $0x2100, v49  }
0x19: {  	v47 =	vsel vm7, $0x2380, v54;
	v48 =	vsel vm7, $0x2800, v55;
	v49 =	vsel vm7, $0x2880, v56  }
0x1a: {  	v54 =	vsel vm7, $0x2B00, v61;
	v55 =	vsel vm7, $0x2B80, v62;
	v56 =	vsel vm7, $0x3000, v63  }
0x1b: {  	v0 =	vsel vm4, $0x80, v0;
	v20 =	vsel vm7, $0x300, v13;
	v13 =	vimm.s32 $0x6543210F  }
0x1c: {  	v0 =	vsel vm5, $0x100, v0;
	v10 =	vunpack.c.0.s8.s32 v1;
	v12 =	vunpack.c.0.s8.s32 v2  }
0x1d: {  	v2 =	vimm.s32 $0x98765432;
	v19 =	vunpack.c.0.s8.s32 v4;
	v0 =	vsel vm6, $0x180, v0  }
0x1e: {  	v23 =	vunpack.c.0.s8.s32 v6;
	v6 =	vimm.s32 $0xBA987654;
	v0 =	vsel vm3, $0x200, v0  }
0x1f: {  	v26 =	vunpack.c.0.s8.s32 v8;
	v27 =	vunpack.c.0.s8.s32 v15;
	v0 =	vsel vm2, $0x280, v0  }
0x20: {  	v8 =	vimm.s32 $0x200;
	v3 =	vsel vm1, $0x300, v0;
	v0 =	vimm.s32 $0x0  }
0x21: {  	v15 =	vimm.s32 $0xEDCBA987;
	v5 =	vsel vm7, $0x80, v0;
	v0 =	vimm.s32 $0x10FEDCBA  }
0x22: {  	v13 =	vunpack.c.l.s4.s8 v13;
	v17 =	vunpack.c.0.s8.s32 v17;
	v0 =	vunpack.c.l.s4.s8 v0  }
0x23: {  	v4 =	vimm.s32 $0x3100;
	v2 =	vunpack.c.l.s4.s8 v2;
	v6 =	vunpack.c.l.s4.s8 v6  }
0x24: {  	v8 =	vsel vm7, $0x280, v8;
	v14 =	vunpack.c.0.s8.s32 v0;
	v0 =	vimm.s32 $0x100  }
0x25: {  	v15 =	vunpack.c.l.s4.s8 v15;
	v9 =	vsel vm7, $0x180, v0;
	v0 =	vimm.s32 $0x3210FEDC  }
0x26: {  	v1 =	vcombine.low v12, v10;
	v16 =	vunpack.c.0.s8.s32 v2;
	v0 =	vunpack.c.l.s4.s8 v0  }
0x27: {  	v30 =	vunpack.c.0.s8.s32 v13;
	v17 =	vand.u32 $0xF, v17;
	v8 =	vsel vm4, $0x300, v8  }
0x28: {  	[tilespmem:$0x1F980] =	vst v1;
	v1 =	vcombine.low v16, v14;
	v24 =	vunpack.c.0.s8.s32 v0;
	v0 =	vimm.s32 $0x543210FE  }
0x29: {  	v25 =	vunpack.c.0.s8.s32 v6;
	v8 =	vsel vm5, $0x380, v8;
	v0 =	vunpack.c.l.s4.s8 v0  }
0x2a: {  	v31 =	vunpack.c.0.s8.s32 v15;
	v8 =	vsel vm6, $0x800, v8;
	[tilespmem:$0x1F990] =	vst v1;
	v1 =	vcombine.low v23, v19  }
0x2b: {  	v8 =	vsel vm3, $0x880, v8;
	v28 =	vunpack.c.0.s8.s32 v0;
	v0 =	vimm.s32 $0xDCBA9876  }
0x2c: {  	v8 =	vsel vm2, $0x900, v8;
	[tilespmem:$0x1F9A0] =	vst v1;
	v1 =	vcombine.low v25, v24;
	v0 =	vunpack.c.l.s4.s8 v0  }
0x2d: {  	v15 =	vimm.s32 $0x300;
	v2 =	vimm.s32 $0x3080;
	v8 =	vsel vm1, $0x980, v8  }
0x2e: {  	[tilespmem:$0x1F9B0] =	vst v1;
	v1 =	vcombine.low v27, v26;
	v29 =	vunpack.c.0.s8.s32 v0;
	v0 =	vimm.s32 $0x76543210  }
0x2f: {  	v6 =	vimm.s32 $0x3280;
	v8 =	vsel vm0, $0xA00, v8;
	v0 =	vunpack.c.l.s4.s8 v0  }
0x30: {  	v13 =	vsel vm7, $0x380, v15;
	v8 =	vsel vm9, $0xA80, v8;
	[tilespmem:$0x1F9C0] =	vst v1;
	v1 =	vcombine.low v29, v28  }
0x31: {  	v15 =	vsel vm7, $0x800, v18;
	v8 =	vsel vm10, $0xB00, v8;
	v0 =	vunpack.c.0.s8.s32 v0  }
0x32: {  	v3 =	vsel vm0, $0x380, v3;
	v8 =	vsel vm11, $0xB80, v8;
	[tilespmem:$0x1F9D0] =	vst v1;
	v1 =	vcombine.low v31, v30  }
0x33: {  	v0 =	vcombine.low v17, v0;
	v17 =	vsel vm7, $0x880, v32;
	v32 =	vsel vm7, $0x1800, v39  }
0x34: {  	v39 =	vsel vm7, $0x1B80, v46;
	v46 =	vsel vm7, $0x2300, v53;
	[tilespmem:$0x1F9F0] =	vst v1;
	v1 =	vcombine.low v10, v12  }
0x35: {  	v53 =	vsel vm7, $0x2A80, v60;
	v10 =	vimm.s32 $0x880;
	v12 =	vimm.s32 $0x900  }
0x36: {  	v18 =	vsel vm7, $0x900, v10;
	v10 =	vimm.s32 $0x980;
	[tilespmem:$0x1FA20] =	vst v1;
	v1 =	vcombine.low v14, v16  }
0x37: {  	v14 =	vsel vm7, $0x980, v12;
	v12 =	vimm.s32 $0xA00;
	v16 =	vimm.s32 $0x3B00  }
0x38: {  	v21 =	vsel vm7, $0xA80, v12;
	v14 =	vsel vm4, $0xA00, v14;
	[tilespmem:$0x1FA50] =	vst v1;
	v1 =	vcombine.low v19, v23  }
0x39: {  	v12 =	vimm.s32 $0xA80;
	v19 =	vsel vm7, $0xA00, v10;
	v14 =	vsel vm5, $0xA80, v14  }
0x3a: {  	v22 =	vsel vm7, $0xB00, v12;
	v14 =	vsel vm6, $0xB00, v14;
	[tilespmem:$0x1FA70] =	vst v1;
	v1 =	vcombine.low v24, v25  }
0x3b: {  	v10 =	vimm.s32 $0x3800;
	v12 =	vimm.s32 $0x3980;
	v14 =	vsel vm3, $0xB80, v14  }
0x3c: {  	v25 =	vimm.s32 $0xB00;
	v14 =	vsel vm2, $0x0, v14;
	[tilespmem:$0x1FA90] =	vst v1;
	v1 =	vcombine.low v26, v27  }
0x3d: {  	v23 =	vsel vm7, $0xB80, v25;
	v27 =	vimm.s32 $0x1B80;
	v14 =	vsel vm1, $0x80, v14  }
0x3e: {  	v24 =	vsel vm7, $0x1000, v27;
	v14 =	vsel vm0, $0x100, v14;
	[tilespmem:$0x1FAC0] =	vst v1;
	v1 =	vcombine.low v28, v29  }
0x3f: {  	v28 =	vimm.s32 $0x1000;
	v29 =	vimm.s32 $0x1080;
	v14 =	vsel vm9, $0x180, v14  }
0x40: {  	v25 =	vsel vm7, $0x1080, v28;
	v26 =	vsel vm7, $0x1100, v29;
	v29 =	vsel vm7, $0x1280, v36  }
0x41: {  	v36 =	vsel vm7, $0x1A00, v43;
	v43 =	vsel vm7, $0x2180, v50;
	v50 =	vsel vm7, $0x2900, v57  }
0x42: {  	v14 =	vsel vm10, $0x200, v14;
	[tilespmem:$0x1FAE0] =	vst v1;
	v1 =	vcombine.low v30, v31;
	v30 =	vimm.s32 $0x1100  }
0x43: {  	v31 =	vimm.s32 $0x1180;
	v14 =	vsel vm11, $0x280, v14;
	v27 =	vsel vm7, $0x1180, v30  }
0x44: {  	v28 =	vsel vm7, $0x1200, v31;
	v30 =	vsel vm7, $0x1300, v37;
	v31 =	vsel vm7, $0x1380, v38  }
0x45: {  	v37 =	vsel vm7, $0x1A80, v44;
	v38 =	vsel vm7, $0x1B00, v45;
	v44 =	vsel vm7, $0x2200, v51  }
0x46: {  	v45 =	vsel vm7, $0x2280, v52;
	v51 =	vsel vm7, $0x2980, v58;
	v52 =	vsel vm7, $0x2A00, v59  }
0x47: {  	v58 =	vsel vm7, $0x3100, v2;
	v59 =	vsel vm7, $0x3180, v4;
	v2 =	vimm.s32 $0x3200  }
0x48: {  	v4 =	vsel vm4, $0x100, v5;
	v5 =	vsel vm4, $0x180, v7;
	v7 =	vsel vm4, $0x280, v11  }
0x49: {  	v11 =	vsel vm4, $0x880, v15;
	v15 =	vsel vm4, $0xA80, v19;
	v19 =	vsel vm4, $0x0, v23  }
0x4a: {  	v14 =	vsel vm12, $0x300, v14;
	[tilespmem:$0x1FB10] =	vst v1;
	v1 =	vimm.s32 $0x3000;
	v60 =	vsel vm7, $0x3280, v2  }
0x4b: {  	v2 =	vimm.s32 $0x3380;
	v23 =	vsel vm4, $0x1200, v27;
	v27 =	vsel vm4, $0x1800, v31  }
0x4c: {  	v31 =	vsel vm4, $0x1A00, v35;
	v35 =	vsel vm4, $0x1000, v39;
	v39 =	vsel vm4, $0x2200, v43  }
0x4d: {  	v43 =	vsel vm4, $0x2800, v47;
	v47 =	vsel vm4, $0x2A00, v51;
	v51 =	vsel vm4, $0x2000, v55  }
0x4e: {  	v55 =	vsel vm4, $0x3200, v59;
	v4 =	vsel vm5, $0x180, v4;
	v5 =	vsel vm5, $0x200, v5  }
0x4f: {  	v7 =	vsel vm5, $0x300, v7;
	v11 =	vsel vm5, $0x900, v11;
	v15 =	vsel vm5, $0xB00, v15  }
0x50: {  	v19 =	vsel vm5, $0x80, v19;
	v57 =	vsel vm7, $0x3080, v1;
	v1 =	vimm.s32 $0x3180  }
0x51: {  	v23 =	vsel vm5, $0x1280, v23;
	v27 =	vsel vm5, $0x1880, v27;
	v31 =	vsel vm5, $0x1A80, v31  }
0x52: {  	v35 =	vsel vm5, $0x1080, v35;
	v39 =	vsel vm5, $0x2280, v39;
	v43 =	vsel vm5, $0x2880, v43  }
0x53: {  	v47 =	vsel vm5, $0x2A80, v47;
	v51 =	vsel vm5, $0x2080, v51;
	v55 =	vsel vm5, $0x3280, v55  }
0x54: {  	v4 =	vsel vm6, $0x200, v4;
	v5 =	vsel vm6, $0x280, v5;
	v7 =	vsel vm6, $0x380, v7  }
0x55: {  	v11 =	vsel vm6, $0x980, v11;
	v15 =	vsel vm6, $0xB80, v15;
	v19 =	vsel vm6, $0x100, v19  }
0x56: {  	v63 =	vsel vm7, $0x3200, v1;
	v1 =	vsel vm7, $0x3300, v6;
	v6 =	vsel vm4, $0x200, v9  }
0x57: {  	v9 =	vsel vm4, $0x380, v20;
	v20 =	vsel vm4, $0x1080, v24;
	v24 =	vsel vm4, $0x1280, v28  }
0x58: {  	v28 =	vsel vm4, $0x1880, v32;
	v32 =	vsel vm4, $0x1A80, v36;
	v36 =	vsel vm4, $0x2080, v40  }
0x59: {  	v40 =	vsel vm4, $0x2280, v44;
	v44 =	vsel vm4, $0x2880, v48;
	v48 =	vsel vm4, $0x2A80, v52  }
0x5a: {  	v52 =	vsel vm4, $0x3080, v56;
	v56 =	vsel vm4, $0x3300, v60;
	v23 =	vsel vm6, $0x1300, v23  }
0x5b: {  	v27 =	vsel vm6, $0x1900, v27;
	v31 =	vsel vm6, $0x1B00, v31;
	v35 =	vsel vm6, $0x1100, v35  }
0x5c: {  	v39 =	vsel vm6, $0x2300, v39;
	v43 =	vsel vm6, $0x2900, v43;
	v47 =	vsel vm6, $0x2B00, v47  }
0x5d: {  	v51 =	vsel vm6, $0x2100, v51;
	v55 =	vsel vm6, $0x3300, v55;
	v4 =	vsel vm3, $0x280, v4  }
0x5e: {  	v5 =	vsel vm3, $0x300, v5;
	v7 =	vsel vm3, $0x800, v7;
	v11 =	vsel vm3, $0xA00, v11  }
0x5f: {  	v15 =	vsel vm3, $0x0, v15;
	v19 =	vsel vm3, $0x180, v19;
	[tilespmem:$0x1F840] =	vst v1;
	v1 =	vimm.s32 $0x3300  }
0x60: {  	v63 =	vsel vm4, $0x3280, v63;
	v6 =	vsel vm5, $0x280, v6;
	v9 =	vsel vm5, $0x800, v9  }
0x61: {  	v20 =	vsel vm5, $0x1100, v20;
	v62 =	vsel vm7, $0x3380, v1;
	v1 =	vsel vm7, $0x3800, v2  }
0x62: {  	v24 =	vsel vm5, $0x1300, v24;
	v28 =	vsel vm5, $0x1900, v28;
	[tilespmem:$0x1F850] =	vst v1;
	v1 =	vsel vm7, $0x3880, v10  }
0x63: {  	v32 =	vsel vm5, $0x1B00, v32;
	v2 =	vimm.s32 $0x3900;
	[tilespmem:$0x1F860] =	vst v1;
	v1 =	vimm.s32 $0x3880  }
0x64: {  	v36 =	vsel vm5, $0x2100, v36;
	v61 =	vsel vm7, $0x3900, v1;
	v1 =	vsel vm7, $0x3980, v2  }
0x65: {  	v40 =	vsel vm5, $0x2300, v40;
	v44 =	vsel vm5, $0x2900, v44;
	[tilespmem:$0x1F870] =	vst v1;
	v1 =	vsel vm7, $0x3A00, v12  }
0x66: {  	v48 =	vsel vm5, $0x2B00, v48;
	v52 =	vsel vm5, $0x3100, v52;
	[tilespmem:$0x1F880] =	vst v1;
	v1 =	vimm.s32 $0x3A00  }
0x67: {  	v56 =	vsel vm5, $0x3380, v56;
	v23 =	vsel vm3, $0x1380, v23;
	v1 =	vsel vm7, $0x3A80, v1  }
0x68: {  	v27 =	vsel vm3, $0x1980, v27;
	v31 =	vsel vm3, $0x1B80, v31;
	v35 =	vsel vm3, $0x1180, v35;
	[tilespmem:$0x1F890] =	vst v1;
	v1 =	vld [tilespmem:$0x1F880]  }
0x69: {  	v39 =	vsel vm3, $0x2380, v39;
	v43 =	vsel vm3, $0x2980, v43;
	v47 =	vsel vm3, $0x2B80, v47  }
0x6a: {  	v51 =	vsel vm3, $0x2180, v51;
	v55 =	vsel vm3, $0x3380, v55;
	v4 =	vsel vm2, $0x300, v4  }
0x6b: {  	v5 =	vsel vm2, $0x380, v5;
	v7 =	vsel vm2, $0x880, v7;
	v11 =	vsel vm2, $0xA80, v11  }
0x6c: {  	v15 =	vsel vm2, $0x80, v15;
	v19 =	vsel vm2, $0x200, v19;
	v63 =	vsel vm5, $0x3300, v63  }
0x6d: {  	v6 =	vsel vm6, $0x300, v6;
	v9 =	vsel vm6, $0x880, v9;
	v1 =	vsel vm4, $0x3A80, v1  }
0x6e: {  	v20 =	vsel vm6, $0x1180, v20;
	v24 =	vsel vm6, $0x1380, v24;
	v28 =	vsel vm6, $0x1980, v28;
	[tilespmem:$0x1F8A0] =	vst v1;
	v1 =	vld [tilespmem:$0x1F890]  }
0x6f: {  	v32 =	vsel vm6, $0x1B80, v32;
	v36 =	vsel vm6, $0x2180, v36;
	v40 =	vsel vm6, $0x2380, v40  }
0x70: {  	v44 =	vsel vm6, $0x2980, v44;
	v48 =	vsel vm6, $0x2B80, v48;
	v56 =	vsel vm6, $0x3800, v56  }
0x71: {  	v4 =	vsel vm1, $0x380, v4;
	v5 =	vsel vm1, $0x800, v5;
	v7 =	vsel vm1, $0x900, v7  }
0x72: {  	v11 =	vsel vm1, $0xB00, v11;
	v15 =	vsel vm1, $0x100, v15;
	v2 =	vimm.s32 $0x3A80  }
0x73: {  	v10 =	vsel vm4, $0x800, v13;
	v2 =	vsel vm7, $0x3B00, v2;
	v1 =	vsel vm4, $0x3B00, v1  }
0x74: {  	v13 =	vsel vm4, $0x980, v18;
	v18 =	vsel vm4, $0xB80, v22;
	[tilespmem:$0x1F8B0] =	vst v1;
	v1 =	vsel vm4, $0x3B80, v2  }
0x75: {  	v22 =	vsel vm4, $0x1180, v26;
	v26 =	vsel vm4, $0x1380, v30;
	[tilespmem:$0x1F8C0] =	vst v1;
	v1 =	vsel vm9, $0x800, v3  }
0x76: {  	v30 =	vsel vm4, $0x1980, v34;
	v34 =	vsel vm4, $0x1B80, v38;
	v38 =	vsel vm4, $0x2180, v42;
	[tilespmem:$0x1F8D0] =	vst v1;
	v1 =	vld [tilespmem:$0x1F8A0]  }
0x77: {  	v42 =	vsel vm4, $0x2380, v46;
	v46 =	vsel vm4, $0x2980, v50;
	v50 =	vsel vm4, $0x2B80, v54  }
0x78: {  	v54 =	vsel vm4, $0x3180, v58;
	v63 =	vsel vm6, $0x3380, v63;
	v6 =	vsel vm3, $0x380, v6  }
0x79: {  	v9 =	vsel vm3, $0x900, v9;
	v20 =	vsel vm3, $0x1200, v20;
	v24 =	vsel vm3, $0x1800, v24  }
0x7a: {  	v28 =	vsel vm3, $0x1A00, v28;
	v32 =	vsel vm3, $0x1000, v32;
	v36 =	vsel vm3, $0x2200, v36  }
0x7b: {  	v40 =	vsel vm3, $0x2800, v40;
	v44 =	vsel vm3, $0x2A00, v44;
	v1 =	vsel vm5, $0x3B00, v1  }
0x7c: {  	v48 =	vsel vm3, $0x2000, v48;
	v56 =	vsel vm3, $0x3880, v56;
	v1 =	vsel vm6, $0x3B80, v1  }
0x7d: {  	v4 =	vsel vm0, $0x800, v4;
	v5 =	vsel vm0, $0x880, v5;
	v11 =	vsel vm0, $0xB80, v11;
	[tilespmem:$0x1F8E0] =	vst v1;
	v1 =	vld [tilespmem:$0x1F8D0]  }
0x7e: {  	v15 =	vsel vm0, $0x180, v15;
	v13 =	vsel vm5, $0xA00, v13;
	v18 =	vsel vm5, $0x0, v18  }
0x7f: {  	v22 =	vsel vm5, $0x1200, v22;
	v26 =	vsel vm5, $0x1800, v26;
	v30 =	vsel vm5, $0x1A00, v30  }
0x80: {  	v34 =	vsel vm5, $0x1000, v34;
	v46 =	vsel vm5, $0x2A00, v46;
	v63 =	vsel vm3, $0x3800, v63  }
0x81: {  	v6 =	vsel vm2, $0x800, v6;
	v9 =	vsel vm2, $0x980, v9;
	v20 =	vsel vm2, $0x1280, v20  }
0x82: {  	v24 =	vsel vm2, $0x1880, v24;
	v28 =	vsel vm2, $0x1A80, v28;
	v1 =	vsel vm10, $0x880, v1  }
0x83: {  	v32 =	vsel vm2, $0x1080, v32;
	v36 =	vsel vm2, $0x2280, v36;
	v40 =	vsel vm2, $0x2880, v40;
	[tilespmem:$0x1F8F0] =	vst v1;
	v1 =	vld [tilespmem:$0x1F8E0]  }
0x84: {  	v44 =	vsel vm2, $0x2A80, v44;
	v48 =	vsel vm2, $0x2080, v48;
	v56 =	vsel vm2, $0x3900, v56  }
0x85: {  	v4 =	vsel vm9, $0x880, v4;
	v11 =	vsel vm9, $0x0, v11;
	v15 =	vsel vm9, $0x200, v15  }
0x86: {  	v13 =	vsel vm6, $0xA80, v13;
	v18 =	vsel vm6, $0x80, v18;
	v22 =	vsel vm6, $0x1280, v22  }
0x87: {  	v26 =	vsel vm6, $0x1880, v26;
	v30 =	vsel vm6, $0x1A80, v30;
	v34 =	vsel vm6, $0x1080, v34  }
0x88: {  	v46 =	vsel vm6, $0x2A80, v46;
	v63 =	vsel vm2, $0x3880, v63;
	v1 =	vsel vm3, $0x3000, v1  }
0x89: {  	v6 =	vsel vm1, $0x880, v6;
	v9 =	vsel vm1, $0xA00, v9;
	v1 =	vsel vm2, $0x3080, v1  }
0x8a: {  	v20 =	vsel vm1, $0x1300, v20;
	v24 =	vsel vm1, $0x1900, v24;
	v28 =	vsel vm1, $0x1B00, v28;
	[tilespmem:$0x1F900] =	vst v1;
	v1 =	vld [tilespmem:$0x1F8F0]  }
0x8b: {  	v32 =	vsel vm1, $0x1100, v32;
	v36 =	vsel vm1, $0x2300, v36;
	v40 =	vsel vm1, $0x2900, v40  }
0x8c: {  	v44 =	vsel vm1, $0x2B00, v44;
	v48 =	vsel vm1, $0x2100, v48;
	v56 =	vsel vm1, $0x3980, v56  }
0x8d: {  	v4 =	vsel vm10, $0x900, v4;
	v11 =	vsel vm10, $0x80, v11;
	v15 =	vsel vm10, $0x280, v15  }
0x8e: {  	v12 =	vsel vm4, $0x900, v17;
	v17 =	vsel vm4, $0xB00, v21;
	v21 =	vsel vm4, $0x1100, v25  }
0x8f: {  	v25 =	vsel vm4, $0x1300, v29;
	v29 =	vsel vm4, $0x1900, v33;
	v1 =	vsel vm11, $0x900, v1  }
0x90: {  	v33 =	vsel vm4, $0x1B00, v37;
	v37 =	vsel vm4, $0x2100, v41;
	v41 =	vsel vm4, $0x2300, v45;
	[tilespmem:$0x1F910] =	vst v1;
	v1 =	vld [tilespmem:$0x1F900]  }
0x91: {  	v45 =	vsel vm4, $0x2900, v49;
	v49 =	vsel vm4, $0x2B00, v53;
	v53 =	vsel vm4, $0x3100, v57  }
0x92: {  	v13 =	vsel vm3, $0xB00, v13;
	v18 =	vsel vm3, $0x100, v18;
	v22 =	vsel vm3, $0x1300, v22  }
0x93: {  	v26 =	vsel vm3, $0x1900, v26;
	v30 =	vsel vm3, $0x1B00, v30;
	v34 =	vsel vm3, $0x1100, v34  }
0x94: {  	v60 =	vld [tilespmem:$0x1F840];
	v46 =	vsel vm3, $0x2B00, v46;
	v63 =	vsel vm1, $0x3900, v63;
	v6 =	vsel vm0, $0x900, v6  }
0x95: {  	v9 =	vsel vm0, $0xA80, v9;
	v20 =	vsel vm0, $0x1380, v20;
	v1 =	vsel vm1, $0x3100, v1  }
0x96: {  	v24 =	vsel vm0, $0x1980, v24;
	v28 =	vsel vm0, $0x1B80, v28;
	v32 =	vsel vm0, $0x1180, v32;
	[tilespmem:$0x1F920] =	vst v1;
	v1 =	vld [tilespmem:$0x1F910]  }
0x97: {  	v36 =	vsel vm0, $0x2380, v36;
	v40 =	vsel vm0, $0x2980, v40;
	v44 =	vsel vm0, $0x2B80, v44  }
0x98: {  	v48 =	vsel vm0, $0x2180, v48;
	v56 =	vsel vm0, $0x3A00, v56;
	v4 =	vsel vm11, $0x980, v4  }
0x99: {  	v11 =	vsel vm11, $0x100, v11;
	v15 =	vsel vm11, $0x300, v15;
	v57 =	vsel vm4, $0x3380, v60  }
0x9a: {  	v45 =	vsel vm5, $0x2980, v45;
	v53 =	vsel vm5, $0x3180, v53;
	v13 =	vsel vm2, $0xB80, v13  }
0x9b: {  	v18 =	vsel vm2, $0x180, v18;
	v22 =	vsel vm2, $0x1380, v22;
	v1 =	vsel vm12, $0x980, v1  }
0x9c: {  	v26 =	vsel vm2, $0x1980, v26;
	v30 =	vsel vm2, $0x1B80, v30;
	v34 =	vsel vm2, $0x1180, v34;
	[tilespmem:$0x1F930] =	vst v1;
	v1 =	vld [tilespmem:$0x1F920]  }
0x9d: {  	v46 =	vsel vm2, $0x2B80, v46;
	v63 =	vsel vm0, $0x3980, v63;
	v6 =	vsel vm9, $0x980, v6  }
0x9e: {  	v9 =	vsel vm9, $0xB00, v9;
	v20 =	vsel vm9, $0x1800, v20;
	v24 =	vsel vm9, $0x1A00, v24  }
0x9f: {  	v28 =	vsel vm9, $0x1000, v28;
	v32 =	vsel vm9, $0x1200, v32;
	v36 =	vsel vm9, $0x2800, v36  }
0xa0: {  	v40 =	vsel vm9, $0x2A00, v40;
	v44 =	vsel vm9, $0x2000, v44;
	v48 =	vsel vm9, $0x2200, v48  }
0xa1: {  	v56 =	vsel vm9, $0x3A80, v56;
	v4 =	vsel vm12, $0xA00, v4;
	v1 =	vsel vm0, $0x3180, v1  }
0xa2: {  	v45 =	vsel vm6, $0x2A00, v45;
	v53 =	vsel vm6, $0x3200, v53;
	v1 =	vsel vm9, $0x3200, v1  }
0xa3: {  	v13 =	vsel vm1, $0x0, v13;
	v18 =	vsel vm1, $0x200, v18;
	v22 =	vsel vm1, $0x1800, v22;
	[tilespmem:$0x1F940] =	vst v1;
	v1 =	vld [tilespmem:$0x1F930]  }
0xa4: {  	v26 =	vsel vm1, $0x1A00, v26;
	v30 =	vsel vm1, $0x1000, v30;
	v34 =	vsel vm1, $0x1200, v34  }
0xa5: {  	v46 =	vsel vm1, $0x2000, v46;
	v63 =	vsel vm9, $0x3A00, v63;
	v6 =	vsel vm10, $0xA00, v6  }
0xa6: {  	v9 =	vsel vm10, $0xB80, v9;
	v20 =	vsel vm10, $0x1880, v20;
	v24 =	vsel vm10, $0x1A80, v24  }
0xa7: {  	v28 =	vsel vm10, $0x1080, v28;
	v32 =	vsel vm10, $0x1280, v32;
	v36 =	vsel vm10, $0x2880, v36  }
0xa8: {  	v40 =	vsel vm10, $0x2A80, v40;
	v44 =	vsel vm10, $0x2080, v44;
	v1 =	vsel vm13, $0xA00, v1  }
0xa9: {  	v48 =	vsel vm10, $0x2280, v48;
	v56 =	vsel vm10, $0x3B00, v56;
	v45 =	vsel vm3, $0x2A80, v45;
	[tilespmem:$0x1F950] =	vst v1;
	v1 =	vld [tilespmem:$0x1F940]  }
0xaa: {  	v53 =	vsel vm3, $0x3280, v53;
	v13 =	vsel vm0, $0x80, v13;
	v18 =	vsel vm0, $0x280, v18  }
0xab: {  	v22 =	vsel vm0, $0x1880, v22;
	v26 =	vsel vm0, $0x1A80, v26;
	v30 =	vsel vm0, $0x1080, v30  }
0xac: {  	v34 =	vsel vm0, $0x1280, v34;
	v46 =	vsel vm0, $0x2080, v46;
	v63 =	vsel vm10, $0x3A80, v63  }
0xad: {  	v6 =	vsel vm11, $0xA80, v6;
	v9 =	vsel vm11, $0x0, v9;
	v20 =	vsel vm11, $0x1900, v20  }
0xae: {  	v24 =	vsel vm11, $0x1B00, v24;
	v28 =	vsel vm11, $0x1100, v28;
	v1 =	vsel vm10, $0x3280, v1  }
0xaf: {  	v32 =	vsel vm11, $0x1300, v32;
	v36 =	vsel vm11, $0x2900, v36;
	v1 =	vsel vm11, $0x3300, v1  }
0xb0: {  	v40 =	vsel vm11, $0x2B00, v40;
	v44 =	vsel vm11, $0x2100, v44;
	v48 =	vsel vm11, $0x2300, v48;
	[tilespmem:$0x1F960] =	vst v1;
	v1 =	vld [tilespmem:$0x1F950]  }
0xb1: {  	v56 =	vsel vm11, $0x3B80, v56;
	v45 =	vsel vm2, $0x2B00, v45;
	v53 =	vsel vm2, $0x3300, v53  }
0xb2: {  	v13 =	vsel vm9, $0x100, v13;
	v18 =	vsel vm9, $0x300, v18;
	v22 =	vsel vm9, $0x1900, v22  }
0xb3: {  	v26 =	vsel vm9, $0x1B00, v26;
	v30 =	vsel vm9, $0x1100, v30;
	v34 =	vsel vm9, $0x1300, v34  }
0xb4: {  	v46 =	vsel vm9, $0x2100, v46;
	v63 =	vsel vm11, $0x3B00, v63;
	v45 =	vsel vm1, $0x2B80, v45  }
0xb5: {  	v53 =	vsel vm1, $0x3380, v53;
	v13 =	vsel vm10, $0x180, v13;
	v1 =	vsel vm14, $0xA80, v1  }
0xb6: {  	v13 =	vsel vm11, $0x200, v13;
	[tilespmem:$0x1F970] =	vst v1;
	v1 =	vsel vm13, $0xA80, v4;
	v4 =	vsel vm12, $0xB00, v6  }
0xb7: {  	v6 =	vsel vm12, $0x0, v8;
	v8 =	vsel vm12, $0x80, v9;
	v9 =	vsel vm12, $0x180, v11  }
0xb8: {  	v18 =	vsel vm10, $0x380, v18;
	v22 =	vsel vm10, $0x1980, v22;
	[tilespmem:$0x1F9E0] =	vst v9;
	v9 =	vsel vm12, $0x280, v13  }
0xb9: {  	v26 =	vsel vm10, $0x1B80, v26;
	v18 =	vsel vm11, $0x800, v18;
	[tilespmem:$0x1FA10] =	vst v9;
	v9 =	vsel vm12, $0x380, v15  }
0xba: {  	v30 =	vsel vm10, $0x1180, v30;
	v34 =	vsel vm10, $0x1380, v34;
	[tilespmem:$0x1FA40] =	vst v9;
	v9 =	vsel vm12, $0x880, v18  }
0xbb: {  	v46 =	vsel vm10, $0x2180, v46;
	v22 =	vsel vm11, $0x1A00, v22;
	[tilespmem:$0x1FAA0] =	vst v9;
	v9 =	vsel vm12, $0x1980, v20  }
0xbc: {  	v45 =	vsel vm0, $0x2000, v45;
	v53 =	vsel vm0, $0x3800, v53;
	v2 =	vld [tilespmem:$0x1F8B0];
	[tilespmem:$0x1FB00] =	vst v9;
	v9 =	vsel vm12, $0x1A80, v22  }
0xbd: {  	v26 =	vsel vm11, $0x1000, v26;
	v30 =	vsel vm11, $0x1200, v30;
	v3 =	vld [tilespmem:$0x1F8C0];
	[tilespmem:$0x1FB20] =	vst v9;
	v9 =	vsel vm12, $0x1B80, v24  }
0xbe: {  	v34 =	vsel vm11, $0x1800, v34;
	v46 =	vsel vm11, $0x2200, v46;
	[tilespmem:$0x1FB30] =	vst v9;
	v9 =	vsel vm12, $0x1080, v26  }
0xbf: {  	v45 =	vsel vm9, $0x2080, v45;
	v53 =	vsel vm9, $0x3880, v53;
	[tilespmem:$0x1FB50] =	vst v9;
	v9 =	vsel vm12, $0x1180, v28  }
0xc0: {  	v45 =	vsel vm10, $0x2100, v45;
	v53 =	vsel vm10, $0x3900, v53;
	[tilespmem:$0x1FB80] =	vst v9;
	v9 =	vsel vm12, $0x1280, v30  }
0xc1: {  	v45 =	vsel vm11, $0x2180, v45;
	v53 =	vsel vm11, $0x3980, v53;
	[tilespmem:$0x1FBB0] =	vst v9;
	v9 =	vsel vm12, $0x1380, v32  }
0xc2: {  	v2 =	vsel vm5, $0x3B80, v2;
	v3 =	vsel vm5, $0x3000, v3;
	[tilespmem:$0x1FBE0] =	vst v9;
	v9 =	vsel vm12, $0x1880, v34  }
0xc3: {  	v2 =	vsel vm6, $0x3000, v2;
	v3 =	vsel vm6, $0x3080, v3;
	[tilespmem:$0x1FC10] =	vst v9;
	v9 =	vsel vm12, $0x2980, v36  }
0xc4: {  	v2 =	vsel vm3, $0x3080, v2;
	v3 =	vsel vm3, $0x3100, v3;
	[tilespmem:$0x1FC40] =	vst v9;
	v9 =	vsel vm12, $0x2B80, v40  }
0xc5: {  	v2 =	vsel vm2, $0x3100, v2;
	v3 =	vsel vm2, $0x3180, v3;
	[tilespmem:$0x1FC50] =	vst v9;
	v9 =	vsel vm12, $0x2180, v44  }
0xc6: {  	v2 =	vsel vm1, $0x3180, v2;
	v3 =	vsel vm1, $0x3200, v3;
	[tilespmem:$0x1FC60] =	vst v9;
	v9 =	vsel vm12, $0x2200, v45  }
0xc7: {  	v2 =	vsel vm0, $0x3200, v2;
	v3 =	vsel vm0, $0x3280, v3;
	[tilespmem:$0x1FC70] =	vst v9;
	v9 =	vsel vm12, $0x2280, v46  }
0xc8: {  	v2 =	vsel vm9, $0x3280, v2;
	v3 =	vsel vm9, $0x3300, v3;
	[tilespmem:$0x1FC90] =	vst v9;
	v9 =	vsel vm12, $0x2380, v48  }
0xc9: {  	v2 =	vsel vm10, $0x3300, v2;
	v3 =	vsel vm10, $0x3380, v3;
	[tilespmem:$0x1FCC0] =	vst v9;
	v9 =	vsel vm12, $0x3A00, v53  }
0xca: {  	v2 =	vsel vm11, $0x3380, v2;
	v3 =	vsel vm11, $0x3800, v3;
	[tilespmem:$0x1FD10] =	vst v9;
	v9 =	vsel vm12, $0x3B80, v63  }
0xcb: {  	v60 =	vld [tilespmem:$0x1F850];
	[tilespmem:$0x1FD20] =	vst v9;
	v9 =	vsel vm12, $0x3000, v56;
	v56 =	vsel vm12, $0x3800, v2;
	v2 =	vsel vm12, $0x3880, v3  }
0xcc: {  	v7 =	vsel vm0, $0x980, v7;
	v10 =	vsel vm5, $0x880, v10;
	v5 =	vsel vm9, $0x900, v5;
	[tilespmem:$0x1FDF0] =	vst v2;
	v2 =	vld [tilespmem:$0x1F970]  }
0xcd: {  	v7 =	vsel vm9, $0xA00, v7;
	v10 =	vsel vm6, $0x900, v10;
	v5 =	vsel vm10, $0x980, v5  }
0xce: {  	v7 =	vsel vm10, $0xA80, v7;
	v61 =	vsel vm4, $0x3980, v61;
	v10 =	vsel vm3, $0x980, v10  }
0xcf: {  	v5 =	vsel vm11, $0xA00, v5;
	v7 =	vsel vm11, $0xB00, v7;
	v61 =	vsel vm5, $0x3A00, v61  }
0xd0: {  	v10 =	vsel vm2, $0xA00, v10;
	v61 =	vsel vm6, $0x3A80, v61;
	v58 =	vsel vm4, $0x3880, v60;
	v60 =	vld [tilespmem:$0x1F860]  }
0xd1: {  	v61 =	vsel vm3, $0x3B00, v61;
	v58 =	vsel vm5, $0x3900, v58;
	v2 =	vsel vm15, $0xB00, v2  }
0xd2: {  	v5 =	vsel vm12, $0xA80, v5;
	v61 =	vsel vm2, $0x3B80, v61;
	v58 =	vsel vm6, $0x3980, v58;
	[tilespmem:$0x1FD80] =	vst v2;
	v2 =	vld [tilespmem:$0x1F980]  }
0xd3: {  	v7 =	vsel vm12, $0xB80, v7;
	v61 =	vsel vm1, $0x3000, v61;
	v58 =	vsel vm3, $0x3A00, v58  }
0xd4: {  	v10 =	vsel vm1, $0xA80, v10;
	v61 =	vsel vm0, $0x3080, v61;
	v58 =	vsel vm2, $0x3A80, v58  }
0xd5: {  	v59 =	vsel vm4, $0x3900, v60;
	v58 =	vsel vm1, $0x3B00, v58;
	v1 =	vsel vm14, $0xB00, v1  }
0xd6: {  	v59 =	vsel vm5, $0x3980, v59;
	v1 =	vsel vm15, $0xB80, v1;
	v3 =	vsel vm13, $0xB00, v5  }
0xd7: {  	v59 =	vsel vm6, $0x3A00, v59;
	[tilespmem:$0x1FDB0] =	vst v1;
	v1 =	vsel vm14, $0xB80, v3;
	v3 =	vand.u32 $0xF, v2;
	v2 =	vld [tilespmem:$0x1F990]  }
0xd8: {  	v61 =	vsel vm9, $0x3100, v61;
	v58 =	vsel vm0, $0x3B80, v58;
	v59 =	vsel vm3, $0x3A80, v59  }
0xd9: {  	v61 =	vsel vm10, $0x3180, v61;
	v58 =	vsel vm9, $0x3000, v58;
	v59 =	vsel vm2, $0x3B00, v59  }
0xda: {  	v61 =	vsel vm11, $0x3200, v61;
	v58 =	vsel vm10, $0x3080, v58;
	v59 =	vsel vm1, $0x3B80, v59  }
0xdb: {  	v58 =	vsel vm11, $0x3100, v58;
	v59 =	vsel vm0, $0x3000, v59;
	v1 =	vsel vm15, $0x0, v1  }
0xdc: {  	v59 =	vsel vm9, $0x3080, v59;
	[tilespmem:$0x1FDC0] =	vst v1;
	v1 =	vsel vm13, $0xB80, v4;
	v5 =	vand.u32 $0xF, v2;
	v2 =	vld [tilespmem:$0x1F9A0]  }
0xdd: {  	v59 =	vsel vm10, $0x3100, v59;
	[tilespmem:$0x1FD30] =	vst v9;
	v9 =	vsel vm12, $0x3180, v58;
	v1 =	vsel vm14, $0x0, v1  }
0xde: {  	v59 =	vsel vm11, $0x3180, v59;
	[tilespmem:$0x1FD50] =	vst v9;
	v4 =	vsel vm13, $0x0, v7;
	v1 =	vsel vm15, $0x80, v1  }
0xdf: {  	v9 =	vsel vm12, $0x3280, v61;
	[tilespmem:$0x1FDE0] =	vst v1;
	v1 =	vsel vm14, $0x80, v4;
	v4 =	vsel vm13, $0x80, v6  }
0xe0: {  	v53 =	vsel vm12, $0x3200, v59;
	[tilespmem:$0x1FD90] =	vst v9;
	v9 =	vld [tilespmem:$0x1F960];
	v59 =	vsel vm15, $0x100, v1;
	v1 =	vsel vm14, $0x100, v4  }
0xe1: {  	v40 =	vsel vm15, $0x180, v1;
	v1 =	vsel vm13, $0x100, v8;
	v7 =	vand.u32 $0xF, v2;
	v2 =	vld [tilespmem:$0x1F9B0]  }
0xe2: {  	v52 =	vsel vm6, $0x3180, v52;
	v10 =	vsel vm0, $0xB00, v10;
	v1 =	vsel vm14, $0x180, v1  }
0xe3: {  	v12 =	vsel vm5, $0x980, v12;
	v10 =	vsel vm9, $0xB80, v10;
	v34 =	vsel vm15, $0x200, v1;
	v1 =	vld [tilespmem:$0x1F9D0]  }
0xe4: {  	v23 =	vsel vm2, $0x1800, v23;
	v12 =	vsel vm6, $0xA00, v12;
	v10 =	vsel vm10, $0x0, v10  }
0xe5: {  	v27 =	vsel vm2, $0x1A00, v27;
	v12 =	vsel vm3, $0xA80, v12;
	v10 =	vsel vm11, $0x80, v10  }
0xe6: {  	v10 =	vsel vm12, $0x100, v10;
	v58 =	vsel vm12, $0x3380, v9;
	v9 =	vand.u32 $0xF, v2;
	v2 =	vld [tilespmem:$0x1F9C0]  }
0xe7: {  	v31 =	vsel vm2, $0x1000, v31;
	v12 =	vsel vm2, $0xB00, v12;
	v4 =	vsel vm13, $0x180, v10  }
0xe8: {  	v12 =	vsel vm1, $0xB80, v12;
	v13 =	vand.u32 $0xF, v1;
	v1 =	vsel vm14, $0x200, v4  }
0xe9: {  	v35 =	vsel vm2, $0x1200, v35;
	v12 =	vsel vm0, $0x0, v12;
	v36 =	vsel vm15, $0x280, v1;
	v1 =	vld [tilespmem:$0x1F9E0]  }
0xea: {  	v39 =	vsel vm2, $0x2800, v39;
	v43 =	vsel vm2, $0x2A00, v43;
	v12 =	vsel vm9, $0x80, v12  }
0xeb: {  	v47 =	vsel vm2, $0x2000, v47;
	v12 =	vsel vm10, $0x100, v12;
	v11 =	vand.u32 $0xF, v2;
	v2 =	vld [tilespmem:$0x1F9F0]  }
0xec: {  	v51 =	vsel vm2, $0x2200, v51;
	v55 =	vsel vm2, $0x3800, v55;
	v12 =	vsel vm11, $0x180, v12  }
0xed: {  	v19 =	vsel vm1, $0x280, v19;
	v62 =	vsel vm4, $0x3800, v62;
	v12 =	vsel vm12, $0x200, v12  }
0xee: {  	v52 =	vsel vm3, $0x3200, v52;
	v4 =	vsel vm13, $0x280, v12;
	v1 =	vsel vm13, $0x200, v1  }
0xef: {  	v23 =	vsel vm1, $0x1880, v23;
	v4 =	vsel vm14, $0x300, v4;
	v1 =	vsel vm14, $0x280, v1  }
0xf0: {  	v12 =	vsel vm15, $0x300, v1;
	v1 =	vsel vm15, $0x380, v4;
	v15 =	vand.u32 $0xF, v2;
	v2 =	vld [tilespmem:$0x1FA20]  }
0xf1: {  	v27 =	vsel vm1, $0x1A80, v27;
	v31 =	vsel vm1, $0x1080, v31;
	v35 =	vsel vm1, $0x1280, v35;
	[tilespmem:$0x1FA00] =	vst v1;
	v1 =	vld [tilespmem:$0x1FA10]  }
0xf2: {  	v39 =	vsel vm1, $0x2880, v39;
	v43 =	vsel vm1, $0x2A80, v43;
	v47 =	vsel vm1, $0x2080, v47  }
0xf3: {  	v51 =	vsel vm1, $0x2280, v51;
	v55 =	vsel vm1, $0x3880, v55;
	v19 =	vsel vm0, $0x300, v19  }
0xf4: {  	v38 =	vsel vm5, $0x2200, v38;
	v42 =	vsel vm5, $0x2800, v42;
	v50 =	vsel vm5, $0x2000, v50  }
0xf5: {  	v62 =	vsel vm5, $0x3880, v62;
	v23 =	vsel vm0, $0x1900, v23;
	v18 =	vand.u32 $0xF, v2;
	v2 =	vld [tilespmem:$0x1FA40]  }
0xf6: {  	v27 =	vsel vm0, $0x1B00, v27;
	v31 =	vsel vm0, $0x1100, v31;
	v1 =	vsel vm13, $0x300, v1  }
0xf7: {  	v35 =	vsel vm0, $0x1300, v35;
	v39 =	vsel vm0, $0x2900, v39;
	v1 =	vsel vm14, $0x380, v1  }
0xf8: {  	v43 =	vsel vm0, $0x2B00, v43;
	v4 =	vsel vm13, $0x380, v14;
	v1 =	vsel vm15, $0x800, v1  }
0xf9: {  	v19 =	vsel vm9, $0x380, v19;
	v17 =	vsel vm5, $0xB80, v17;
	[tilespmem:$0x1FA30] =	vst v1;
	v1 =	vsel vm14, $0x800, v4  }
0xfa: {  	v17 =	vsel vm6, $0x0, v17;
	v1 =	vsel vm15, $0x880, v1;
	v4 =	vsel vm13, $0x800, v2;
	v2 =	vld [tilespmem:$0x1FA50]  }
0xfb: {  	v38 =	vsel vm6, $0x2280, v38;
	v17 =	vsel vm3, $0x80, v17;
	[tilespmem:$0x1FA60] =	vst v1;
	v1 =	vsel vm14, $0x880, v4;
	v4 =	vld [tilespmem:$0x1FA70]  }
0xfc: {  	v42 =	vsel vm6, $0x2880, v42;
	v62 =	vsel vm6, $0x3900, v62;
	v17 =	vsel vm2, $0x100, v17  }
0xfd: {  	v23 =	vsel vm9, $0x1980, v23;
	v27 =	vsel vm9, $0x1B80, v27;
	v17 =	vsel vm1, $0x180, v17  }
0xfe: {  	v31 =	vsel vm9, $0x1180, v31;
	v35 =	vsel vm9, $0x1380, v35;
	v17 =	vsel vm0, $0x200, v17  }
0xff: {  	v39 =	vsel vm9, $0x2980, v39;
	v17 =	vsel vm9, $0x280, v17;
	v20 =	vand.u32 $0xF, v2;
	v2 =	vld [tilespmem:$0x1FAA0]  }
0x100: {  	v43 =	vsel vm9, $0x2B80, v43;
	v17 =	vsel vm10, $0x300, v17;
	v22 =	vand.u32 $0xF, v4;
	v4 =	vld [tilespmem:$0x1FA90]  }
0x101: {  	v19 =	vsel vm10, $0x800, v19;
	v38 =	vsel vm3, $0x2300, v38;
	v17 =	vsel vm11, $0x380, v17  }
0x102: {  	v42 =	vsel vm3, $0x2900, v42;
	v17 =	vsel vm12, $0x800, v17;
	v1 =	vsel vm15, $0x900, v1  }
0x103: {  	v62 =	vsel vm3, $0x3980, v62;
	v23 =	vsel vm10, $0x1A00, v23;
	[tilespmem:$0x1FA80] =	vst v1;
	v1 =	vsel vm13, $0x880, v17  }
0x104: {  	v27 =	vsel vm10, $0x1000, v27;
	v19 =	vsel vm11, $0x880, v19;
	v1 =	vsel vm14, $0x900, v1  }
0x105: {  	v1 =	vsel vm15, $0x980, v1;
	v24 =	vand.u32 $0xF, v4;
	v4 =	vsel vm13, $0x900, v2  }
0x106: {  	v31 =	vsel vm10, $0x1200, v31;
	v19 =	vsel vm12, $0x900, v19;
	[tilespmem:$0x1FAB0] =	vst v1;
	v1 =	vsel vm14, $0x980, v4  }
0x107: {  	v35 =	vsel vm10, $0x1800, v35;
	v4 =	vsel vm13, $0x980, v19;
	v1 =	vsel vm15, $0xA00, v1  }
0x108: {  	v39 =	vsel vm10, $0x2A00, v39;
	v21 =	vsel vm5, $0x1180, v21;
	[tilespmem:$0x1FAD0] =	vst v1;
	v1 =	vsel vm14, $0xA00, v4;
	v4 =	vld [tilespmem:$0x1FAE0]  }
0x109: {  	v43 =	vsel vm10, $0x2000, v43;
	v25 =	vsel vm5, $0x1380, v25;
	v21 =	vsel vm6, $0x1200, v21  }
0x10a: {  	v29 =	vsel vm5, $0x1980, v29;
	v33 =	vsel vm5, $0x1B80, v33;
	v21 =	vsel vm3, $0x1280, v21  }
0x10b: {  	v37 =	vsel vm5, $0x2180, v37;
	v21 =	vsel vm2, $0x1300, v21;
	v1 =	vsel vm15, $0xA80, v1  }
0x10c: {  	v41 =	vsel vm5, $0x2380, v41;
	v38 =	vsel vm2, $0x2380, v38;
	v21 =	vsel vm1, $0x1380, v21;
	[tilespmem:$0x1FAF0] =	vst v1;
	v1 =	vld [tilespmem:$0x1FB00]  }
0x10d: {  	v42 =	vsel vm2, $0x2980, v42;
	v21 =	vsel vm0, $0x1800, v21;
	v28 =	vand.u32 $0xF, v4;
	v4 =	vld [tilespmem:$0x1FB10]  }
0x10e: {  	v62 =	vsel vm2, $0x3A00, v62;
	v23 =	vsel vm11, $0x1A80, v23;
	v21 =	vsel vm9, $0x1880, v21;
	v2 =	vld [tilespmem:$0x1FB20]  }
0x10f: {  	v27 =	vsel vm11, $0x1080, v27;
	v25 =	vsel vm6, $0x1800, v25;
	v21 =	vsel vm10, $0x1900, v21  }
0x110: {  	v31 =	vsel vm11, $0x1280, v31;
	v25 =	vsel vm3, $0x1880, v25;
	v21 =	vsel vm11, $0x1980, v21  }
0x111: {  	v25 =	vsel vm2, $0x1900, v25;
	v21 =	vsel vm12, $0x1A00, v21;
	v1 =	vsel vm13, $0x1A00, v1  }
0x112: {  	v1 =	vsel vm14, $0x1A80, v1;
	v30 =	vand.u32 $0xF, v4;
	v4 =	vsel vm13, $0x1A80, v21  }
0x113: {  	v44 =	vsel vm15, $0x1B00, v1;
	v1 =	vsel vm14, $0x1B00, v4;
	v4 =	vsel vm13, $0x1B00, v2;
	v2 =	vld [tilespmem:$0x1FB30]  }
0x114: {  	v35 =	vsel vm11, $0x1880, v35;
	v39 =	vsel vm11, $0x2A80, v39;
	v25 =	vsel vm1, $0x1980, v25  }
0x115: {  	v43 =	vsel vm11, $0x2080, v43;
	v29 =	vsel vm6, $0x1A00, v29;
	v25 =	vsel vm0, $0x1A00, v25  }
0x116: {  	v33 =	vsel vm6, $0x1000, v33;
	v23 =	vsel vm12, $0x1B00, v23;
	v25 =	vsel vm9, $0x1A80, v25  }
0x117: {  	v21 =	vsel vm15, $0x1B80, v1;
	v1 =	vsel vm14, $0x1B80, v4;
	v4 =	vsel vm13, $0x1B80, v23  }
0x118: {  	v46 =	vsel vm15, $0x1000, v1;
	v1 =	vsel vm14, $0x1000, v4;
	v4 =	vsel vm13, $0x1000, v2;
	v2 =	vld [tilespmem:$0x1FB50]  }
0x119: {  	v37 =	vsel vm6, $0x2200, v37;
	v41 =	vsel vm6, $0x2800, v41;
	v25 =	vsel vm10, $0x1B00, v25  }
0x11a: {  	v38 =	vsel vm1, $0x2800, v38;
	v42 =	vsel vm1, $0x2A00, v42;
	v25 =	vsel vm11, $0x1B80, v25  }
0x11b: {  	v25 =	vsel vm12, $0x1000, v25;
	v45 =	vsel vm15, $0x1080, v1;
	v1 =	vsel vm14, $0x1080, v4  }
0x11c: {  	v62 =	vsel vm1, $0x3A80, v62;
	v4 =	vsel vm13, $0x1080, v25;
	v1 =	vsel vm15, $0x1100, v1  }
0x11d: {  	v27 =	vsel vm12, $0x1100, v27;
	[tilespmem:$0x1FB40] =	vst v1;
	v1 =	vsel vm14, $0x1100, v4;
	v4 =	vsel vm13, $0x1100, v2;
	v2 =	vld [tilespmem:$0x1FB80]  }
0x11e: {  	v31 =	vsel vm12, $0x1300, v31;
	v35 =	vsel vm12, $0x1900, v35;
	v29 =	vsel vm3, $0x1A80, v29  }
0x11f: {  	v39 =	vsel vm12, $0x2B00, v39;
	v29 =	vsel vm2, $0x1B00, v29;
	v1 =	vsel vm15, $0x1180, v1  }
0x120: {  	v33 =	vsel vm3, $0x1080, v33;
	v29 =	vsel vm1, $0x1B80, v29;
	[tilespmem:$0x1FB60] =	vst v1;
	v1 =	vsel vm14, $0x1180, v4  }
0x121: {  	v29 =	vsel vm0, $0x1000, v29;
	v4 =	vsel vm13, $0x1180, v27;
	v1 =	vsel vm15, $0x1200, v1  }
0x122: {  	v29 =	vsel vm9, $0x1080, v29;
	[tilespmem:$0x1FB70] =	vst v1;
	v1 =	vsel vm14, $0x1200, v4;
	v4 =	vsel vm13, $0x1200, v2;
	v2 =	vld [tilespmem:$0x1FBB0]  }
0x123: {  	v37 =	vsel vm3, $0x2280, v37;
	v41 =	vsel vm3, $0x2880, v41;
	v29 =	vsel vm10, $0x1100, v29  }
0x124: {  	v38 =	vsel vm0, $0x2880, v38;
	v29 =	vsel vm11, $0x1180, v29;
	v1 =	vsel vm15, $0x1280, v1  }
0x125: {  	v42 =	vsel vm0, $0x2A80, v42;
	v29 =	vsel vm12, $0x1200, v29;
	[tilespmem:$0x1FB90] =	vst v1;
	v1 =	vsel vm14, $0x1280, v4  }
0x126: {  	v62 =	vsel vm0, $0x3B00, v62;
	v4 =	vsel vm13, $0x1280, v29;
	v1 =	vsel vm15, $0x1300, v1  }
0x127: {  	v33 =	vsel vm2, $0x1100, v33;
	[tilespmem:$0x1FBA0] =	vst v1;
	v1 =	vsel vm14, $0x1300, v4;
	v4 =	vsel vm13, $0x1300, v2;
	v2 =	vld [tilespmem:$0x1FBE0]  }
0x128: {  	v37 =	vsel vm2, $0x2300, v37;
	v41 =	vsel vm2, $0x2900, v41;
	v38 =	vsel vm9, $0x2900, v38  }
0x129: {  	v42 =	vsel vm9, $0x2B00, v42;
	v62 =	vsel vm9, $0x3B80, v62;
	v1 =	vsel vm15, $0x1380, v1  }
0x12a: {  	v33 =	vsel vm1, $0x1180, v33;
	v37 =	vsel vm1, $0x2380, v37;
	[tilespmem:$0x1FBC0] =	vst v1;
	v1 =	vsel vm14, $0x1380, v4  }
0x12b: {  	v33 =	vsel vm0, $0x1200, v33;
	v4 =	vsel vm13, $0x1380, v31;
	v1 =	vsel vm15, $0x1800, v1  }
0x12c: {  	v33 =	vsel vm9, $0x1280, v33;
	[tilespmem:$0x1FBD0] =	vst v1;
	v1 =	vsel vm14, $0x1800, v4;
	v4 =	vsel vm13, $0x1800, v2;
	v2 =	vld [tilespmem:$0x1FC10]  }
0x12d: {  	v41 =	vsel vm1, $0x2980, v41;
	v38 =	vsel vm10, $0x2980, v38;
	v33 =	vsel vm10, $0x1300, v33  }
0x12e: {  	v42 =	vsel vm10, $0x2B80, v42;
	v33 =	vsel vm11, $0x1380, v33;
	v1 =	vsel vm15, $0x1880, v1  }
0x12f: {  	v62 =	vsel vm10, $0x3000, v62;
	v33 =	vsel vm12, $0x1800, v33;
	[tilespmem:$0x1FBF0] =	vst v1;
	v1 =	vsel vm14, $0x1880, v4  }
0x130: {  	v37 =	vsel vm0, $0x2800, v37;
	v4 =	vsel vm13, $0x1880, v33;
	v1 =	vsel vm15, $0x1900, v1  }
0x131: {  	v41 =	vsel vm0, $0x2A00, v41;
	[tilespmem:$0x1FC00] =	vst v1;
	v1 =	vsel vm14, $0x1900, v4;
	v4 =	vsel vm13, $0x1900, v2;
	v2 =	vld [tilespmem:$0x1FC40]  }
0x132: {  	v38 =	vsel vm11, $0x2A00, v38;
	v42 =	vsel vm11, $0x2000, v42;
	v62 =	vsel vm11, $0x3080, v62  }
0x133: {  	v37 =	vsel vm9, $0x2880, v37;
	v41 =	vsel vm9, $0x2A80, v41;
	v1 =	vsel vm15, $0x1980, v1  }
0x134: {  	v38 =	vsel vm12, $0x2A80, v38;
	v37 =	vsel vm10, $0x2900, v37;
	[tilespmem:$0x1FC20] =	vst v1;
	v1 =	vsel vm14, $0x1980, v4  }
0x135: {  	v41 =	vsel vm10, $0x2B00, v41;
	v4 =	vsel vm13, $0x1980, v35;
	v1 =	vsel vm15, $0x1A00, v1  }
0x136: {  	v37 =	vsel vm11, $0x2980, v37;
	[tilespmem:$0x1FC30] =	vst v1;
	v1 =	vsel vm14, $0x1A00, v4;
	v4 =	vsel vm13, $0x2A00, v2;
	v2 =	vld [tilespmem:$0x1FC50]  }
0x137: {  	v41 =	vsel vm11, $0x2B80, v41;
	v37 =	vsel vm12, $0x2A00, v37;
	v63 =	vsel vm12, $0x3100, v62  }
0x138: {  	v33 =	vsel vm15, $0x1A80, v1;
	v1 =	vsel vm14, $0x2A80, v4;
	v4 =	vsel vm13, $0x2A80, v37  }
0x139: {  	v29 =	vsel vm15, $0x2B00, v1;
	v1 =	vsel vm14, $0x2B00, v4;
	v4 =	vsel vm13, $0x2B00, v38  }
0x13a: {  	v62 =	vsel vm15, $0x2B80, v1;
	v1 =	vsel vm14, $0x2B80, v4;
	v4 =	vsel vm13, $0x2B80, v39  }
0x13b: {  	v35 =	vsel vm15, $0x2000, v1;
	v1 =	vsel vm14, $0x2000, v4;
	v4 =	vsel vm13, $0x2000, v2;
	v2 =	vld [tilespmem:$0x1FC60]  }
0x13c: {  	v43 =	vsel vm12, $0x2100, v43;
	v42 =	vsel vm12, $0x2080, v42;
	v41 =	vsel vm12, $0x2000, v41  }
0x13d: {  	v37 =	vsel vm15, $0x2080, v1;
	v1 =	vsel vm14, $0x2080, v4;
	v4 =	vsel vm13, $0x2080, v41  }
0x13e: {  	v32 =	vsel vm15, $0x2100, v1;
	v1 =	vsel vm14, $0x2100, v4;
	v4 =	vsel vm13, $0x2100, v42  }
0x13f: {  	v8 =	vsel vm15, $0x2180, v1;
	v1 =	vsel vm14, $0x2180, v4;
	v4 =	vsel vm13, $0x2180, v43  }
0x140: {  	v38 =	vsel vm15, $0x2200, v1;
	v1 =	vsel vm14, $0x2200, v4;
	v4 =	vsel vm13, $0x2200, v2;
	v2 =	vld [tilespmem:$0x1FC70]  }
0x141: {  	v54 =	vsel vm5, $0x3200, v54;
	v52 =	vsel vm2, $0x3280, v52;
	v47 =	vsel vm0, $0x2100, v47  }
0x142: {  	v51 =	vsel vm0, $0x2300, v51;
	v55 =	vsel vm0, $0x3900, v55;
	v50 =	vsel vm6, $0x2080, v50  }
0x143: {  	v54 =	vsel vm6, $0x3280, v54;
	v52 =	vsel vm1, $0x3300, v52;
	v47 =	vsel vm9, $0x2180, v47  }
0x144: {  	v51 =	vsel vm9, $0x2380, v51;
	v50 =	vsel vm3, $0x2100, v50;
	v54 =	vsel vm3, $0x3300, v54  }
0x145: {  	v39 =	vsel vm15, $0x2280, v1;
	v1 =	vsel vm14, $0x2280, v4;
	v4 =	vsel vm13, $0x2280, v2;
	v2 =	vld [tilespmem:$0x1FC90]  }
0x146: {  	v52 =	vsel vm0, $0x3380, v52;
	v47 =	vsel vm10, $0x2200, v47;
	v51 =	vsel vm10, $0x2800, v51  }
0x147: {  	v49 =	vsel vm5, $0x2B80, v49;
	v50 =	vsel vm2, $0x2180, v50;
	v54 =	vsel vm2, $0x3380, v54  }
0x148: {  	v52 =	vsel vm9, $0x3800, v52;
	v47 =	vsel vm11, $0x2280, v47;
	v49 =	vsel vm6, $0x2000, v49  }
0x149: {  	v50 =	vsel vm1, $0x2200, v50;
	v49 =	vsel vm3, $0x2080, v49;
	v1 =	vsel vm15, $0x2300, v1  }
0x14a: {  	v49 =	vsel vm2, $0x2100, v49;
	[tilespmem:$0x1FC80] =	vst v1;
	v1 =	vsel vm14, $0x2300, v4;
	v4 =	vsel vm13, $0x2300, v2;
	v2 =	vld [tilespmem:$0x1FCC0]  }
0x14b: {  	v47 =	vsel vm12, $0x2300, v47;
	v50 =	vsel vm0, $0x2280, v50;
	v49 =	vsel vm1, $0x2180, v49  }
0x14c: {  	v50 =	vsel vm9, $0x2300, v50;
	v49 =	vsel vm0, $0x2200, v49;
	v1 =	vsel vm15, $0x2380, v1  }
0x14d: {  	v50 =	vsel vm10, $0x2380, v50;
	v49 =	vsel vm9, $0x2280, v49;
	[tilespmem:$0x1FCA0] =	vst v1;
	v1 =	vsel vm14, $0x2380, v4  }
0x14e: {  	v49 =	vsel vm10, $0x2300, v49;
	v4 =	vsel vm13, $0x2380, v47;
	v1 =	vsel vm15, $0x2800, v1  }
0x14f: {  	v49 =	vsel vm11, $0x2380, v49;
	[tilespmem:$0x1FCB0] =	vst v1;
	v1 =	vsel vm14, $0x2800, v4;
	v4 =	vsel vm13, $0x2800, v2  }
0x150: {  	v49 =	vsel vm12, $0x2800, v49;
	v42 =	vsel vm15, $0x2880, v1;
	v1 =	vsel vm14, $0x2880, v4  }
0x151: {  	v50 =	vsel vm11, $0x2800, v50;
	v4 =	vsel vm13, $0x2880, v49;
	v1 =	vsel vm15, $0x2900, v1  }
0x152: {  	v51 =	vsel vm11, $0x2880, v51;
	v50 =	vsel vm12, $0x2880, v50;
	[tilespmem:$0x1FCD0] =	vst v1;
	v1 =	vsel vm14, $0x2900, v4  }
0x153: {  	v57 =	vsel vm5, $0x3800, v57;
	v2 =	vld [tilespmem:$0x1FD10];
	v4 =	vsel vm13, $0x2900, v50;
	v1 =	vsel vm15, $0x2980, v1  }
0x154: {  	v52 =	vsel vm10, $0x3880, v52;
	v51 =	vsel vm12, $0x2900, v51;
	[tilespmem:$0x1FCE0] =	vst v1;
	v1 =	vsel vm14, $0x2980, v4  }
0x155: {  	v52 =	vsel vm11, $0x3900, v52;
	v4 =	vsel vm13, $0x2980, v51;
	v1 =	vsel vm15, $0x2A00, v1  }
0x156: {  	v54 =	vsel vm1, $0x3800, v54;
	v52 =	vsel vm12, $0x3980, v52;
	[tilespmem:$0x1FCF0] =	vst v1;
	v1 =	vsel vm14, $0x2A00, v4  }
0x157: {  	v57 =	vsel vm6, $0x3880, v57;
	v19 =	vld [tilespmem:$0x1FAC0];
	v4 =	vsel vm13, $0x3A00, v52;
	v1 =	vsel vm15, $0x2A80, v1  }
0x158: {  	v57 =	vsel vm3, $0x3900, v57;
	[tilespmem:$0x1FD00] =	vst v1;
	v1 =	vsel vm14, $0x3A80, v4;
	v4 =	vsel vm13, $0x3A80, v2;
	v2 =	vld [tilespmem:$0x1FD20]  }
0x159: {  	v55 =	vsel vm9, $0x3980, v55;
	v54 =	vsel vm0, $0x3880, v54;
	v57 =	vsel vm2, $0x3980, v57  }
0x15a: {  	v55 =	vsel vm10, $0x3A00, v55;
	v54 =	vsel vm9, $0x3900, v54;
	v57 =	vsel vm1, $0x3A00, v57  }
0x15b: {  	v55 =	vsel vm11, $0x3A80, v55;
	v54 =	vsel vm10, $0x3980, v54;
	v57 =	vsel vm0, $0x3A80, v57  }
0x15c: {  	v55 =	vsel vm12, $0x3B00, v55;
	v54 =	vsel vm11, $0x3A00, v54;
	v57 =	vsel vm9, $0x3B00, v57  }
0x15d: {  	v48 =	vsel vm12, $0x3A80, v54;
	v26 =	vand.u32 $0xF, v19;
	v6 =	vsel vm13, $0x3000, v2;
	v2 =	vld [tilespmem:$0x1FD30]  }
0x15e: {  	v54 =	vsel vm15, $0x3B00, v1;
	v1 =	vsel vm14, $0x3B00, v4;
	v4 =	vsel vm13, $0x3B00, v48  }
0x15f: {  	v19 =	vsel vm15, $0x3B80, v1;
	v1 =	vsel vm14, $0x3B80, v4;
	v4 =	vsel vm13, $0x3B80, v55  }
0x160: {  	v57 =	vsel vm10, $0x3B80, v57;
	v48 =	vsel vm15, $0x3000, v1;
	v1 =	vsel vm14, $0x3000, v4  }
0x161: {  	v57 =	vsel vm11, $0x3000, v57;
	v49 =	vsel vm15, $0x3080, v1;
	v1 =	vsel vm14, $0x3080, v6  }
0x162: {  	v57 =	vsel vm12, $0x3080, v57;
	v50 =	vmovc v8;
	v1 =	vsel vm15, $0x3100, v1;
	v8 =	vsel vm13, $0x3080, v2  }
0x163: {  	v16 =	vsel vm7, $0x3B80, v16;
	v10 =	vsel vm13, $0x3100, v57;
	[tilespmem:$0x1FD40] =	vst v1;
	v1 =	vsel vm14, $0x3100, v8  }
0x164: {  	s5 =	rddreg [dreg:$0x0];
	v23 =	vmovc v12;
	v12 =	vsel vm13, $0x3180, v63;
	v8 =	vsel vm15, $0x3180, v1;
	v1 =	vsel vm14, $0x3180, v10  }
0x165: {  	s0 =	rddreg [dreg:$0x1];
	v16 =	vsel vm4, $0x3000, v16;
	v60 =	vld [tilespmem:$0x1F870];
	v52 =	vsel vm15, $0x3200, v1;
	v1 =	vsel vm14, $0x3200, v12  }
0x166: {  	s8 =	rddreg [dreg:$0x2];
	s3 =	simm.s32 $0x0;
	v16 =	vsel vm5, $0x3080, v16;
	v1 =	vsel vm15, $0x3280, v1  }
0x167: {  	[smem:$0x7FF] =	sst s3;
	v16 =	vsel vm6, $0x3100, v16;
	[tilespmem:$0x1FD60] =	vst v1  }
0x168: {  	s1 =	rddreg [dreg:$0x3];
	v16 =	vsel vm3, $0x3180, v16;
	v27 =	vlaneseq.u32;
	v2 =	vld [tilespmem:$0x1FD50];
	_ =	strace $0x80000047;
	[tilespmem:$0x1FE00] =	vst v33  }
0x169: {  	v16 =	vsel vm2, $0x3200, v16;
	v51 =	vmul.u32 $0x2, v27;
	[tilespmem:$0x1FE10] =	vst v42  }
0x16a: {  	v16 =	vsel vm1, $0x3280, v16;
	v60 =	vsel vm4, $0x3A00, v60;
	[tilespmem:$0x1FE30] =	vst v50  }
0x16b: {  	v16 =	vsel vm0, $0x3300, v16;
	v60 =	vsel vm5, $0x3A80, v60;
	[tilespmem:$0x1FE60] =	vst v51  }
0x16c: {  	v16 =	vsel vm9, $0x3380, v16;
	v60 =	vsel vm6, $0x3B00, v60;
	v41 =	vmov v40;
	[tilespmem:$0x1FE70] =	vst v52  }
0x16d: {  	v16 =	vsel vm10, $0x3800, v16;
	v60 =	vsel vm3, $0x3B80, v60;
	v43 =	vmov v34;
	[tilespmem:$0x1FE90] =	vst v41  }
0x16e: {  	v16 =	vsel vm11, $0x3880, v16;
	v60 =	vsel vm2, $0x3000, v60;
	v10 =	vmov v59;
	[tilespmem:$0x1FEA0] =	vst v43  }
0x16f: {  	v60 =	vsel vm1, $0x3080, v60;
	v61 =	vsel vm12, $0x3900, v16;
	v16 =	vsel vm13, $0x3280, v53;
	v53 =	vmovc v44;
	[tilespmem:$0x1FEB0] =	vst v10  }
0x170: {  	v60 =	vsel vm0, $0x3100, v60;
	[tilespmem:$0x1FEC0] =	vst v53  }
0x171: {  	v60 =	vsel vm9, $0x3180, v60;
	[tilespmem:$0x1FED0] =	vst v54  }
0x172: {  	v60 =	vsel vm10, $0x3200, v60;
	[tilespmem:$0x1FEE0] =	vst v32  }
0x173: {  	v60 =	vsel vm11, $0x3280, v60;
	[tilespmem:$0x1FEF0] =	vst v19  }
0x174: {  	v60 =	vsel vm12, $0x3300, v60;
	v47 =	vmov v21;
	[tilespmem:$0x1FF10] =	vst v45  }
0x175: {  	v40 =	vmov v35;
	[tilespmem:$0x1FF30] =	vst v47  }
0x176: {  	v14 =	vsel vm13, $0x3200, v2;
	[tilespmem:$0x1FF50] =	vst v40;
	v2 =	vld [tilespmem:$0x1FD90]  }
0x177: {  	v6 =	vsel vm13, $0x3380, v60;
	v60 =	vmov v49;
	v49 =	vmov v36;
	[tilespmem:$0x1FF60] =	vst v29  }
0x178: {  	[tilespmem:$0x1FF70] =	vst v49  }
0x179: {  	v1 =	vsel vm14, $0x3280, v14;
	[tilespmem:$0x1FF80] =	vst v23  }
0x17a: {  	[tilespmem:$0x1FF90] =	vst v8;
	v1 =	vsel vm15, $0x3300, v1  }
0x17b: {  	[tilespmem:$0x1FD70] =	vst v1;
	v1 =	vsel vm14, $0x3300, v16;
	v17 =	vsel vm13, $0x3300, v2  }
0x17c: {  	[tilespmem:$0x1FFA0] =	vst v60;
	v12 =	vsel vm15, $0x3380, v1;
	v1 =	vsel vm14, $0x3380, v17  }
0x17d: {  	[tilespmem:$0x1FFB0] =	vst v48;
	v1 =	vsel vm15, $0x3800, v1  }
0x17e: {  	[tilespmem:$0x1FDA0] =	vst v1;
	v1 =	vsel vm14, $0x3800, v6  }
0x17f: {  	[tilespmem:$0x1FFC0] =	vst v39;
	v2 =	vsel vm13, $0x3800, v58;
	v1 =	vsel vm15, $0x3880, v1  }
0x180: {  	v21 =	vmovc v38;
	v14 =	vmul.u32 $0x80, v27;
	[tilespmem:$0x1FDD0] =	vst v1;
	v1 =	vsel vm14, $0x3880, v2;
	v2 =	vsel vm13, $0x3880, v56  }
0x181: {  	s2 =	srdreg.scid;
	s11 =	simm.s32 $0x7A1400;
	s12 =	simm.s32 $0x4000;
	[tilespmem:$0x1FFE0] =	vst v21;
	v56 =	vsel vm15, $0x3900, v1;
	v1 =	vsel vm14, $0x3900, v2;
	v2 =	vld [tilespmem:$0x1FDF0]  }
0x182: {  	s13 =	simm.s32 $0x1;
	s14 =	simm.s32 $0x8000;
	s15 =	simm.s32 $0x2;
	v16 =	vmov v37;
	[tilespmem:$0x1FE80] =	vst v14  }
0x183: {  	s16 =	simm.s32 $0xC000;
	s18 =	simm.s32 $0x4;
	s4 =	sand.u32 $0x1, s2;
	[tilespmem:$0x1FF40] =	vst v16  }
0x184: {  	s19 =	simm.s32 $0x0;
	s2 =	stileid.u32;
	s6 =	ssub.s32 $0x2, s4;
	[tilespmem:$0x1FFF0] =	vst v12;
	v58 =	vmov v46  }
0x185: {  	s9 =	sshll.u32 s2, $0x1;
	p0 =	seq.s32 s2, $0x0;
	s7 =	sshrl.u32 s6, $0x1;
	v25 =	vld [tilespmem:$0x1FDB0];
	[tilespmem:$0x1FF20] =	vst v58;
	v17 =	vmov v62  }
.Ltmp0:
0x186: {  	s17 =	sor.u32 s4, s9;
	s4 =	simm.s32 $0x7B;
	[tilespmem:$0x1FF00] =	vst v17;
	v2 =	vsel vm13, $0x3900, v2;
	(pc) =	sbr.rel .LBB2_1-.Ltmp0, $4  }
0x187: {  	s10 =	ssub.s32 s6, s7;
	s30 =	sshll.u32 s17, $0x8;
	s4 =	simm.s32 @!p0 $0x7A;
	v55 =	vsel vm15, $0x3980, v1;
	[tilespmem:$0x1FE40] =	vst v56;
	v1 =	vsel vm14, $0x3980, v2;
	v2 =	vsel vm13, $0x3980, v61  }
0x188: {  	s31 =	sshll.u32 s17, $0xB;
	p0 =	sne.s32 s17, $0x1F;
	s17 =	simm.s32 $0x3;
	v35 =	vld [tilespmem:$0x1FDC0];
	[tilespmem:$0x1FFD0] =	vst v55;
	v31 =	vsel vm15, $0x3A00, v1;
	v1 =	vsel vm14, $0x3A00, v2  }
0x189: {  	s5 =	sadd.s32 s5, s30;
	s7 =	sadd.s32 s8, s31;
	s8 =	sadd.s32 $0x7A1000, s8;
	v34 =	vmov v29;
	v38 =	vmov v50;
	v44 =	vld [tilespmem:$0x1FDE0];
	v63 =	vsel vm15, $0x3A80, v1;
	[tilespmem:$0x1FE50] =	vst v31  }
0x18a: {  	s9 =	smax.u32 s10, $0x1;
	s10 =	simm.s32 $0x800;
	s6 =	sadd.s32 $0x2000, s5;
	v59 =	vmovc v45;
	v37 =	vld [tilespmem:$0x1FD80];
	v46 =	vmovc v16;
	v36 =	vmov v25;
	v25 =	vmov v23;
	v6 =	vmov v39;
	[tilespmem:$0x1FE20] =	vst v63  }
.LBB2_11:
0x18b: {  	_ =	swait.ge [sflag:s17], $0x4000  }
0x18c: {  	[sflag:s17] =	ssyncset.done $0x0  }
0x18d: {  	[sflag:s17] =	ssyncadd.s32 $0xFFFFC000  }
0x18e: {  	_ =	swait.ge [sflag:s18], $0x4000  }
0x18f: {  	s20 =	simm.s32 @!p0 $0x0;
	[sflag:s18] =	ssyncset.done $0x0  }
0x190: {  	s21 =	simm.s32 @!p0 $0x8000;
	s22 =	simm.s32 @!p0 $0x5;
	[sflag:s18] =	ssyncadd.s32 $0xFFFFC000  }
0x191: {  	[tilespmem:s21], [sflag:$0x5] =	stream.linear.gather @!p0 [hbm4b:s0+s20], $0x1000, $0x38;
	[tilespmem:$0x10000] =	vst v63  }
0x192: {  	s19 =	sadd.s32 $0x1, s19;
	_ =	swait.ge @!p0 [sflag:s22], $0x1000  }
0x193: {  	p1 =	sne.s32 s19, s9;
	[sflag:s22] =	ssyncset.done @!p0 $0x0  }
.Ltmp1:
0x194: {  	[sflag:s22] =	ssyncadd.s32 @!p0 $0xFFFFF000;
	(pc) =	sbr.rel @!p1 .LBB2_12-.Ltmp1, $4  }
0x195: {  	[hbm4b:s8+s20] =	stream.linear.scatter @!p0 [tilespmem:s21], [sflag:$0x5], $0x1000, $0x38;
	[tilespmem:$0x10000] =	vst v63  }
0x196: {  	_ =	swait.ge @!p0 [sflag:s22], $0x1000  }
0x197: {  	[sflag:s22] =	ssyncset.done @!p0 $0x0  }
0x198: {  	[sflag:s22] =	ssyncadd.s32 @!p0 $0xFFFFF000  }
.LBB2_1:
.Ltmp2:
0x199: {  	(pc) =	sbr.rel .LBB2_2-.Ltmp2, $4  }
0x19a: {  	_ = 	snop  }
0x19b: {  	[tilespmem:s3], [sflag:$0x1] =	stream.strided.gather [hbm4b:s5+s10], $0x4000, s11, s10, $0x38;
	[tilespmem:$0x10000] =	vst v63  }
0x19c: {  	s20 =	simm.s32 $0x0  }
0x19d: {  	[tilespmem:s12], [sflag:$0x2] =	stream.strided.gather [hbm4b:s6+s10], $0x4000, s11, s10, $0x38;
	[tilespmem:$0x10000] =	vst v63  }
.LBB2_10:
0x19e: {  	s20 =	sadd.s32 $0x1, s20  }
0x19f: {  	p1 =	sne.s32 s20, $0x3E  }
.Ltmp3:
0x1a0: {  	_ = 	snop;
	(pc) =	sbr.rel @!p1 .LBB2_11-.Ltmp3, $1  }
0x1a1: {  	_ =	sdelay $0x3  }
.LBB2_2:
0x1a2: {  	s21 =	sshll.u32 s20, $0x1  }
0x1a3: {  	p2 =	sge.u32 s21, s4  }
.Ltmp4:
0x1a4: {  	_ = 	snop;
	(pc) =	sbr.rel @p2 .LBB2_6-.Ltmp4, $2  }
0x1a5: {  	_ =	sdelay $0x2  }
0x1a6: {  	p1 =	seq.s32 s20, $0x0  }
0x1a7: {  	s22 =	simm.s32 $0x0  }
0x1a8: {  	s22 =	sand.u32 $0x4, s22  }
0x1a9: {  	s24 =	simm.s32 $0x0;
	s23 =	sshrl.u32 s22, $0x2  }
0x1aa: {  	s23 =	sor.u32 s23, s24  }
0x1ab: {  	v1 =	vmov s23  }
0x1ac: {  	v2 =	vor.u32 s23, v51;
	v1 =	vshll.u32 v1, $0x3  }
0x1ad: {  	v2 =	vand.u32 $0x7F, v2;
	v1 =	vand.u32 $0x7FFFFC00, v1  }
0x1ae: {  	_ =	swait.ge [sflag:s13], $0x4000;
	v33 =	vor.u32 v2, v1  }
0x1af: {  	s31 =	simm.s32 $0x0;
	[sflag:s13] =	ssyncset.done $0x0;
	v1 =	vadd.s32 v37, v33  }
0x1b0: {  	[sflag:s13] =	ssyncadd.s32 $0xFFFFC000;
	s24 =	simm.s32 @!p1 $0x3;
	v2 =	vmov s31;
	v34 =	vadd.s32 v34, v33  }
0x1b1: {  	_ =	swait.ge @!p1 [sflag:s24], $0x4000;
	v2 =	vshll.u32 v2, $0x7  }
0x1b2: {  	s22 =	sshll.u32 s22, $0x4;
	[sflag:s24] =	ssyncset.done @!p1 $0x0;
	v55 =	vadd.s32 v53, v33;
	v2 =	vor.u32 v14, v2  }
0x1b3: {  	v4 =	vmov v35;
	[sflag:s24] =	ssyncadd.s32 @!p1 $0xFFFFC000;
	s24 =	sor.u32 $0x20, s22;
	v35 =	vor.u32 s22, v2  }
0x1b4: {  	v63 =	vmovc v38;
	v42 =	vadd.s32 v54, v33;
	v23 =	vor.u32 s24, v2;
	v38 =	vor.u32 v27, v35;
	v1 =	vld.idx.msk [tilespmem:v1+s3+$0x0], $0xffff  }
0x1b5: {  	s25 =	sor.u32 $0x10, s22;
	v39 =	vadd.s32 v36, v33;
	v62 =	vor.u32 v27, v23;
	v34 =	vld.idx.msk [tilespmem:v34+s3+$0x0], $0xffff  }
0x1b6: {  	v50 =	vadd.s32 v17, v33;
	v36 =	vor.u32 s25, v2  }
0x1b7: {  	v16 =	vmov v37;
	v37 =	vld.idx.msk [tilespmem:v55+s3+$0x0], $0xffff;
	v55 =	vor.u32 v27, v36  }
0x1b8: {  	v56 =	vadd.s32 v47, v33  }
0x1b9: {  	v42 =	vld.idx.msk [tilespmem:v42+s3+$0x0], $0xffff;
	[tilespmem:v38+s14+$0x0] =	vst.idx.msk $0xffff, v1  }
0x1ba: {  	s22 =	sor.u32 $0x30, s22;
	v38 =	vor.u32 v3, v35;
	[tilespmem:v62+s14+$0x0] =	vst.idx.msk $0xffff, v34;
	v1 =	vld.idx.msk [tilespmem:v39+s3+$0x0], $0xffff  }
0x1bb: {  	v57 =	vmovc v40;
	v62 =	vor.u32 v3, v23;
	v34 =	vor.u32 s22, v2;
	v39 =	vadd.s32 v4, v33;
	v40 =	vld.idx.msk [tilespmem:v50+s3+$0x0], $0xffff  }
0x1bc: {  	v61 =	vmov v49;
	v2 =	vadd.s32 v57, v33;
	v4 =	vld [tilespmem:$0x1FB90];
	v45 =	vor.u32 v27, v34;
	[tilespmem:v55+s14+$0x0] =	vst.idx.msk $0xffff, v37  }
0x1bd: {  	v49 =	vmovc v52;
	v52 =	vmov v43;
	v37 =	vadd.s32 v19, v33;
	v55 =	vor.u32 v3, v36;
	v43 =	vld.idx.msk [tilespmem:v56+s3+$0x0], $0xffff  }
0x1be: {  	v56 =	vadd.s32 v58, v33  }
0x1bf: {  	v29 =	vmov v41;
	v17 =	vmov v19;
	v19 =	vld [tilespmem:$0x1FB70];
	[tilespmem:v38+s14+$0x0] =	vst.idx.msk $0xffff, v1  }
0x1c0: {  	v31 =	vmov v44;
	v12 =	vmov v46;
	v38 =	vor.u32 v5, v35;
	[tilespmem:v62+s14+$0x0] =	vst.idx.msk $0xffff, v40;
	v1 =	vld.idx.msk [tilespmem:v39+s3+$0x0], $0xffff  }
0x1c1: {  	v40 =	vor.u32 v5, v23;
	[tilespmem:v45+s14+$0x0] =	vst.idx.msk $0xffff, v42;
	v39 =	vadd.s32 v31, v33;
	v2 =	vld.idx.msk [tilespmem:v2+s3+$0x0], $0xffff  }
0x1c2: {  	v41 =	vadd.s32 v12, v33;
	v62 =	vor.u32 v3, v34;
	v37 =	vld.idx.msk [tilespmem:v37+s3+$0x0], $0xffff;
	[tilespmem:v55+s14+$0x0] =	vst.idx.msk $0xffff, v43  }
0x1c3: {  	v48 =	vadd.s32 v48, v33;
	v55 =	vor.u32 v5, v36;
	v44 =	vld.idx.msk [tilespmem:v56+s3+$0x0], $0xffff  }
0x1c4: {  	v56 =	vadd.s32 v59, v33  }
0x1c5: {  	[tilespmem:v38+s14+$0x0] =	vst.idx.msk $0xffff, v1  }
0x1c6: {  	v38 =	vor.u32 v7, v35;
	[tilespmem:v40+s14+$0x0] =	vst.idx.msk $0xffff, v2;
	v1 =	vld.idx.msk [tilespmem:v39+s3+$0x0], $0xffff  }
0x1c7: {  	v40 =	vor.u32 v7, v23;
	[tilespmem:v62+s14+$0x0] =	vst.idx.msk $0xffff, v37;
	v39 =	vld.idx.msk [tilespmem:v41+s3+$0x0], $0xffff  }
0x1c8: {  	v42 =	vor.u32 v5, v34;
	v41 =	vld.idx.msk [tilespmem:v48+s3+$0x0], $0xffff;
	[tilespmem:v55+s14+$0x0] =	vst.idx.msk $0xffff, v44  }
0x1c9: {  	v2 =	vadd.s32 v10, v33;
	v62 =	vor.u32 v7, v36;
	v44 =	vld.idx.msk [tilespmem:v56+s3+$0x0], $0xffff  }
0x1ca: {  	v37 =	vadd.s32 v32, v33;
	v55 =	vmov v32;
	v32 =	vld [tilespmem:$0x1FB40]  }
0x1cb: {  	[tilespmem:v38+s14+$0x0] =	vst.idx.msk $0xffff, v1  }
0x1cc: {  	[tilespmem:v40+s14+$0x0] =	vst.idx.msk $0xffff, v39  }
0x1cd: {  	[tilespmem:v42+s14+$0x0] =	vst.idx.msk $0xffff, v41  }
0x1ce: {  	v43 =	vadd.s32 v60, v33;
	v1 =	vld.idx.msk [tilespmem:v2+s3+$0x0], $0xffff;
	[tilespmem:v62+s14+$0x0] =	vst.idx.msk $0xffff, v44  }
0x1cf: {  	v50 =	vmov v21;
	v48 =	vadd.s32 v32, v33;
	v21 =	vld [tilespmem:$0x1FD40]  }
0x1d0: {  	v40 =	vadd.s32 v63, v33;
	v2 =	vor.u32 v9, v35;
	v63 =	vld [tilespmem:$0x1FB60]  }
0x1d1: {  	v38 =	vadd.s32 v29, v33;
	v39 =	vor.u32 v9, v23;
	v37 =	vld.idx.msk [tilespmem:v37+s3+$0x0], $0xffff;
	_ =	sdelay $0x1  }
0x1d2: {  	v42 =	vor.u32 v7, v34;
	v41 =	vld.idx.msk [tilespmem:v43+s3+$0x0], $0xffff  }
0x1d3: {  	v56 =	vor.u32 v9, v36;
	v44 =	vld.idx.msk [tilespmem:v48+s3+$0x0], $0xffff;
	v43 =	vadd.s32 v21, v33  }
0x1d4: {  	[tilespmem:v2+s14+$0x0] =	vst.idx.msk $0xffff, v1;
	v48 =	vadd.s32 v63, v33  }
0x1d5: {  	v2 =	vor.u32 v11, v35;
	[tilespmem:v39+s14+$0x0] =	vst.idx.msk $0xffff, v37;
	v1 =	vld.idx.msk [tilespmem:v38+s3+$0x0], $0xffff  }
0x1d6: {  	v62 =	vor.u32 v11, v23;
	v37 =	vadd.s32 v52, v33;
	v38 =	vld.idx.msk [tilespmem:v40+s3+$0x0], $0xffff  }
0x1d7: {  	v50 =	vadd.s32 v50, v33;
	[tilespmem:v42+s14+$0x0] =	vst.idx.msk $0xffff, v41  }
0x1d8: {  	v52 =	vor.u32 v9, v34;
	[tilespmem:v56+s14+$0x0] =	vst.idx.msk $0xffff, v44;
	v41 =	vld.idx.msk [tilespmem:v43+s3+$0x0], $0xffff  }
0x1d9: {  	v45 =	vor.u32 v11, v36;
	v56 =	vadd.s32 v8, v33;
	v44 =	vld.idx.msk [tilespmem:v48+s3+$0x0], $0xffff  }
0x1da: {  	v48 =	vadd.s32 v19, v33;
	[tilespmem:v2+s14+$0x0] =	vst.idx.msk $0xffff, v1  }
0x1db: {  	v2 =	vor.u32 v13, v35;
	[tilespmem:v62+s14+$0x0] =	vst.idx.msk $0xffff, v38;
	v1 =	vld.idx.msk [tilespmem:v37+s3+$0x0], $0xffff  }
0x1dc: {  	v38 =	vld.idx.msk [tilespmem:v50+s3+$0x0], $0xffff;
	v50 =	vor.u32 v13, v23  }
0x1dd: {  	[tilespmem:v52+s14+$0x0] =	vst.idx.msk $0xffff, v41  }
0x1de: {  	v37 =	vadd.s32 v61, v33;
	[tilespmem:v45+s14+$0x0] =	vst.idx.msk $0xffff, v44;
	v41 =	vld.idx.msk [tilespmem:v56+s3+$0x0], $0xffff;
	v56 =	vor.u32 v11, v34  }
0x1df: {  	v44 =	vld.idx.msk [tilespmem:v48+s3+$0x0], $0xffff;
	v48 =	vor.u32 v13, v36  }
0x1e0: {  	[tilespmem:v2+s14+$0x0] =	vst.idx.msk $0xffff, v1  }
0x1e1: {  	v52 =	vadd.s32 v6, v33;
	[tilespmem:v50+s14+$0x0] =	vst.idx.msk $0xffff, v38  }
0x1e2: {  	v29 =	vmov v8;
	v61 =	vadd.s32 v49, v33;
	v8 =	vld [tilespmem:$0x1FC80]  }
0x1e3: {  	v49 =	vadd.s32 v4, v33;
	v2 =	vor.u32 v15, v35;
	v1 =	vld.idx.msk [tilespmem:v37+s3+$0x0], $0xffff;
	[tilespmem:v56+s14+$0x0] =	vst.idx.msk $0xffff, v41  }
0x1e4: {  	[tilespmem:v48+s14+$0x0] =	vst.idx.msk $0xffff, v44  }
0x1e5: {  	s22 =	simm.s32 $0x4;
	v50 =	vadd.s32 v25, v33;
	v56 =	vld [tilespmem:$0x1FBA0]  }
0x1e6: {  	s26 =	sand.u32 $0x4, s22;
	v39 =	vor.u32 v15, v23;
	v38 =	vld.idx.msk [tilespmem:v52+s3+$0x0], $0xffff  }
0x1e7: {  	s25 =	simm.s32 $0x0;
	s28 =	sshrl.u32 s26, $0x2;
	v52 =	vor.u32 v13, v34;
	v40 =	vadd.s32 v8, v33;
	v41 =	vld.idx.msk [tilespmem:v61+s3+$0x0], $0xffff  }
0x1e8: {  	s24 =	sor.u32 s28, s25;
	v48 =	vor.u32 v15, v36;
	v43 =	vld.idx.msk [tilespmem:v49+s3+$0x0], $0xffff;
	[tilespmem:v2+s14+$0x0] =	vst.idx.msk $0xffff, v1  }
0x1e9: {  	v62 =	vmov v6;
	v1 =	vor.u32 v0, v35;
	v2 =	vmov s24;
	v6 =	vld [tilespmem:$0x1FA00]  }
0x1ea: {  	v37 =	vld.idx.msk [tilespmem:v50+s3+$0x0], $0xffff;
	v50 =	vor.u32 s24, v51;
	v2 =	vshll.u32 v2, $0x3;
	v49 =	vadd.s32 v56, v33  }
0x1eb: {  	v61 =	vld [tilespmem:$0x1FCB0];
	v51 =	vand.u32 $0x7F, v50;
	v2 =	vand.u32 $0x7FFFFC00, v2;
	[tilespmem:v39+s14+$0x0] =	vst.idx.msk $0xffff, v38  }
0x1ec: {  	v39 =	vor.u32 v51, v2;
	v40 =	vld.idx.msk [tilespmem:v40+s3+$0x0], $0xffff;
	[tilespmem:v52+s14+$0x0] =	vst.idx.msk $0xffff, v41  }
0x1ed: {  	v19 =	vmov v10;
	v42 =	vadd.s32 v16, v39;
	v10 =	vld [tilespmem:$0x1FCA0];
	[tilespmem:v48+s14+$0x0] =	vst.idx.msk $0xffff, v43  }
0x1ee: {  	v47 =	vor.u32 v0, v23;
	v46 =	vadd.s32 v6, v33;
	v6 =	vld [tilespmem:$0x1FBC0]  }
0x1ef: {  	v43 =	vor.u32 v0, v36;
	[tilespmem:v1+s14+$0x0] =	vst.idx.msk $0xffff, v37;
	v44 =	vld.idx.msk [tilespmem:v49+s3+$0x0], $0xffff  }
0x1f0: {  	v4 =	vld [tilespmem:$0x1FF60]  }
0x1f1: {  	v45 =	vadd.s32 v53, v39;
	v12 =	vld [tilespmem:$0x1FCF0]  }
0x1f2: {  	v42 =	vld.idx.msk [tilespmem:v42+s3+$0x0], $0xffff;
	v52 =	vadd.s32 v10, v33  }
0x1f3: {  	s29 =	simm.s32 $0x0;
	[tilespmem:v47+s14+$0x0] =	vst.idx.msk $0xffff, v40;
	v1 =	vld.idx.msk [tilespmem:v46+s3+$0x0], $0xffff  }
0x1f4: {  	v2 =	vmov s29;
	v48 =	vadd.s32 v6, v33;
	v6 =	vld [tilespmem:$0x1FCE0];
	[tilespmem:v43+s14+$0x0] =	vst.idx.msk $0xffff, v44  }
0x1f5: {  	v2 =	vshll.u32 v2, $0x7;
	v49 =	vor.u32 v18, v35;
	v46 =	vadd.s32 v4, v39;
	v4 =	vld [tilespmem:$0x1FDB0]  }
0x1f6: {  	s23 =	sshll.u32 s26, $0x4;
	v2 =	vor.u32 v14, v2;
	v43 =	vld.idx.msk [tilespmem:v45+s3+$0x0], $0xffff  }
0x1f7: {  	s30 =	sor.u32 $0x10, s23;
	v51 =	vor.u32 v18, v23;
	v38 =	vor.u32 s23, v2;
	v50 =	vld.idx.msk [tilespmem:v52+s3+$0x0], $0xffff  }
0x1f8: {  	v40 =	vor.u32 s30, v2;
	v52 =	vor.u32 v27, v38;
	v16 =	vld [tilespmem:$0x1FCD0]  }
0x1f9: {  	v45 =	vor.u32 v27, v40;
	v37 =	vld [tilespmem:$0x1FF30]  }
0x1fa: {  	v44 =	vadd.s32 v4, v39;
	v4 =	vld [tilespmem:$0x1FBF0];
	[tilespmem:v49+s14+$0x0] =	vst.idx.msk $0xffff, v1  }
0x1fb: {  	v47 =	vadd.s32 v54, v39;
	v49 =	vld [tilespmem:$0x1FF00]  }
0x1fc: {  	s31 =	sor.u32 $0x20, s23;
	v53 =	vadd.s32 v61, v33;
	[tilespmem:v51+s14+$0x0] =	vst.idx.msk $0xffff, v50  }
0x1fd: {  	v41 =	vor.u32 s31, v2;
	v61 =	vmov v55;
	v48 =	vld.idx.msk [tilespmem:v48+s3+$0x0], $0xffff;
	[tilespmem:v52+s14+$0x0] =	vst.idx.msk $0xffff, v42  }
0x1fe: {  	s23 =	sor.u32 $0x30, s23;
	v54 =	vor.u32 v18, v36;
	v55 =	vadd.s32 v37, v39;
	v1 =	vld.idx.msk [tilespmem:v46+s3+$0x0], $0xffff;
	[tilespmem:v45+s14+$0x0] =	vst.idx.msk $0xffff, v43  }
0x1ff: {  	v37 =	vor.u32 s23, v2;
	v2 =	vor.u32 v27, v41;
	v50 =	vadd.s32 v17, v39;
	v17 =	vld [tilespmem:$0x1FE10]  }
0x200: {  	v47 =	vld.idx.msk [tilespmem:v47+s3+$0x0], $0xffff;
	v46 =	vadd.s32 v49, v39;
	v49 =	vor.u32 v27, v37  }
0x201: {  	v52 =	vor.u32 v20, v23;
	v51 =	vld.idx.msk [tilespmem:v53+s3+$0x0], $0xffff  }
0x202: {  	v43 =	vor.u32 v3, v38;
	v44 =	vld.idx.msk [tilespmem:v44+s3+$0x0], $0xffff  }
0x203: {  	v25 =	vmov v32;
	v32 =	vor.u32 v3, v40;
	[tilespmem:v54+s14+$0x0] =	vst.idx.msk $0xffff, v48;
	v48 =	vld.idx.msk [tilespmem:v55+s3+$0x0], $0xffff  }
0x204: {  	v45 =	vadd.s32 v17, v33;
	v17 =	vld [tilespmem:$0x1FDC0];
	[tilespmem:v2+s14+$0x0] =	vst.idx.msk $0xffff, v1  }
0x205: {  	[tilespmem:v49+s14+$0x0] =	vst.idx.msk $0xffff, v47  }
0x206: {  	v42 =	vadd.s32 v8, v39;
	v8 =	vld [tilespmem:$0x1FFB0];
	[tilespmem:v52+s14+$0x0] =	vst.idx.msk $0xffff, v51  }
0x207: {  	[tilespmem:v43+s14+$0x0] =	vst.idx.msk $0xffff, v44  }
0x208: {  	[tilespmem:v32+s14+$0x0] =	vst.idx.msk $0xffff, v48  }
0x209: {  	v53 =	vadd.s32 v17, v39;
	v44 =	vadd.s32 v16, v33;
	v16 =	vld [tilespmem:$0x1FA60]  }
0x20a: {  	v1 =	vadd.s32 v58, v39  }
0x20b: {  	v2 =	vld.idx.msk [tilespmem:v46+s3+$0x0], $0xffff;
	v46 =	vor.u32 v3, v41  }
0x20c: {  	v55 =	vadd.s32 v57, v39;
	v47 =	vor.u32 v3, v37;
	v49 =	vld.idx.msk [tilespmem:v50+s3+$0x0], $0xffff  }
0x20d: {  	v43 =	vld.idx.msk [tilespmem:v45+s3+$0x0], $0xffff;
	v50 =	vadd.s32 v8, v39;
	v8 =	vor.u32 v20, v35  }
0x20e: {  	v51 =	vld.idx.msk [tilespmem:v53+s3+$0x0], $0xffff;
	[tilespmem:$0x1F820] =	vst v8;
	v8 =	vadd.s32 v16, v33  }
0x20f: {  	v45 =	vor.u32 v22, v23;
	v1 =	vld.idx.msk [tilespmem:v1+s3+$0x0], $0xffff;
	[tilespmem:$0x1F830] =	vst v8  }
0x210: {  	v52 =	vld [tilespmem:$0x1FC00];
	[tilespmem:v46+s14+$0x0] =	vst.idx.msk $0xffff, v2  }
0x211: {  	[tilespmem:v47+s14+$0x0] =	vst.idx.msk $0xffff, v49;
	v55 =	vld.idx.msk [tilespmem:v55+s3+$0x0], $0xffff  }
0x212: {  	v48 =	vor.u32 v5, v38;
	v16 =	vld [tilespmem:$0x1FBD0]  }
0x213: {  	v54 =	vadd.s32 v31, v39;
	v31 =	vmov v56;
	v56 =	vor.u32 v5, v40;
	v8 =	vld [tilespmem:$0x1FF40]  }
0x214: {  	v2 =	vadd.s32 v59, v39;
	[tilespmem:v45+s14+$0x0] =	vst.idx.msk $0xffff, v43;
	v50 =	vld.idx.msk [tilespmem:v50+s3+$0x0], $0xffff  }
0x215: {  	v46 =	vor.u32 v5, v41;
	v14 =	vld [tilespmem:$0x1FD60]  }
0x216: {  	v53 =	vld [tilespmem:$0x1FAB0]  }
0x217: {  	v57 =	vor.u32 v5, v37;
	[tilespmem:v48+s14+$0x0] =	vst.idx.msk $0xffff, v51;
	v48 =	vld.idx.msk [tilespmem:v44+s3+$0x0], $0xffff;
	v47 =	vadd.s32 v16, v33  }
0x218: {  	v51 =	vadd.s32 v60, v39;
	v54 =	vld.idx.msk [tilespmem:v54+s3+$0x0], $0xffff;
	[tilespmem:v56+s14+$0x0] =	vst.idx.msk $0xffff, v1;
	v1 =	vor.u32 v7, v38  }
0x219: {  	v56 =	vadd.s32 v19, v39;
	v2 =	vld.idx.msk [tilespmem:v2+s3+$0x0], $0xffff  }
0x21a: {  	v58 =	vor.u32 v24, v23;
	v17 =	vld [tilespmem:$0x1FA80];
	v32 =	vadd.s32 v8, v39;
	[tilespmem:v46+s14+$0x0] =	vst.idx.msk $0xffff, v55  }
0x21b: {  	v59 =	vor.u32 v7, v40;
	v45 =	vadd.s32 v14, v33;
	v19 =	vld [tilespmem:$0x1FDA0]  }
0x21c: {  	v55 =	vor.u32 v20, v36;
	[tilespmem:v57+s14+$0x0] =	vst.idx.msk $0xffff, v50;
	v46 =	vld.idx.msk [tilespmem:v47+s3+$0x0], $0xffff;
	v47 =	vadd.s32 v25, v39  }
0x21d: {  	v51 =	vld.idx.msk [tilespmem:v51+s3+$0x0], $0xffff;
	[tilespmem:v1+s14+$0x0] =	vst.idx.msk $0xffff, v54  }
0x21e: {  	v60 =	vor.u32 v7, v41;
	v56 =	vld.idx.msk [tilespmem:v56+s3+$0x0], $0xffff  }
0x21f: {  	[tilespmem:v58+s14+$0x0] =	vst.idx.msk $0xffff, v48;
	v49 =	vld.idx.msk [tilespmem:v32+s3+$0x0], $0xffff;
	v32 =	vmov v62;
	v62 =	vadd.s32 v6, v33  }
0x220: {  	v57 =	vadd.s32 v61, v39;
	[tilespmem:v59+s14+$0x0] =	vst.idx.msk $0xffff, v2;
	v45 =	vld.idx.msk [tilespmem:v45+s3+$0x0], $0xffff  }
0x221: {  	v47 =	vld.idx.msk [tilespmem:v47+s3+$0x0], $0xffff;
	[tilespmem:v55+s14+$0x0] =	vst.idx.msk $0xffff, v46  }
0x222: {  	v48 =	vor.u32 v7, v37;
	v1 =	vadd.s32 v4, v33;
	v4 =	vld [tilespmem:$0x1FE90]  }
0x223: {  	v54 =	vor.u32 v15, v34;
	v43 =	vadd.s32 v17, v33;
	v17 =	vmov v29;
	v29 =	vld [tilespmem:$0x1FD70]  }
0x224: {  	v58 =	vor.u32 v9, v38;
	[tilespmem:v60+s14+$0x0] =	vst.idx.msk $0xffff, v49;
	v49 =	vld.idx.msk [tilespmem:v62+s3+$0x0], $0xffff  }
0x225: {  	v55 =	vor.u32 v9, v40;
	v57 =	vld.idx.msk [tilespmem:v57+s3+$0x0], $0xffff  }
0x226: {  	v50 =	vor.u32 v26, v23;
	v6 =	vld [tilespmem:$0x1FC20]  }
0x227: {  	v61 =	vor.u32 v9, v41;
	v59 =	vadd.s32 v4, v39;
	v4 =	vld [tilespmem:$0x1FC30];
	[tilespmem:v48+s14+$0x0] =	vst.idx.msk $0xffff, v51  }
0x228: {  	[tilespmem:v54+s14+$0x0] =	vst.idx.msk $0xffff, v45  }
0x229: {  	v16 =	vld [tilespmem:$0x1FE30];
	[tilespmem:v58+s14+$0x0] =	vst.idx.msk $0xffff, v56  }
0x22a: {  	[tilespmem:v55+s14+$0x0] =	vst.idx.msk $0xffff, v47  }
0x22b: {  	v1 =	vld.idx.msk [tilespmem:v1+s3+$0x0], $0xffff;
	[tilespmem:v50+s14+$0x0] =	vst.idx.msk $0xffff, v49  }
0x22c: {  	v2 =	vadd.s32 v21, v39;
	v51 =	vor.u32 v22, v36;
	v25 =	vld [tilespmem:$0x1FFF0];
	[tilespmem:v61+s14+$0x0] =	vst.idx.msk $0xffff, v57  }
0x22d: {  	v8 =	vld [tilespmem:$0x1FEA0];
	_ =	sdelay $0x1  }
0x22e: {  	v60 =	vadd.s32 v63, v39  }
0x22f: {  	v46 =	vadd.s32 v29, v33  }
0x230: {  	v2 =	vld.idx.msk [tilespmem:v2+s3+$0x0], $0xffff;
	[tilespmem:v51+s14+$0x0] =	vst.idx.msk $0xffff, v1  }
0x231: {  	v54 =	vor.u32 v9, v37;
	v57 =	vadd.s32 v8, v39;
	v8 =	vld [tilespmem:$0x1FB70];
	_ =	sdelay $0x1  }
0x232: {  	v48 =	vadd.s32 v12, v33;
	v49 =	vld.idx.msk [tilespmem:v60+s3+$0x0], $0xffff  }
0x233: {  	v46 =	vld.idx.msk [tilespmem:v46+s3+$0x0], $0xffff;
	v45 =	vadd.s32 v16, v39  }
0x234: {  	v56 =	vadd.s32 v52, v33;
	v47 =	vor.u32 v0, v34;
	v55 =	vld.idx.msk [tilespmem:v59+s3+$0x0], $0xffff  }
0x235: {  	v58 =	vadd.s32 v17, v39;
	v51 =	vadd.s32 v8, v39;
	v8 =	vld [tilespmem:$0x1FB90];
	[tilespmem:v54+s14+$0x0] =	vst.idx.msk $0xffff, v2  }
0x236: {  	v59 =	vor.u32 v11, v38;
	v2 =	vld [tilespmem:$0x1FD00]  }
0x237: {  	v48 =	vld.idx.msk [tilespmem:v48+s3+$0x0], $0xffff  }
0x238: {  	v60 =	vor.u32 v11, v40;
	v50 =	vadd.s32 v25, v33;
	v61 =	vld.idx.msk [tilespmem:v45+s3+$0x0], $0xffff  }
0x239: {  	v1 =	vor.u32 v28, v23;
	v54 =	vld.idx.msk [tilespmem:v56+s3+$0x0], $0xffff  }
0x23a: {  	v62 =	vor.u32 v11, v41;
	[tilespmem:v47+s14+$0x0] =	vst.idx.msk $0xffff, v46;
	v58 =	vld.idx.msk [tilespmem:v58+s3+$0x0], $0xffff  }
0x23b: {  	v56 =	vadd.s32 v2, v33;
	v2 =	vld [tilespmem:$0x1FFE0];
	[tilespmem:v59+s14+$0x0] =	vst.idx.msk $0xffff, v55  }
0x23c: {  	v21 =	vmov v31;
	v52 =	vor.u32 v24, v36;
	v31 =	vld [tilespmem:$0x1FA30]  }
0x23d: {  	v50 =	vld.idx.msk [tilespmem:v50+s3+$0x0], $0xffff;
	v59 =	vor.u32 v11, v37;
	[tilespmem:v60+s14+$0x0] =	vst.idx.msk $0xffff, v49  }
0x23e: {  	v60 =	vor.u32 v18, v34;
	v17 =	vld [tilespmem:$0x1FE70];
	[tilespmem:v1+s14+$0x0] =	vst.idx.msk $0xffff, v48  }
0x23f: {  	v51 =	vld.idx.msk [tilespmem:v51+s3+$0x0], $0xffff;
	[tilespmem:v62+s14+$0x0] =	vst.idx.msk $0xffff, v61  }
0x240: {  	v62 =	vor.u32 v13, v40;
	v1 =	vld [tilespmem:$0x1FF70];
	v47 =	vadd.s32 v2, v39  }
0x241: {  	v49 =	vld.idx.msk [tilespmem:v57+s3+$0x0], $0xffff;
	[tilespmem:v52+s14+$0x0] =	vst.idx.msk $0xffff, v54;
	v2 =	vor.u32 v13, v38;
	v55 =	vadd.s32 v31, v33  }
0x242: {  	[tilespmem:v59+s14+$0x0] =	vst.idx.msk $0xffff, v58  }
0x243: {  	v56 =	vld.idx.msk [tilespmem:v56+s3+$0x0], $0xffff;
	[tilespmem:v60+s14+$0x0] =	vst.idx.msk $0xffff, v50  }
0x244: {  	v57 =	vadd.s32 v17, v39;
	v17 =	vld [tilespmem:$0x1FFD0]  }
0x245: {  	[tilespmem:v62+s14+$0x0] =	vst.idx.msk $0xffff, v51;
	v61 =	vadd.s32 v1, v39;
	v1 =	vor.u32 v30, v23;
	v54 =	vld.idx.msk [tilespmem:v47+s3+$0x0], $0xffff  }
0x246: {  	v59 =	vor.u32 v13, v41;
	[tilespmem:v2+s14+$0x0] =	vst.idx.msk $0xffff, v49;
	v12 =	vld.idx.msk [tilespmem:v55+s3+$0x0], $0xffff  }
0x247: {  	v55 =	vadd.s32 v6, v33;
	v6 =	vld [tilespmem:$0x1FE00];
	_ =	sdelay $0x2  }
0x248: {  	[tilespmem:v1+s14+$0x0] =	vst.idx.msk $0xffff, v56  }
0x249: {  	v23 =	vld [tilespmem:$0x1FDD0];
	[tilespmem:v59+s14+$0x0] =	vst.idx.msk $0xffff, v54  }
0x24a: {  	v51 =	vadd.s32 v6, v33;
	v6 =	vld [tilespmem:$0x1F820];
	_ =	sdelay $0x1  }
0x24b: {  	v46 =	vadd.s32 v53, v33;
	v53 =	vadd.s32 v32, v39;
	v2 =	vor.u32 v13, v37;
	v32 =	vld.idx.msk [tilespmem:v57+s3+$0x0], $0xffff;
	_ =	sdelay $0x2  }
0x24c: {  	v63 =	vadd.s32 v19, v33;
	_ =	sdelay $0x1  }
0x24d: {  	v52 =	vadd.s32 v8, v39;
	v1 =	vld [tilespmem:$0x1FF80];
	[tilespmem:v2+s14+$0x0] =	vst.idx.msk $0xffff, v32  }
0x24e: {  	[tilespmem:v6+s14+$0x0] =	vst.idx.msk $0xffff, v12  }
0x24f: {  	v6 =	vld [tilespmem:$0x1F830]  }
0x250: {  	v47 =	vld.idx.msk [tilespmem:v63+s3+$0x0], $0xffff  }
0x251: {  	v58 =	vld.idx.msk [tilespmem:v61+s3+$0x0], $0xffff  }
0x252: {  	v61 =	vld.idx.msk [tilespmem:v52+s3+$0x0], $0xffff  }
0x253: {  	v44 =	vor.u32 v22, v35;
	v55 =	vld.idx.msk [tilespmem:v55+s3+$0x0], $0xffff  }
0x254: {  	v45 =	vor.u32 v24, v35;
	v50 =	vor.u32 v20, v34;
	v60 =	vor.u32 v15, v38;
	v63 =	vld.idx.msk [tilespmem:v53+s3+$0x0], $0xffff  }
0x255: {  	v16 =	vmovc v19;
	v62 =	vadd.s32 v21, v39;
	v49 =	vor.u32 v24, v34;
	v48 =	vadd.s32 v17, v33;
	v32 =	vld [tilespmem:$0x1FE40]  }
0x256: {  	v21 =	vmovc v4;
	v57 =	vor.u32 v26, v36;
	v54 =	vadd.s32 v4, v33;
	v56 =	vadd.s32 v23, v33;
	v19 =	vld [tilespmem:$0x1FE50]  }
0x257: {  	v2 =	vor.u32 v15, v41;
	v59 =	vadd.s32 v1, v39;
	v1 =	vor.u32 v15, v40;
	v53 =	vld.idx.msk [tilespmem:v6+s3+$0x0], $0xffff  }
.LBB2_4:
0x258: {  	_ =	sdelay $0x1  }
0x259: {  	[tilespmem:v50+s14+$0x0] =	vst.idx.msk $0xffff, v47  }
0x25a: {  	v6 =	vadd.s32 v32, v33;
	v52 =	vmov v33;
	v33 =	vmov v39;
	v56 =	vld.idx.msk [tilespmem:v56+s3+$0x0], $0xffff;
	[tilespmem:v60+s14+$0x0] =	vst.idx.msk $0xffff, v58  }
0x25b: {  	v60 =	vor.u32 v22, v34;
	v58 =	vadd.s32 v10, v33;
	[tilespmem:v1+s14+$0x0] =	vst.idx.msk $0xffff, v61;
	v10 =	vld [tilespmem:$0x1FBC0]  }
0x25c: {  	s22 =	sadd.s32 $0x4, s22;
	v62 =	vld.idx.msk [tilespmem:v62+s3+$0x0], $0xffff  }
0x25d: {  	s23 =	sshrl.u32 s22, $0x3;
	s24 =	sand.u32 $0x4, s22;
	[tilespmem:v57+s14+$0x0] =	vst.idx.msk $0xffff, v55;
	v57 =	vld [tilespmem:$0x1FE60]  }
0x25e: {  	v12 =	vld [tilespmem:$0x1FA00];
	s25 =	sshrl.u32 s24, $0x2;
	s26 =	sshll.u32 s23, $0x5  }
0x25f: {  	s25 =	sor.u32 s25, s26;
	v59 =	vld.idx.msk [tilespmem:v59+s3+$0x0], $0xffff;
	[tilespmem:v44+s14+$0x0] =	vst.idx.msk $0xffff, v53  }
0x260: {  	v4 =	vor.u32 v28, v36;
	v8 =	vmovc v36;
	v36 =	vmov v40;
	v39 =	vmov s25;
	[tilespmem:v60+s14+$0x0] =	vst.idx.msk $0xffff, v56;
	v60 =	vld [tilespmem:$0x1FD80]  }
0x261: {  	v50 =	vmov v38;
	v1 =	vor.u32 v0, v36;
	[tilespmem:v2+s14+$0x0] =	vst.idx.msk $0xffff, v63;
	v39 =	vshll.u32 v39, $0x3;
	v43 =	vld.idx.msk [tilespmem:v43+s3+$0x0], $0xffff  }
0x262: {  	v2 =	vld.idx.msk [tilespmem:v54+s3+$0x0], $0xffff;
	v61 =	vadd.s32 v10, v33;
	v10 =	vor.u32 v0, v50;
	v40 =	vor.u32 s25, v57  }
0x263: {  	v39 =	vand.u32 $0x7FFFFC00, v39;
	v57 =	vld [tilespmem:$0x1FE80];
	v63 =	vand.u32 $0x7F, v40  }
0x264: {  	v6 =	vld.idx.msk [tilespmem:v6+s3+$0x0], $0xffff;
	v39 =	vor.u32 v63, v39  }
0x265: {  	s23 =	sshll.u32 s23, $0x4;
	v63 =	vadd.s32 v60, v39;
	v60 =	vld [tilespmem:$0x1FC80]  }
0x266: {  	v38 =	vmov s23;
	[tilespmem:v1+s14+$0x0] =	vst.idx.msk $0xffff, v62;
	v1 =	vld [tilespmem:$0x1FF60]  }
0x267: {  	v47 =	vmov v41;
	v38 =	vshll.u32 v38, $0x7;
	v12 =	vadd.s32 v12, v33;
	[tilespmem:v10+s14+$0x0] =	vst.idx.msk $0xffff, v59;
	v10 =	vld [tilespmem:$0x1FEC0]  }
0x268: {  	v44 =	vor.u32 v0, v47;
	v55 =	vor.u32 v57, v38;
	v57 =	vld.idx.msk [tilespmem:v42+s3+$0x0], $0xffff  }
0x269: {  	v56 =	vld.idx.msk [tilespmem:v61+s3+$0x0], $0xffff  }
0x26a: {  	s30 =	sshll.u32 s24, $0x4;
	v42 =	vadd.s32 v60, v39;
	v60 =	vld [tilespmem:$0x1FCB0]  }
0x26b: {  	s24 =	sor.u32 $0x10, s30;
	[tilespmem:v4+s14+$0x0] =	vst.idx.msk $0xffff, v2;
	v2 =	vld [tilespmem:$0x1FED0]  }
0x26c: {  	s31 =	sor.u32 $0x20, s30;
	s23 =	sor.u32 $0x30, s30;
	v54 =	vmovc v34;
	v34 =	vmovc v37;
	v12 =	vld.idx.msk [tilespmem:v12+s3+$0x0], $0xffff;
	v1 =	vadd.s32 v1, v39;
	v38 =	vor.u32 s30, v55;
	v40 =	vor.u32 s24, v55  }
0x26d: {  	v41 =	vor.u32 s31, v55;
	v37 =	vor.u32 s23, v55;
	v55 =	vor.u32 v18, v50;
	[tilespmem:v44+s14+$0x0] =	vst.idx.msk $0xffff, v57;
	v44 =	vld.idx.msk [tilespmem:v51+s3+$0x0], $0xffff  }
0x26e: {  	v53 =	vor.u32 v18, v47;
	[tilespmem:v45+s14+$0x0] =	vst.idx.msk $0xffff, v43;
	v51 =	vld.idx.msk [tilespmem:v58+s3+$0x0], $0xffff  }
0x26f: {  	v59 =	vor.u32 v27, v38;
	v45 =	vld.idx.msk [tilespmem:v63+s3+$0x0], $0xffff;
	v60 =	vadd.s32 v60, v33  }
0x270: {  	[tilespmem:v49+s14+$0x0] =	vst.idx.msk $0xffff, v6;
	v6 =	vld [tilespmem:$0x1FDB0]  }
0x271: {  	v63 =	vld [tilespmem:$0x1FF30]  }
0x272: {  	v10 =	vadd.s32 v10, v39;
	[tilespmem:v55+s14+$0x0] =	vst.idx.msk $0xffff, v12;
	v1 =	vld.idx.msk [tilespmem:v1+s3+$0x0], $0xffff  }
0x273: {  	v4 =	vor.u32 v18, v36;
	v46 =	vld.idx.msk [tilespmem:v46+s3+$0x0], $0xffff;
	[tilespmem:v53+s14+$0x0] =	vst.idx.msk $0xffff, v51  }
0x274: {  	[tilespmem:v59+s14+$0x0] =	vst.idx.msk $0xffff, v45;
	v45 =	vld.idx.msk [tilespmem:v60+s3+$0x0], $0xffff  }
0x275: {  	v60 =	vld [tilespmem:$0x1FE20]  }
0x276: {  	v12 =	vld.idx.msk [tilespmem:v48+s3+$0x0], $0xffff  }
0x277: {  	v8 =	vor.u32 v30, v8;
	v2 =	vadd.s32 v2, v39;
	v10 =	vld.idx.msk [tilespmem:v10+s3+$0x0], $0xffff  }
0x278: {  	v62 =	vor.u32 v27, v40;
	[tilespmem:v4+s14+$0x0] =	vst.idx.msk $0xffff, v56;
	v4 =	vld [tilespmem:$0x1FF00]  }
0x279: {  	v57 =	vor.u32 v26, v54;
	v48 =	vadd.s32 v63, v39;
	v53 =	vld [tilespmem:$0x1FAD0]  }
0x27a: {  	v6 =	vadd.s32 v6, v39;
	v59 =	vadd.s32 v60, v52;
	v60 =	vld [tilespmem:$0x1FE10]  }
0x27b: {  	v61 =	vld [tilespmem:$0x1FF20];
	v43 =	vor.u32 v26, v35  }
0x27c: {  	v58 =	vadd.s32 v19, v52;
	v55 =	vor.u32 v27, v41;
	v2 =	vld.idx.msk [tilespmem:v2+s3+$0x0], $0xffff;
	[tilespmem:v8+s14+$0x0] =	vst.idx.msk $0xffff, v44  }
0x27d: {  	v4 =	vadd.s32 v4, v39;
	[tilespmem:v62+s14+$0x0] =	vst.idx.msk $0xffff, v10;
	v10 =	vor.u32 v20, v47;
	v62 =	vld [tilespmem:$0x1FF50]  }
0x27e: {  	[tilespmem:v57+s14+$0x0] =	vst.idx.msk $0xffff, v12;
	v57 =	vor.u32 v3, v40;
	v48 =	vld.idx.msk [tilespmem:v48+s3+$0x0], $0xffff;
	v44 =	vadd.s32 v53, v52  }
0x27f: {  	v6 =	vld.idx.msk [tilespmem:v6+s3+$0x0], $0xffff;
	v53 =	vor.u32 v3, v38;
	v60 =	vadd.s32 v60, v33  }
0x280: {  	[tilespmem:v43+s14+$0x0] =	vst.idx.msk $0xffff, v46  }
0x281: {  	[tilespmem:v55+s14+$0x0] =	vst.idx.msk $0xffff, v1;
	v1 =	vld.idx.msk [tilespmem:v58+s3+$0x0], $0xffff  }
0x282: {  	v55 =	vadd.s32 v61, v39;
	v58 =	vor.u32 v3, v41;
	v4 =	vld.idx.msk [tilespmem:v4+s3+$0x0], $0xffff;
	[tilespmem:v10+s14+$0x0] =	vst.idx.msk $0xffff, v45  }
0x283: {  	v43 =	vadd.s32 v62, v39;
	[tilespmem:v57+s14+$0x0] =	vst.idx.msk $0xffff, v48;
	v44 =	vld.idx.msk [tilespmem:v44+s3+$0x0], $0xffff  }
0x284: {  	v48 =	vor.u32 v22, v47;
	[tilespmem:v53+s14+$0x0] =	vst.idx.msk $0xffff, v6;
	v6 =	vld.idx.msk [tilespmem:v60+s3+$0x0], $0xffff;
	_ =	sdelay $0x1  }
0x285: {  	v8 =	vld [tilespmem:$0x1FEF0]  }
0x286: {  	v55 =	vld.idx.msk [tilespmem:v55+s3+$0x0], $0xffff;
	[tilespmem:v58+s14+$0x0] =	vst.idx.msk $0xffff, v4  }
0x287: {  	v56 =	vor.u32 v27, v37;
	v58 =	vld.idx.msk [tilespmem:v43+s3+$0x0], $0xffff  }
0x288: {  	v61 =	vor.u32 v5, v40;
	[tilespmem:v48+s14+$0x0] =	vst.idx.msk $0xffff, v6;
	v6 =	vadd.s32 v14, v33;
	v14 =	vld [tilespmem:$0x1FFA0];
	_ =	sdelay $0x1  }
0x289: {  	v12 =	vld [tilespmem:$0x1FDC0];
	v8 =	vadd.s32 v8, v39  }
0x28a: {  	v49 =	vor.u32 v28, v54;
	v63 =	vld [tilespmem:$0x1FFB0]  }
0x28b: {  	[tilespmem:v56+s14+$0x0] =	vst.idx.msk $0xffff, v2;
	v56 =	vld [tilespmem:$0x1FCD0]  }
0x28c: {  	[tilespmem:v61+s14+$0x0] =	vst.idx.msk $0xffff, v55;
	v61 =	vadd.s32 v14, v39;
	v14 =	vld [tilespmem:$0x1FA80]  }
0x28d: {  	v10 =	vld [tilespmem:$0x1FAF0]  }
0x28e: {  	v12 =	vadd.s32 v12, v39;
	v8 =	vld.idx.msk [tilespmem:v8+s3+$0x0], $0xffff  }
0x28f: {  	[tilespmem:v49+s14+$0x0] =	vst.idx.msk $0xffff, v1;
	v1 =	vld [tilespmem:$0x1FDE0]  }
0x290: {  	v51 =	vor.u32 v28, v35;
	v60 =	vld [tilespmem:$0x1FA60]  }
0x291: {  	v43 =	vadd.s32 v14, v33;
	v14 =	vld [tilespmem:$0x1FB40]  }
0x292: {  	v2 =	vor.u32 v3, v37  }
0x293: {  	v45 =	vadd.s32 v56, v33;
	v56 =	vor.u32 v5, v38;
	v12 =	vld.idx.msk [tilespmem:v12+s3+$0x0], $0xffff;
	v10 =	vadd.s32 v10, v52  }
0x294: {  	v62 =	vld [tilespmem:$0x1FF10];
	v1 =	vadd.s32 v1, v39  }
0x295: {  	v46 =	vadd.s32 v63, v39;
	v63 =	vor.u32 v30, v54;
	[tilespmem:v51+s14+$0x0] =	vst.idx.msk $0xffff, v44;
	v4 =	vld.idx.msk [tilespmem:v59+s3+$0x0], $0xffff  }
0x296: {  	v53 =	vadd.s32 v60, v33;
	v60 =	vor.u32 v5, v41;
	v54 =	vadd.s32 v14, v39;
	v14 =	vld [tilespmem:$0x1FEE0]  }
0x297: {  	[tilespmem:v2+s14+$0x0] =	vst.idx.msk $0xffff, v8;
	v2 =	vld [tilespmem:$0x1FBD0]  }
0x298: {  	v8 =	vld.idx.msk [tilespmem:v10+s3+$0x0], $0xffff;
	[tilespmem:v56+s14+$0x0] =	vst.idx.msk $0xffff, v12  }
0x299: {  	v1 =	vld.idx.msk [tilespmem:v1+s3+$0x0], $0xffff  }
0x29a: {  	v35 =	vor.u32 v30, v35;
	v57 =	vadd.s32 v62, v39;
	v48 =	vld.idx.msk [tilespmem:v45+s3+$0x0], $0xffff  }
0x29b: {  	v62 =	vor.u32 v7, v38;
	[tilespmem:v60+s14+$0x0] =	vst.idx.msk $0xffff, v58;
	v60 =	vadd.s32 v14, v39;
	v14 =	vld [tilespmem:$0x1FBF0];
	_ =	sdelay $0x2  }
0x29c: {  	v46 =	vld.idx.msk [tilespmem:v46+s3+$0x0], $0xffff;
	[tilespmem:v63+s14+$0x0] =	vst.idx.msk $0xffff, v4  }
0x29d: {  	v56 =	vld.idx.msk [tilespmem:v57+s3+$0x0], $0xffff;
	v2 =	vadd.s32 v2, v33;
	[tilespmem:v35+s14+$0x0] =	vst.idx.msk $0xffff, v8  }
0x29e: {  	v63 =	vor.u32 v7, v40;
	[tilespmem:v62+s14+$0x0] =	vst.idx.msk $0xffff, v1;
	v62 =	vadd.s32 v14, v33;
	v14 =	vld [tilespmem:$0x1FD40];
	_ =	sdelay $0x2  }
0x29f: {  	v10 =	vld [tilespmem:$0x1FF40]  }
0x2a0: {  	v2 =	vld.idx.msk [tilespmem:v2+s3+$0x0], $0xffff  }
0x2a1: {  	[tilespmem:v63+s14+$0x0] =	vst.idx.msk $0xffff, v56;
	v63 =	vadd.s32 v14, v39;
	v14 =	vld [tilespmem:$0x1FE90];
	_ =	sdelay $0x2  }
0x2a2: {  	v12 =	vor.u32 v5, v37  }
0x2a3: {  	v10 =	vadd.s32 v10, v39  }
0x2a4: {  	v49 =	vor.u32 v24, v47;
	v56 =	vadd.s32 v14, v39;
	v14 =	vld [tilespmem:$0x1FCF0]  }
0x2a5: {  	v4 =	vld [tilespmem:$0x1FEB0];
	_ =	sdelay $0x1  }
0x2a6: {  	[tilespmem:v12+s14+$0x0] =	vst.idx.msk $0xffff, v46;
	v12 =	vld [tilespmem:$0x1FCE0]  }
0x2a7: {  	v10 =	vld.idx.msk [tilespmem:v10+s3+$0x0], $0xffff  }
0x2a8: {  	v57 =	vor.u32 v20, v36;
	[tilespmem:v49+s14+$0x0] =	vst.idx.msk $0xffff, v48;
	v48 =	vadd.s32 v14, v33;
	v14 =	vld [tilespmem:$0x1FE30]  }
0x2a9: {  	v4 =	vadd.s32 v4, v39  }
0x2aa: {  	v8 =	vor.u32 v7, v41;
	v6 =	vld.idx.msk [tilespmem:v6+s3+$0x0], $0xffff  }
0x2ab: {  	v12 =	vadd.s32 v12, v33;
	v61 =	vld.idx.msk [tilespmem:v61+s3+$0x0], $0xffff  }
0x2ac: {  	v52 =	vor.u32 v20, v50;
	v44 =	vor.u32 v22, v50;
	v1 =	vor.u32 v7, v37;
	v54 =	vld.idx.msk [tilespmem:v54+s3+$0x0], $0xffff  }
0x2ad: {  	v35 =	vmov v50;
	[tilespmem:v57+s14+$0x0] =	vst.idx.msk $0xffff, v2;
	v57 =	vor.u32 v9, v40;
	v50 =	vadd.s32 v14, v39;
	v14 =	vld [tilespmem:$0x1FF90]  }
0x2ae: {  	v4 =	vld.idx.msk [tilespmem:v4+s3+$0x0], $0xffff  }
0x2af: {  	v51 =	vor.u32 v15, v34;
	[tilespmem:v8+s14+$0x0] =	vst.idx.msk $0xffff, v10;
	v10 =	vld [tilespmem:$0x1FB60]  }
0x2b0: {  	v8 =	vld.idx.msk [tilespmem:v12+s3+$0x0], $0xffff  }
0x2b1: {  	[tilespmem:v1+s14+$0x0] =	vst.idx.msk $0xffff, v61;
	v1 =	vld.idx.msk [tilespmem:v62+s3+$0x0], $0xffff  }
0x2b2: {  	[tilespmem:v57+s14+$0x0] =	vst.idx.msk $0xffff, v54;
	v54 =	vadd.s32 v14, v39;
	v14 =	vld [tilespmem:$0x1FEA0]  }
0x2b3: {  	v55 =	vor.u32 v9, v38;
	v49 =	vld.idx.msk [tilespmem:v63+s3+$0x0], $0xffff  }
0x2b4: {  	v46 =	vor.u32 v26, v47;
	[tilespmem:v51+s14+$0x0] =	vst.idx.msk $0xffff, v6;
	v6 =	vld [tilespmem:$0x1FC00]  }
0x2b5: {  	v59 =	vor.u32 v9, v41;
	v10 =	vadd.s32 v10, v39;
	v12 =	vld.idx.msk [tilespmem:v60+s3+$0x0], $0xffff;
	_ =	sdelay $0x1  }
0x2b6: {  	v57 =	vadd.s32 v14, v39;
	v14 =	vld [tilespmem:$0x1FB70]  }
0x2b7: {  	[tilespmem:v55+s14+$0x0] =	vst.idx.msk $0xffff, v4;
	v2 =	vadd.s32 v29, v33;
	v60 =	vor.u32 v22, v36  }
0x2b8: {  	v4 =	vor.u32 v9, v37;
	[tilespmem:v46+s14+$0x0] =	vst.idx.msk $0xffff, v8;
	v6 =	vadd.s32 v6, v33  }
0x2b9: {  	[tilespmem:v59+s14+$0x0] =	vst.idx.msk $0xffff, v12;
	v10 =	vld.idx.msk [tilespmem:v10+s3+$0x0], $0xffff  }
0x2ba: {  	v12 =	vld.idx.msk [tilespmem:v48+s3+$0x0], $0xffff  }
0x2bb: {  	v48 =	vadd.s32 v14, v39;
	v14 =	vld [tilespmem:$0x1FFE0]  }
0x2bc: {  	v61 =	vor.u32 v11, v40;
	[tilespmem:v60+s14+$0x0] =	vst.idx.msk $0xffff, v1;
	v2 =	vld.idx.msk [tilespmem:v2+s3+$0x0], $0xffff  }
0x2bd: {  	[tilespmem:v4+s14+$0x0] =	vst.idx.msk $0xffff, v49;
	v4 =	vld.idx.msk [tilespmem:v6+s3+$0x0], $0xffff  }
0x2be: {  	v6 =	vld [tilespmem:$0x1FD00]  }
0x2bf: {  	v1 =	vor.u32 v28, v47  }
0x2c0: {  	v49 =	vadd.s32 v14, v39;
	v14 =	vld [tilespmem:$0x1FAB0]  }
0x2c1: {  	v55 =	vor.u32 v0, v34;
	[tilespmem:v61+s14+$0x0] =	vst.idx.msk $0xffff, v10;
	v10 =	vld [tilespmem:$0x1FE70]  }
0x2c2: {  	v8 =	vadd.s32 v25, v33;
	v59 =	vor.u32 v11, v41;
	v50 =	vld.idx.msk [tilespmem:v50+s3+$0x0], $0xffff  }
0x2c3: {  	v51 =	vld.idx.msk [tilespmem:v56+s3+$0x0], $0xffff;
	v56 =	vor.u32 v11, v38;
	v6 =	vadd.s32 v6, v33  }
0x2c4: {  	[tilespmem:v1+s14+$0x0] =	vst.idx.msk $0xffff, v12;
	v12 =	vld [tilespmem:$0x1FF70]  }
0x2c5: {  	v46 =	vadd.s32 v14, v33;
	v14 =	vld [tilespmem:$0x1FB90]  }
0x2c6: {  	v60 =	vadd.s32 v31, v33;
	v54 =	vld.idx.msk [tilespmem:v54+s3+$0x0], $0xffff;
	[tilespmem:v55+s14+$0x0] =	vst.idx.msk $0xffff, v2;
	v2 =	vor.u32 v11, v37  }
0x2c7: {  	v10 =	vadd.s32 v10, v39;
	[tilespmem:v59+s14+$0x0] =	vst.idx.msk $0xffff, v50;
	v8 =	vld.idx.msk [tilespmem:v8+s3+$0x0], $0xffff  }
0x2c8: {  	[tilespmem:v56+s14+$0x0] =	vst.idx.msk $0xffff, v51;
	v55 =	vor.u32 v18, v34;
	v6 =	vld.idx.msk [tilespmem:v6+s3+$0x0], $0xffff  }
0x2c9: {  	v58 =	vor.u32 v24, v36;
	v1 =	vadd.s32 v16, v33;
	v51 =	vld.idx.msk [tilespmem:v57+s3+$0x0], $0xffff  }
0x2ca: {  	v59 =	vadd.s32 v14, v39;
	v14 =	vld [tilespmem:$0x1FC20]  }
0x2cb: {  	v56 =	vor.u32 v13, v38;
	[tilespmem:v2+s14+$0x0] =	vst.idx.msk $0xffff, v54;
	v2 =	vld.idx.msk [tilespmem:v60+s3+$0x0], $0xffff  }
0x2cc: {  	v12 =	vadd.s32 v12, v39;
	v10 =	vld.idx.msk [tilespmem:v10+s3+$0x0], $0xffff  }
0x2cd: {  	[tilespmem:v55+s14+$0x0] =	vst.idx.msk $0xffff, v8;
	v8 =	vor.u32 v13, v37;
	v57 =	vld.idx.msk [tilespmem:v48+s3+$0x0], $0xffff  }
0x2ce: {  	[tilespmem:v58+s14+$0x0] =	vst.idx.msk $0xffff, v4;
	v4 =	vor.u32 v30, v47;
	v47 =	vld.idx.msk [tilespmem:v1+s3+$0x0], $0xffff  }
0x2cf: {  	v54 =	vadd.s32 v14, v33;
	v14 =	vld [tilespmem:$0x1FFC0]  }
0x2d0: {  	[tilespmem:v56+s14+$0x0] =	vst.idx.msk $0xffff, v51;
	v1 =	vld [tilespmem:$0x1FE00]  }
0x2d1: {  	v61 =	vor.u32 v13, v40;
	v58 =	vld.idx.msk [tilespmem:v12+s3+$0x0], $0xffff  }
0x2d2: {  	[tilespmem:v8+s14+$0x0] =	vst.idx.msk $0xffff, v10;
	v10 =	vld [tilespmem:$0x1FCA0]  }
0x2d3: {  	v63 =	vor.u32 v13, v41;
	v62 =	vld.idx.msk [tilespmem:v49+s3+$0x0], $0xffff  }
0x2d4: {  	[tilespmem:v4+s14+$0x0] =	vst.idx.msk $0xffff, v6;
	v4 =	vld [tilespmem:$0x1FBA0];
	v14 =	vadd.s32 v14, v39  }
0x2d5: {  	p2 =	slt.u32 s22, $0x3C;
	[tilespmem:v52+s14+$0x0] =	vst.idx.msk $0xffff, v2;
	v51 =	vadd.s32 v1, v33;
	v1 =	vld [tilespmem:$0x1FF80]  }
.Ltmp5:
0x2d6: {  	v45 =	vor.u32 v24, v35;
	v53 =	vld.idx.msk [tilespmem:v53+s3+$0x0], $0xffff;
	[tilespmem:v61+s14+$0x0] =	vst.idx.msk $0xffff, v57;
	(pc) =	sbr.rel @p2 .LBB2_4-.Ltmp5, $4  }
0x2d7: {  	v50 =	vor.u32 v20, v34;
	v60 =	vor.u32 v15, v38;
	v48 =	vadd.s32 v17, v33;
	v61 =	vld.idx.msk [tilespmem:v59+s3+$0x0], $0xffff  }
0x2d8: {  	v56 =	vadd.s32 v23, v33;
	v2 =	vor.u32 v15, v41;
	[tilespmem:v63+s14+$0x0] =	vst.idx.msk $0xffff, v62;
	v55 =	vld.idx.msk [tilespmem:v54+s3+$0x0], $0xffff  }
0x2d9: {  	v49 =	vor.u32 v24, v34;
	v57 =	vor.u32 v26, v36;
	v62 =	vadd.s32 v4, v39;
	v63 =	vld.idx.msk [tilespmem:v14+s3+$0x0], $0xffff  }
0x2da: {  	v59 =	vadd.s32 v1, v39;
	v1 =	vor.u32 v15, v40;
	v54 =	vadd.s32 v21, v33;
	v14 =	vld [tilespmem:$0x1FD60]  }
0x2db: {  	_ =	sdelay $0x3  }
0x2dc: {  	v4 =	vadd.s32 v14, v39;
	_ =	sdelay $0x4  }
0x2dd: {  	v6 =	vor.u32 v15, v37;
	v4 =	vld.idx.msk [tilespmem:v4+s3+$0x0], $0xffff  }
0x2de: {  	v8 =	vadd.s32 v29, v39;
	_ =	sdelay $0x1  }
0x2df: {  	[tilespmem:v2+s14+$0x0] =	vst.idx.msk $0xffff, v63  }
0x2e0: {  	[tilespmem:v1+s14+$0x0] =	vst.idx.msk $0xffff, v61;
	v2 =	vor.u32 v0, v41;
	v1 =	vld.idx.msk [tilespmem:v42+s3+$0x0], $0xffff  }
0x2e1: {  	v12 =	vor.u32 v0, v40;
	v14 =	vld.idx.msk [tilespmem:v62+s3+$0x0], $0xffff;
	[tilespmem:v6+s14+$0x0] =	vst.idx.msk $0xffff, v4  }
0x2e2: {  	[tilespmem:v60+s14+$0x0] =	vst.idx.msk $0xffff, v58;
	v6 =	vld.idx.msk [tilespmem:v8+s3+$0x0], $0xffff;
	v8 =	vor.u32 v0, v37  }
0x2e3: {  	v4 =	vld [tilespmem:$0x1FBC0]  }
0x2e4: {  	v10 =	vadd.s32 v10, v39;
	v52 =	vor.u32 v0, v38;
	v63 =	vld.idx.msk [tilespmem:v59+s3+$0x0], $0xffff  }
0x2e5: {  	v60 =	vadd.s32 v25, v39;
	v25 =	vld [tilespmem:$0x1FA00];
	[tilespmem:v2+s14+$0x0] =	vst.idx.msk $0xffff, v1  }
0x2e6: {  	[tilespmem:v12+s14+$0x0] =	vst.idx.msk $0xffff, v14  }
0x2e7: {  	[tilespmem:v8+s14+$0x0] =	vst.idx.msk $0xffff, v6  }
0x2e8: {  	v4 =	vadd.s32 v4, v39;
	v8 =	vld [tilespmem:$0x1FCB0]  }
0x2e9: {  	v1 =	vld.idx.msk [tilespmem:v10+s3+$0x0], $0xffff;
	[tilespmem:v52+s14+$0x0] =	vst.idx.msk $0xffff, v63  }
0x2ea: {  	v2 =	vor.u32 v18, v41;
	v61 =	vadd.s32 v25, v39;
	v10 =	vld [tilespmem:$0x1FBD0]  }
0x2eb: {  	v14 =	vor.u32 v18, v37;
	v12 =	vld.idx.msk [tilespmem:v60+s3+$0x0], $0xffff  }
0x2ec: {  	v63 =	vadd.s32 v16, v39  }
0x2ed: {  	v6 =	vor.u32 v18, v40;
	v4 =	vld.idx.msk [tilespmem:v4+s3+$0x0], $0xffff;
	v8 =	vadd.s32 v8, v39  }
0x2ee: {  	[tilespmem:v50+s14+$0x0] =	vst.idx.msk $0xffff, v47  }
0x2ef: {  	v62 =	vor.u32 v18, v38;
	[tilespmem:v2+s14+$0x0] =	vst.idx.msk $0xffff, v1;
	v42 =	vld.idx.msk [tilespmem:v61+s3+$0x0], $0xffff;
	v10 =	vadd.s32 v10, v39  }
0x2f0: {  	v1 =	vld.idx.msk [tilespmem:v56+s3+$0x0], $0xffff;
	[tilespmem:v14+s14+$0x0] =	vst.idx.msk $0xffff, v12  }
0x2f1: {  	[tilespmem:v57+s14+$0x0] =	vst.idx.msk $0xffff, v55;
	v57 =	vadd.s32 v31, v39;
	v2 =	vor.u32 v22, v34;
	v58 =	vld.idx.msk [tilespmem:v63+s3+$0x0], $0xffff  }
0x2f2: {  	v59 =	vor.u32 v20, v37;
	[tilespmem:v6+s14+$0x0] =	vst.idx.msk $0xffff, v4;
	v4 =	vld.idx.msk [tilespmem:v8+s3+$0x0], $0xffff  }
0x2f3: {  	v6 =	vor.u32 v20, v41;
	v8 =	vld [tilespmem:$0x1FE10]  }
0x2f4: {  	v12 =	vor.u32 v20, v40;
	[tilespmem:v62+s14+$0x0] =	vst.idx.msk $0xffff, v42;
	v10 =	vld.idx.msk [tilespmem:v10+s3+$0x0], $0xffff  }
0x2f5: {  	v14 =	vld [tilespmem:$0x1FBF0];
	[tilespmem:v44+s14+$0x0] =	vst.idx.msk $0xffff, v53  }
0x2f6: {  	v60 =	vor.u32 v20, v38;
	v61 =	vld.idx.msk [tilespmem:v57+s3+$0x0], $0xffff;
	[tilespmem:v2+s14+$0x0] =	vst.idx.msk $0xffff, v1  }
0x2f7: {  	v55 =	vld [tilespmem:$0x1FA60];
	[tilespmem:v59+s14+$0x0] =	vst.idx.msk $0xffff, v58  }
0x2f8: {  	v62 =	vadd.s32 v23, v39;
	[tilespmem:v6+s14+$0x0] =	vst.idx.msk $0xffff, v4  }
0x2f9: {  	v2 =	vld.idx.msk [tilespmem:v54+s3+$0x0], $0xffff;
	v8 =	vadd.s32 v8, v39;
	[tilespmem:v12+s14+$0x0] =	vst.idx.msk $0xffff, v10  }
0x2fa: {  	v14 =	vadd.s32 v14, v39;
	v12 =	vld [tilespmem:$0x1FCD0]  }
0x2fb: {  	v1 =	vor.u32 v28, v36;
	v4 =	vadd.s32 v32, v33;
	v6 =	vld.idx.msk [tilespmem:v43+s3+$0x0], $0xffff;
	[tilespmem:v60+s14+$0x0] =	vst.idx.msk $0xffff, v61  }
0x2fc: {  	v63 =	vadd.s32 v55, v39;
	v23 =	vld [tilespmem:$0x1FC00]  }
0x2fd: {  	v58 =	vor.u32 v22, v37;
	v57 =	vld.idx.msk [tilespmem:v62+s3+$0x0], $0xffff  }
0x2fe: {  	v10 =	vor.u32 v22, v41;
	v8 =	vld.idx.msk [tilespmem:v8+s3+$0x0], $0xffff  }
0x2ff: {  	v55 =	vor.u32 v22, v40;
	v14 =	vld.idx.msk [tilespmem:v14+s3+$0x0], $0xffff;
	v12 =	vadd.s32 v12, v39  }
0x300: {  	[tilespmem:v1+s14+$0x0] =	vst.idx.msk $0xffff, v2;
	v4 =	vld.idx.msk [tilespmem:v4+s3+$0x0], $0xffff  }
0x301: {  	v1 =	vor.u32 v22, v38;
	[tilespmem:v45+s14+$0x0] =	vst.idx.msk $0xffff, v6;
	v2 =	vld.idx.msk [tilespmem:v63+s3+$0x0], $0xffff;
	v56 =	vadd.s32 v23, v39  }
0x302: {  	v23 =	vld [tilespmem:$0x1FA80];
	[tilespmem:v58+s14+$0x0] =	vst.idx.msk $0xffff, v57  }
0x303: {  	[tilespmem:v10+s14+$0x0] =	vst.idx.msk $0xffff, v8;
	v8 =	vld.idx.msk [tilespmem:v51+s3+$0x0], $0xffff  }
0x304: {  	v59 =	vadd.s32 v32, v39;
	v10 =	vor.u32 v30, v36;
	[tilespmem:v55+s14+$0x0] =	vst.idx.msk $0xffff, v14;
	v12 =	vld.idx.msk [tilespmem:v12+s3+$0x0], $0xffff  }
0x305: {  	v14 =	vor.u32 v24, v41;
	v31 =	vld [tilespmem:$0x1FCE0]  }
0x306: {  	v61 =	vor.u32 v24, v40;
	[tilespmem:v1+s14+$0x0] =	vst.idx.msk $0xffff, v2;
	v43 =	vld.idx.msk [tilespmem:v56+s3+$0x0], $0xffff  }
0x307: {  	v25 =	vld [tilespmem:$0x1FC20]  }
0x308: {  	v6 =	vadd.s32 v23, v39;
	[tilespmem:v49+s14+$0x0] =	vst.idx.msk $0xffff, v4  }
0x309: {  	v62 =	vadd.s32 v17, v39;
	v44 =	vld.idx.msk [tilespmem:v59+s3+$0x0], $0xffff;
	[tilespmem:v10+s14+$0x0] =	vst.idx.msk $0xffff, v8  }
0x30a: {  	v2 =	vor.u32 v24, v37;
	v17 =	vld [tilespmem:$0x1FAB0];
	v60 =	vadd.s32 v31, v39;
	[tilespmem:v14+s14+$0x0] =	vst.idx.msk $0xffff, v12  }
0x30b: {  	v10 =	vld.idx.msk [tilespmem:v48+s3+$0x0], $0xffff;
	[tilespmem:v61+s14+$0x0] =	vst.idx.msk $0xffff, v43  }
0x30c: {  	v32 =	vmovc v19;
	v8 =	vor.u32 v26, v34;
	v14 =	vadd.s32 v19, v33;
	v1 =	vadd.s32 v25, v39;
	v19 =	vld [tilespmem:$0x1FAD0]  }
0x30d: {  	v4 =	vor.u32 v24, v38;
	v6 =	vld.idx.msk [tilespmem:v6+s3+$0x0], $0xffff  }
0x30e: {  	v46 =	vld.idx.msk [tilespmem:v46+s3+$0x0], $0xffff;
	v12 =	vor.u32 v26, v35  }
0x30f: {  	v49 =	vor.u32 v26, v41;
	[tilespmem:v2+s14+$0x0] =	vst.idx.msk $0xffff, v44;
	v63 =	vadd.s32 v17, v39;
	v36 =	vld.idx.msk [tilespmem:v60+s3+$0x0], $0xffff  }
0x310: {  	v2 =	vld [tilespmem:$0x1FCF0]  }
0x311: {  	v50 =	vor.u32 v26, v40;
	[tilespmem:v8+s14+$0x0] =	vst.idx.msk $0xffff, v10;
	v1 =	vld.idx.msk [tilespmem:v1+s3+$0x0], $0xffff;
	v48 =	vadd.s32 v19, v33  }
0x312: {  	v45 =	vld.idx.msk [tilespmem:v62+s3+$0x0], $0xffff;
	[tilespmem:v4+s14+$0x0] =	vst.idx.msk $0xffff, v6;
	v6 =	vor.u32 v26, v37  }
0x313: {  	[tilespmem:v12+s14+$0x0] =	vst.idx.msk $0xffff, v46;
	v14 =	vld.idx.msk [tilespmem:v14+s3+$0x0], $0xffff  }
0x314: {  	v8 =	vor.u32 v26, v38;
	v10 =	vadd.s32 v32, v39;
	v47 =	vld.idx.msk [tilespmem:v63+s3+$0x0], $0xffff;
	[tilespmem:v49+s14+$0x0] =	vst.idx.msk $0xffff, v36  }
0x315: {  	v57 =	vld [tilespmem:$0x1FE20]  }
0x316: {  	v12 =	vor.u32 v28, v34;
	v52 =	vadd.s32 v19, v39;
	[tilespmem:v50+s14+$0x0] =	vst.idx.msk $0xffff, v1;
	v42 =	vld.idx.msk [tilespmem:v48+s3+$0x0], $0xffff  }
0x317: {  	v2 =	vadd.s32 v2, v39;
	v19 =	vld [tilespmem:$0x1FAF0];
	[tilespmem:v6+s14+$0x0] =	vst.idx.msk $0xffff, v45  }
0x318: {  	v6 =	vld [tilespmem:$0x1FD00]  }
0x319: {  	v53 =	vor.u32 v28, v35;
	v4 =	vadd.s32 v21, v39;
	v10 =	vld.idx.msk [tilespmem:v10+s3+$0x0], $0xffff;
	[tilespmem:v8+s14+$0x0] =	vst.idx.msk $0xffff, v47  }
0x31a: {  	v58 =	vor.u32 v28, v37;
	v8 =	vld [tilespmem:$0x1FE00];
	v54 =	vadd.s32 v57, v33  }
0x31b: {  	[tilespmem:v12+s14+$0x0] =	vst.idx.msk $0xffff, v14;
	v12 =	vor.u32 v28, v38;
	v46 =	vld.idx.msk [tilespmem:v52+s3+$0x0], $0xffff;
	v14 =	vadd.s32 v57, v39  }
0x31c: {  	v55 =	vor.u32 v28, v41;
	v2 =	vld.idx.msk [tilespmem:v2+s3+$0x0], $0xffff;
	v1 =	vadd.s32 v19, v33  }
0x31d: {  	v61 =	vadd.s32 v19, v39  }
0x31e: {  	v56 =	vor.u32 v28, v40;
	v4 =	vld.idx.msk [tilespmem:v4+s3+$0x0], $0xffff;
	[tilespmem:v53+s14+$0x0] =	vst.idx.msk $0xffff, v42;
	v6 =	vadd.s32 v6, v39  }
0x31f: {  	v60 =	vor.u32 v30, v34;
	[tilespmem:v58+s14+$0x0] =	vst.idx.msk $0xffff, v10;
	v8 =	vadd.s32 v8, v39;
	v59 =	vld.idx.msk [tilespmem:v54+s3+$0x0], $0xffff  }
0x320: {  	[tilespmem:v12+s14+$0x0] =	vst.idx.msk $0xffff, v46;
	v12 =	vld.idx.msk [tilespmem:v14+s3+$0x0], $0xffff;
	v14 =	vor.u32 v30, v37  }
0x321: {  	[tilespmem:v55+s14+$0x0] =	vst.idx.msk $0xffff, v2;
	v2 =	vor.u32 v30, v35;
	v1 =	vld.idx.msk [tilespmem:v1+s3+$0x0], $0xffff  }
0x322: {  	v62 =	vor.u32 v30, v38;
	v63 =	vld.idx.msk [tilespmem:v61+s3+$0x0], $0xffff  }
0x323: {  	[tilespmem:v56+s14+$0x0] =	vst.idx.msk $0xffff, v4;
	v4 =	vld.idx.msk [tilespmem:v6+s3+$0x0], $0xffff;
	v6 =	vor.u32 v30, v41  }
0x324: {  	v10 =	vor.u32 v30, v40;
	v8 =	vld.idx.msk [tilespmem:v8+s3+$0x0], $0xffff;
	[tilespmem:v60+s14+$0x0] =	vst.idx.msk $0xffff, v59  }
0x325: {  	[tilespmem:v14+s14+$0x0] =	vst.idx.msk $0xffff, v12  }
0x326: {  	[tilespmem:v2+s14+$0x0] =	vst.idx.msk $0xffff, v1  }
0x327: {  	[tilespmem:v62+s14+$0x0] =	vst.idx.msk $0xffff, v63  }
0x328: {  	[tilespmem:v6+s14+$0x0] =	vst.idx.msk $0xffff, v4  }
0x329: {  	[tilespmem:v10+s14+$0x0] =	vst.idx.msk $0xffff, v8  }
0x32a: {  	v53 =	vld [tilespmem:$0x1FEC0]  }
0x32b: {  	v47 =	vld [tilespmem:$0x1FF30]  }
0x32c: {  	v58 =	vld [tilespmem:$0x1FF20]  }
0x32d: {  	v59 =	vld [tilespmem:$0x1FF10]  }
0x32e: {  	v34 =	vld [tilespmem:$0x1FF60]  }
0x32f: {  	v17 =	vld [tilespmem:$0x1FF00]  }
0x330: {  	v40 =	vld [tilespmem:$0x1FF50]  }
0x331: {  	v46 =	vld [tilespmem:$0x1FF40]  }
0x332: {  	v32 =	vld [tilespmem:$0x1FEE0]  }
0x333: {  	v38 =	vld [tilespmem:$0x1FE30]  }
0x334: {  	v21 =	vld [tilespmem:$0x1FFE0]  }
0x335: {  	v6 =	vld [tilespmem:$0x1FFC0]  }
0x336: {  	v54 =	vld [tilespmem:$0x1FED0]  }
0x337: {  	v19 =	vld [tilespmem:$0x1FEF0]  }
0x338: {  	v48 =	vld [tilespmem:$0x1FFB0]  }
0x339: {  	v60 =	vld [tilespmem:$0x1FFA0]  }
0x33a: {  	v8 =	vld [tilespmem:$0x1FF90]  }
0x33b: {  	v52 =	vld [tilespmem:$0x1FE70]  }
0x33c: {  	v51 =	vld [tilespmem:$0x1FE60]  }
0x33d: {  	v14 =	vld [tilespmem:$0x1FE80]  }
0x33e: {  	v10 =	vld [tilespmem:$0x1FEB0]  }
0x33f: {  	s22 =	sshll.u32 s20, $0x11;
	v41 =	vld [tilespmem:$0x1FE90]  }
0x340: {  	s22 =	sadd.s32 s22, s7;
	v43 =	vld [tilespmem:$0x1FEA0]  }
0x341: {  	[hbm4b:s22+s3] =	stream.linear.scatter [tilespmem:s14], [sflag:$0x3], $0x4000, $0x38;
	v49 =	vld [tilespmem:$0x1FF70]  }
0x342: {  	s22 =	sadd.s32 $0x2, s21;
	v25 =	vld [tilespmem:$0x1FF80]  }
0x343: {  	v37 =	vld [tilespmem:$0x1FD80];
	p2 =	sge.u32 s22, s4  }
0x344: {  	v36 =	vld [tilespmem:$0x1FDB0];
	s22 =	sshll.u32 @!p2 s22, $0xD;
	s23 =	simm.s32 @!p2 $0x800  }
0x345: {  	v35 =	vld [tilespmem:$0x1FDC0];
	s24 =	simm.s32 @!p2 $0x7A1400;
	s25 =	simm.s32 @!p2 $0x0;
	s22 =	sadd.s32 @!p2 s22, s5  }
0x346: {  	v44 =	vld [tilespmem:$0x1FDE0];
	[tilespmem:s25], [sflag:$0x1] =	stream.strided.gather @!p2 [hbm4b:s22+s23], $0x4000, s24, s23, $0x38  }
.LBB2_6:
0x347: {  	s22 =	sor.u32 $0x1, s21  }
0x348: {  	p2 =	sge.u32 s22, s4  }
.Ltmp6:
0x349: {  	_ = 	snop;
	(pc) =	sbr.rel @p2 .LBB2_10-.Ltmp6, $1  }
0x34a: {  	_ =	sdelay $0x3  }
0x34b: {  	s23 =	simm.s32 $0x0  }
0x34c: {  	s23 =	sand.u32 $0x4, s23  }
0x34d: {  	s25 =	simm.s32 $0x0;
	s24 =	sshrl.u32 s23, $0x2  }
0x34e: {  	s24 =	sor.u32 s24, s25  }
0x34f: {  	v1 =	vmov s24  }
0x350: {  	v2 =	vor.u32 s24, v51;
	v1 =	vshll.u32 v1, $0x3  }
0x351: {  	v2 =	vand.u32 $0x7F, v2;
	v1 =	vand.u32 $0x7FFFFC00, v1  }
0x352: {  	_ =	swait.ge [sflag:s15], $0x4000;
	v33 =	vor.u32 v2, v1  }
0x353: {  	s28 =	simm.s32 $0x0;
	[sflag:s15] =	ssyncset.done $0x0;
	v1 =	vadd.s32 v37, v33  }
0x354: {  	[sflag:s15] =	ssyncadd.s32 $0xFFFFC000;
	s25 =	simm.s32 @!p1 $0x4;
	v2 =	vmov s28;
	v4 =	vadd.s32 v34, v33  }
0x355: {  	_ =	swait.ge @!p1 [sflag:s25], $0x4000;
	v2 =	vshll.u32 v2, $0x7  }
0x356: {  	v50 =	vmov v6;
	s23 =	sshll.u32 s23, $0x4;
	[sflag:s25] =	ssyncset.done @!p1 $0x0;
	v6 =	vadd.s32 v53, v33;
	v2 =	vor.u32 v14, v2  }
0x357: {  	v63 =	vmov v59;
	v59 =	vmov v35;
	s29 =	sor.u32 $0x20, s23;
	[sflag:s25] =	ssyncadd.s32 @!p1 $0xFFFFC000;
	v35 =	vor.u32 s23, v2  }
0x358: {  	v55 =	vmovc v58;
	v58 =	vmovc v25;
	v25 =	vmov v8;
	v61 =	vor.u32 s29, v2;
	v8 =	vor.u32 v27, v35;
	v1 =	vld.idx.msk [tilespmem:v1+s12+$0x0], $0xffff  }
0x359: {  	v29 =	vmov v10;
	s30 =	sor.u32 $0x10, s23;
	v10 =	vadd.s32 v36, v33;
	v12 =	vor.u32 v27, v61;
	v4 =	vld.idx.msk [tilespmem:v4+s12+$0x0], $0xffff  }
0x35a: {  	v45 =	vmov v14;
	v14 =	vadd.s32 v17, v33;
	v36 =	vor.u32 s30, v2  }
0x35b: {  	v16 =	vmov v51;
	v56 =	vadd.s32 v54, v33;
	v51 =	vor.u32 v27, v36;
	v6 =	vld.idx.msk [tilespmem:v6+s12+$0x0], $0xffff  }
0x35c: {  	v39 =	vadd.s32 v47, v33  }
0x35d: {  	v31 =	vld [tilespmem:$0x1FBA0];
	[tilespmem:v8+s16+$0x0] =	vst.idx.msk $0xffff, v1  }
0x35e: {  	v42 =	vmov v37;
	s23 =	sor.u32 $0x30, s23;
	v8 =	vor.u32 v3, v35;
	[tilespmem:v12+s16+$0x0] =	vst.idx.msk $0xffff, v4;
	v1 =	vld.idx.msk [tilespmem:v10+s12+$0x0], $0xffff  }
0x35f: {  	v23 =	vmovc v34;
	v34 =	vor.u32 s23, v2;
	v4 =	vadd.s32 v59, v33;
	v12 =	vor.u32 v3, v61;
	v10 =	vld.idx.msk [tilespmem:v14+s12+$0x0], $0xffff  }
0x360: {  	v2 =	vadd.s32 v40, v33;
	v37 =	vld.idx.msk [tilespmem:v56+s12+$0x0], $0xffff;
	[tilespmem:v51+s16+$0x0] =	vst.idx.msk $0xffff, v6;
	v14 =	vor.u32 v27, v34  }
0x361: {  	v57 =	vmov v38;
	v56 =	vor.u32 v3, v36;
	v6 =	vadd.s32 v19, v33;
	v38 =	vld.idx.msk [tilespmem:v39+s12+$0x0], $0xffff  }
0x362: {  	v51 =	vadd.s32 v55, v33  }
0x363: {  	[tilespmem:v8+s16+$0x0] =	vst.idx.msk $0xffff, v1  }
0x364: {  	[tilespmem:v12+s16+$0x0] =	vst.idx.msk $0xffff, v10;
	v1 =	vld.idx.msk [tilespmem:v4+s12+$0x0], $0xffff;
	v4 =	vor.u32 v5, v35  }
0x365: {  	v8 =	vadd.s32 v44, v33;
	v10 =	vor.u32 v5, v61;
	[tilespmem:v14+s16+$0x0] =	vst.idx.msk $0xffff, v37;
	v2 =	vld.idx.msk [tilespmem:v2+s12+$0x0], $0xffff  }
0x366: {  	v12 =	vadd.s32 v46, v33;
	v14 =	vor.u32 v3, v34;
	[tilespmem:v56+s16+$0x0] =	vst.idx.msk $0xffff, v38;
	v6 =	vld.idx.msk [tilespmem:v6+s12+$0x0], $0xffff  }
0x367: {  	v19 =	vmov v48;
	v56 =	vadd.s32 v48, v33;
	v48 =	vor.u32 v5, v36;
	v38 =	vld.idx.msk [tilespmem:v51+s12+$0x0], $0xffff;
	_ =	sdelay $0x1  }
0x368: {  	[tilespmem:v4+s16+$0x0] =	vst.idx.msk $0xffff, v1  }
0x369: {  	[tilespmem:v10+s16+$0x0] =	vst.idx.msk $0xffff, v2;
	v1 =	vld.idx.msk [tilespmem:v8+s12+$0x0], $0xffff  }
0x36a: {  	v51 =	vadd.s32 v63, v33;
	[tilespmem:v14+s16+$0x0] =	vst.idx.msk $0xffff, v6;
	v8 =	vld.idx.msk [tilespmem:v12+s12+$0x0], $0xffff  }
0x36b: {  	[tilespmem:v48+s16+$0x0] =	vst.idx.msk $0xffff, v38;
	v12 =	vld.idx.msk [tilespmem:v56+s12+$0x0], $0xffff  }
0x36c: {  	v62 =	vmov v60;
	v4 =	vor.u32 v7, v35;
	v56 =	vadd.s32 v60, v33;
	v60 =	vld [tilespmem:$0x1FB40]  }
0x36d: {  	v10 =	vor.u32 v7, v61  }
0x36e: {  	v14 =	vor.u32 v5, v34  }
0x36f: {  	v48 =	vor.u32 v7, v36;
	v38 =	vld.idx.msk [tilespmem:v51+s12+$0x0], $0xffff;
	_ =	sdelay $0x1  }
0x370: {  	v51 =	vadd.s32 v60, v33;
	[tilespmem:v4+s16+$0x0] =	vst.idx.msk $0xffff, v1  }
0x371: {  	[tilespmem:v10+s16+$0x0] =	vst.idx.msk $0xffff, v8  }
0x372: {  	v2 =	vadd.s32 v29, v33;
	[tilespmem:v14+s16+$0x0] =	vst.idx.msk $0xffff, v12  }
0x373: {  	v6 =	vadd.s32 v32, v33;
	[tilespmem:v48+s16+$0x0] =	vst.idx.msk $0xffff, v38  }
0x374: {  	v29 =	vld [tilespmem:$0x1FD40]  }
0x375: {  	v38 =	vld.idx.msk [tilespmem:v51+s12+$0x0], $0xffff  }
0x376: {  	v51 =	vld [tilespmem:$0x1FB60]  }
0x377: {  	v1 =	vld.idx.msk [tilespmem:v2+s12+$0x0], $0xffff;
	v2 =	vor.u32 v9, v35  }
0x378: {  	v4 =	vadd.s32 v41, v33;
	v8 =	vor.u32 v9, v61;
	v6 =	vld.idx.msk [tilespmem:v6+s12+$0x0], $0xffff  }
0x379: {  	v10 =	vadd.s32 v57, v33;
	v14 =	vor.u32 v7, v34;
	v12 =	vld.idx.msk [tilespmem:v56+s12+$0x0], $0xffff  }
0x37a: {  	v39 =	vor.u32 v9, v36;
	v37 =	vadd.s32 v29, v33  }
0x37b: {  	v56 =	vadd.s32 v51, v33  }
0x37c: {  	[tilespmem:v2+s16+$0x0] =	vst.idx.msk $0xffff, v1  }
0x37d: {  	[tilespmem:v8+s16+$0x0] =	vst.idx.msk $0xffff, v6;
	v1 =	vld.idx.msk [tilespmem:v4+s12+$0x0], $0xffff  }
0x37e: {  	v2 =	vor.u32 v11, v35;
	[tilespmem:v14+s16+$0x0] =	vst.idx.msk $0xffff, v12;
	v6 =	vld.idx.msk [tilespmem:v10+s12+$0x0], $0xffff  }
0x37f: {  	v8 =	vor.u32 v11, v61;
	v4 =	vadd.s32 v43, v33;
	[tilespmem:v39+s16+$0x0] =	vst.idx.msk $0xffff, v38;
	v12 =	vld.idx.msk [tilespmem:v37+s12+$0x0], $0xffff  }
0x380: {  	v14 =	vor.u32 v9, v34;
	v38 =	vld.idx.msk [tilespmem:v56+s12+$0x0], $0xffff  }
0x381: {  	v10 =	vadd.s32 v21, v33;
	v39 =	vor.u32 v11, v36;
	v56 =	vld [tilespmem:$0x1FB70];
	_ =	sdelay $0x1  }
0x382: {  	v37 =	vadd.s32 v25, v33;
	[tilespmem:v2+s16+$0x0] =	vst.idx.msk $0xffff, v1  }
0x383: {  	v2 =	vor.u32 v13, v35;
	[tilespmem:v8+s16+$0x0] =	vst.idx.msk $0xffff, v6;
	v1 =	vld.idx.msk [tilespmem:v4+s12+$0x0], $0xffff  }
0x384: {  	v4 =	vadd.s32 v49, v33;
	[tilespmem:v14+s16+$0x0] =	vst.idx.msk $0xffff, v12  }
0x385: {  	v8 =	vor.u32 v13, v61;
	v6 =	vld.idx.msk [tilespmem:v10+s12+$0x0], $0xffff;
	v48 =	vadd.s32 v56, v33;
	[tilespmem:v39+s16+$0x0] =	vst.idx.msk $0xffff, v38  }
0x386: {  	v10 =	vadd.s32 v50, v33;
	v41 =	vld [tilespmem:$0x1FB90]  }
0x387: {  	v14 =	vor.u32 v11, v34;
	v12 =	vld.idx.msk [tilespmem:v37+s12+$0x0], $0xffff  }
0x388: {  	v37 =	vadd.s32 v52, v33;
	[tilespmem:v2+s16+$0x0] =	vst.idx.msk $0xffff, v1  }
0x389: {  	v1 =	vld.idx.msk [tilespmem:v4+s12+$0x0], $0xffff  }
0x38a: {  	v39 =	vor.u32 v13, v36;
	[tilespmem:v8+s16+$0x0] =	vst.idx.msk $0xffff, v6;
	v38 =	vld.idx.msk [tilespmem:v48+s12+$0x0], $0xffff  }
0x38b: {  	v2 =	vor.u32 v15, v35;
	v6 =	vld.idx.msk [tilespmem:v10+s12+$0x0], $0xffff;
	v50 =	vadd.s32 v41, v33  }
0x38c: {  	v8 =	vor.u32 v15, v61;
	v52 =	vld [tilespmem:$0x1FC80];
	[tilespmem:v14+s16+$0x0] =	vst.idx.msk $0xffff, v12  }
0x38d: {  	v14 =	vor.u32 v13, v34;
	v12 =	vld.idx.msk [tilespmem:v37+s12+$0x0], $0xffff  }
0x38e: {  	s23 =	simm.s32 $0x4  }
0x38f: {  	s31 =	sand.u32 $0x4, s23;
	[tilespmem:v39+s16+$0x0] =	vst.idx.msk $0xffff, v38  }
0x390: {  	s26 =	simm.s32 $0x0;
	s28 =	sshrl.u32 s31, $0x2;
	[tilespmem:v2+s16+$0x0] =	vst.idx.msk $0xffff, v1;
	v37 =	vld.idx.msk [tilespmem:v50+s12+$0x0], $0xffff  }
0x391: {  	s25 =	sor.u32 s28, s26;
	v4 =	vadd.s32 v58, v33;
	v50 =	vmov v17;
	v17 =	vld [tilespmem:$0x1FA00];
	[tilespmem:v8+s16+$0x0] =	vst.idx.msk $0xffff, v6  }
0x392: {  	v10 =	vadd.s32 v52, v33;
	v2 =	vmov s25;
	v38 =	vor.u32 v15, v36;
	[tilespmem:v14+s16+$0x0] =	vst.idx.msk $0xffff, v12  }
0x393: {  	v40 =	vadd.s32 v31, v33;
	v58 =	vor.u32 s25, v16;
	v2 =	vshll.u32 v2, $0x3;
	v12 =	vld [tilespmem:$0x1FCA0]  }
0x394: {  	v2 =	vand.u32 $0x7FFFFC00, v2;
	v6 =	vand.u32 $0x7F, v58  }
0x395: {  	v39 =	vor.u32 v6, v2  }
0x396: {  	v1 =	vor.u32 v0, v35;
	v4 =	vld.idx.msk [tilespmem:v4+s12+$0x0], $0xffff;
	v6 =	vadd.s32 v42, v39  }
0x397: {  	v8 =	vld.idx.msk [tilespmem:v10+s12+$0x0], $0xffff;
	v10 =	vor.u32 v0, v61;
	v41 =	vadd.s32 v17, v33;
	[tilespmem:v38+s16+$0x0] =	vst.idx.msk $0xffff, v37  }
0x398: {  	v12 =	vadd.s32 v12, v33;
	v37 =	vld.idx.msk [tilespmem:v40+s12+$0x0], $0xffff  }
0x399: {  	s29 =	simm.s32 $0x0;
	v16 =	vld [tilespmem:$0x1FBC0]  }
0x39a: {  	v14 =	vor.u32 v0, v36;
	v2 =	vmov s29;
	v48 =	vadd.s32 v53, v39;
	v31 =	vld [tilespmem:$0x1FDB0]  }
0x39b: {  	v2 =	vshll.u32 v2, $0x7;
	v53 =	vmov v59;
	v59 =	vmov v44;
	[tilespmem:v1+s16+$0x0] =	vst.idx.msk $0xffff, v4;
	v6 =	vld.idx.msk [tilespmem:v6+s12+$0x0], $0xffff  }
0x39c: {  	s24 =	sshll.u32 s31, $0x4;
	v44 =	vor.u32 v18, v35;
	v2 =	vor.u32 v45, v2;
	[tilespmem:v10+s16+$0x0] =	vst.idx.msk $0xffff, v8;
	v1 =	vld.idx.msk [tilespmem:v41+s12+$0x0], $0xffff  }
0x39d: {  	s30 =	sor.u32 $0x10, s24;
	v38 =	vor.u32 s24, v2;
	v4 =	vadd.s32 v23, v39;
	v10 =	vld.idx.msk [tilespmem:v12+s12+$0x0], $0xffff;
	v12 =	vor.u32 v18, v61  }
0x39e: {  	v40 =	vor.u32 s30, v2;
	v45 =	vor.u32 v27, v38;
	v49 =	vadd.s32 v16, v33;
	v16 =	vld [tilespmem:$0x1FCB0]  }
0x39f: {  	v25 =	vmov v47;
	v47 =	vor.u32 v27, v40;
	[tilespmem:v14+s16+$0x0] =	vst.idx.msk $0xffff, v37;
	v14 =	vld.idx.msk [tilespmem:v48+s12+$0x0], $0xffff;
	_ =	sdelay $0x1  }
0x3a0: {  	s31 =	sor.u32 $0x20, s24;
	v21 =	vmov v46;
	v42 =	vadd.s32 v31, v39;
	v23 =	vld [tilespmem:$0x1FCF0];
	[tilespmem:v44+s16+$0x0] =	vst.idx.msk $0xffff, v1  }
0x3a1: {  	v58 =	vmov v43;
	s24 =	sor.u32 $0x30, s24;
	v8 =	vadd.s32 v54, v39;
	v41 =	vor.u32 s31, v2;
	v1 =	vld.idx.msk [tilespmem:v4+s12+$0x0], $0xffff;
	[tilespmem:v12+s16+$0x0] =	vst.idx.msk $0xffff, v10  }
0x3a2: {  	v37 =	vor.u32 s24, v2;
	v2 =	vor.u32 v27, v41;
	v46 =	vadd.s32 v16, v33;
	v10 =	vld [tilespmem:$0x1FEF0];
	[tilespmem:v45+s16+$0x0] =	vst.idx.msk $0xffff, v6  }
0x3a3: {  	v54 =	vadd.s32 v25, v39;
	v48 =	vor.u32 v18, v36;
	v43 =	vld.idx.msk [tilespmem:v49+s12+$0x0], $0xffff;
	[tilespmem:v47+s16+$0x0] =	vst.idx.msk $0xffff, v14  }
0x3a4: {  	v16 =	vld [tilespmem:$0x1FE10]  }
0x3a5: {  	v4 =	vadd.s32 v50, v39;
	v14 =	vor.u32 v3, v38;
	v45 =	vld.idx.msk [tilespmem:v42+s12+$0x0], $0xffff  }
0x3a6: {  	v53 =	vadd.s32 v53, v39;
	v8 =	vld.idx.msk [tilespmem:v8+s12+$0x0], $0xffff;
	v44 =	vor.u32 v27, v37  }
0x3a7: {  	v12 =	vor.u32 v20, v61;
	[tilespmem:v2+s16+$0x0] =	vst.idx.msk $0xffff, v1;
	v6 =	vld.idx.msk [tilespmem:v46+s12+$0x0], $0xffff;
	v10 =	vadd.s32 v10, v39  }
0x3a8: {  	[tilespmem:v48+s16+$0x0] =	vst.idx.msk $0xffff, v43;
	v43 =	vld.idx.msk [tilespmem:v54+s12+$0x0], $0xffff  }
0x3a9: {  	v54 =	vor.u32 v3, v40;
	v46 =	vadd.s32 v16, v33;
	v16 =	vld [tilespmem:$0x1FF50]  }
0x3aa: {  	v2 =	vld.idx.msk [tilespmem:v4+s12+$0x0], $0xffff;
	[tilespmem:v14+s16+$0x0] =	vst.idx.msk $0xffff, v45  }
0x3ab: {  	[tilespmem:v44+s16+$0x0] =	vst.idx.msk $0xffff, v8;
	v45 =	vld.idx.msk [tilespmem:v53+s12+$0x0], $0xffff  }
0x3ac: {  	[tilespmem:v12+s16+$0x0] =	vst.idx.msk $0xffff, v6;
	v10 =	vld.idx.msk [tilespmem:v10+s12+$0x0], $0xffff  }
0x3ad: {  	v1 =	vadd.s32 v55, v39;
	v31 =	vld [tilespmem:$0x1FCD0]  }
0x3ae: {  	[tilespmem:v54+s16+$0x0] =	vst.idx.msk $0xffff, v43;
	v55 =	vadd.s32 v16, v39;
	v6 =	vld.idx.msk [tilespmem:v46+s12+$0x0], $0xffff;
	v16 =	vor.u32 v20, v35  }
0x3af: {  	[tilespmem:$0x1F800] =	vst v16;
	v16 =	vld [tilespmem:$0x1FA60];
	_ =	sdelay $0x1  }
0x3b0: {  	v4 =	vor.u32 v3, v41  }
0x3b1: {  	v8 =	vor.u32 v3, v37;
	_ =	sdelay $0x1  }
0x3b2: {  	v14 =	vor.u32 v22, v61;
	v16 =	vadd.s32 v16, v33  }
0x3b3: {  	v1 =	vld.idx.msk [tilespmem:v1+s12+$0x0], $0xffff;
	[tilespmem:$0x1F810] =	vst v16  }
0x3b4: {  	v43 =	vor.u32 v5, v38;
	[tilespmem:v4+s16+$0x0] =	vst.idx.msk $0xffff, v2  }
0x3b5: {  	v47 =	vor.u32 v5, v40;
	[tilespmem:v8+s16+$0x0] =	vst.idx.msk $0xffff, v10  }
0x3b6: {  	v25 =	vld [tilespmem:$0x1FC20]  }
0x3b7: {  	v8 =	vld [tilespmem:$0x1FBD0];
	[tilespmem:v14+s16+$0x0] =	vst.idx.msk $0xffff, v6  }
0x3b8: {  	v42 =	vadd.s32 v52, v39;
	v52 =	vld [tilespmem:$0x1FDD0]  }
0x3b9: {  	v44 =	vadd.s32 v19, v39;
	v6 =	vld [tilespmem:$0x1FD60];
	[tilespmem:v43+s16+$0x0] =	vst.idx.msk $0xffff, v45  }
0x3ba: {  	v12 =	vadd.s32 v31, v33;
	v19 =	vld [tilespmem:$0x1FCE0];
	[tilespmem:v47+s16+$0x0] =	vst.idx.msk $0xffff, v1  }
0x3bb: {  	v16 =	vld [tilespmem:$0x1FA80]  }
0x3bc: {  	v46 =	vadd.s32 v59, v39  }
0x3bd: {  	v48 =	vld.idx.msk [tilespmem:v55+s12+$0x0], $0xffff  }
0x3be: {  	v2 =	vadd.s32 v63, v39;
	v4 =	vor.u32 v5, v41;
	v59 =	vld.idx.msk [tilespmem:v44+s12+$0x0], $0xffff  }
0x3bf: {  	v14 =	vor.u32 v5, v37;
	v12 =	vld.idx.msk [tilespmem:v12+s12+$0x0], $0xffff;
	v8 =	vadd.s32 v8, v33  }
0x3c0: {  	v50 =	vor.u32 v24, v61;
	v43 =	vadd.s32 v16, v33;
	v16 =	vld [tilespmem:$0x1FEB0]  }
0x3c1: {  	v10 =	vadd.s32 v21, v39;
	v46 =	vld.idx.msk [tilespmem:v46+s12+$0x0], $0xffff;
	v1 =	vor.u32 v7, v38  }
0x3c2: {  	v63 =	vld [tilespmem:$0x1FD00]  }
0x3c3: {  	v45 =	vadd.s32 v62, v39;
	v2 =	vld.idx.msk [tilespmem:v2+s12+$0x0], $0xffff;
	[tilespmem:v4+s16+$0x0] =	vst.idx.msk $0xffff, v48  }
0x3c4: {  	v62 =	vor.u32 v20, v36;
	v6 =	vadd.s32 v6, v33;
	[tilespmem:v14+s16+$0x0] =	vst.idx.msk $0xffff, v59;
	v4 =	vld.idx.msk [tilespmem:v8+s12+$0x0], $0xffff  }
0x3c5: {  	[tilespmem:v50+s16+$0x0] =	vst.idx.msk $0xffff, v12;
	v47 =	vadd.s32 v16, v39;
	v16 =	vmov v51;
	v51 =	vor.u32 v7, v40  }
0x3c6: {  	[tilespmem:v1+s16+$0x0] =	vst.idx.msk $0xffff, v46;
	v10 =	vld.idx.msk [tilespmem:v10+s12+$0x0], $0xffff  }
0x3c7: {  	v1 =	vld [tilespmem:$0x1FBF0]  }
0x3c8: {  	v45 =	vld.idx.msk [tilespmem:v45+s12+$0x0], $0xffff  }
0x3c9: {  	v54 =	vor.u32 v7, v41;
	v6 =	vld.idx.msk [tilespmem:v6+s12+$0x0], $0xffff;
	[tilespmem:v62+s16+$0x0] =	vst.idx.msk $0xffff, v4  }
0x3ca: {  	v12 =	vor.u32 v7, v37;
	v8 =	vadd.s32 v60, v39;
	v47 =	vld.idx.msk [tilespmem:v47+s12+$0x0], $0xffff;
	[tilespmem:v51+s16+$0x0] =	vst.idx.msk $0xffff, v2  }
0x3cb: {  	v14 =	vadd.s32 v19, v33;
	v46 =	vor.u32 v15, v34;
	v4 =	vld [tilespmem:$0x1FD70]  }
0x3cc: {  	v53 =	vmov v17;
	v60 =	vor.u32 v9, v38;
	v1 =	vadd.s32 v1, v33;
	v17 =	vld [tilespmem:$0x1FE90];
	_ =	sdelay $0x1  }
0x3cd: {  	v59 =	vadd.s32 v32, v39;
	[tilespmem:v54+s16+$0x0] =	vst.idx.msk $0xffff, v10  }
0x3ce: {  	v2 =	vadd.s32 v29, v39;
	v8 =	vld.idx.msk [tilespmem:v8+s12+$0x0], $0xffff;
	[tilespmem:v12+s16+$0x0] =	vst.idx.msk $0xffff, v45  }
0x3cf: {  	v10 =	vld.idx.msk [tilespmem:v14+s12+$0x0], $0xffff;
	[tilespmem:v46+s16+$0x0] =	vst.idx.msk $0xffff, v6;
	v31 =	vmov v4;
	v4 =	vadd.s32 v4, v33  }
0x3d0: {  	v48 =	vor.u32 v9, v40;
	v1 =	vld.idx.msk [tilespmem:v1+s12+$0x0], $0xffff;
	[tilespmem:v60+s16+$0x0] =	vst.idx.msk $0xffff, v47;
	v62 =	vadd.s32 v17, v39  }
0x3d1: {  	v54 =	vadd.s32 v16, v39;
	v16 =	vld [tilespmem:$0x1FC00]  }
0x3d2: {  	v14 =	vor.u32 v26, v61;
	v49 =	vld.idx.msk [tilespmem:v59+s12+$0x0], $0xffff  }
0x3d3: {  	v32 =	vor.u32 v9, v41;
	v2 =	vld.idx.msk [tilespmem:v2+s12+$0x0], $0xffff  }
0x3d4: {  	v12 =	vadd.s32 v23, v33;
	v59 =	vor.u32 v22, v36;
	v4 =	vld.idx.msk [tilespmem:v4+s12+$0x0], $0xffff  }
0x3d5: {  	v6 =	vadd.s32 v57, v39;
	v46 =	vor.u32 v9, v37;
	[tilespmem:v48+s16+$0x0] =	vst.idx.msk $0xffff, v8;
	v48 =	vld.idx.msk [tilespmem:v62+s12+$0x0], $0xffff  }
0x3d6: {  	v8 =	vor.u32 v0, v34;
	v60 =	vadd.s32 v16, v33;
	v16 =	vld [tilespmem:$0x1FF90]  }
0x3d7: {  	v62 =	vor.u32 v11, v38;
	[tilespmem:v14+s16+$0x0] =	vst.idx.msk $0xffff, v10;
	v10 =	vld.idx.msk [tilespmem:v54+s12+$0x0], $0xffff  }
0x3d8: {  	v54 =	vor.u32 v11, v40;
	v17 =	vld [tilespmem:$0x1FFF0];
	[tilespmem:v32+s16+$0x0] =	vst.idx.msk $0xffff, v49  }
0x3d9: {  	v12 =	vld.idx.msk [tilespmem:v12+s12+$0x0], $0xffff;
	[tilespmem:v59+s16+$0x0] =	vst.idx.msk $0xffff, v1  }
0x3da: {  	v1 =	vor.u32 v28, v61;
	v32 =	vadd.s32 v56, v39;
	[tilespmem:v46+s16+$0x0] =	vst.idx.msk $0xffff, v2;
	v6 =	vld.idx.msk [tilespmem:v6+s12+$0x0], $0xffff  }
0x3db: {  	v56 =	vor.u32 v11, v41;
	v46 =	vld.idx.msk [tilespmem:v60+s12+$0x0], $0xffff;
	[tilespmem:v8+s16+$0x0] =	vst.idx.msk $0xffff, v4  }
0x3dc: {  	v2 =	vor.u32 v24, v36;
	v4 =	vld [tilespmem:$0x1FFE0];
	[tilespmem:v62+s16+$0x0] =	vst.idx.msk $0xffff, v48  }
0x3dd: {  	v21 =	vld [tilespmem:$0x1FA30];
	[tilespmem:v54+s16+$0x0] =	vst.idx.msk $0xffff, v10  }
0x3de: {  	v10 =	vld [tilespmem:$0x1FE70]  }
0x3df: {  	v50 =	vadd.s32 v16, v39;
	[tilespmem:v1+s16+$0x0] =	vst.idx.msk $0xffff, v12;
	v16 =	vld.idx.msk [tilespmem:v32+s12+$0x0], $0xffff  }
0x3e0: {  	v32 =	vld [tilespmem:$0x1FDA0];
	[tilespmem:v56+s16+$0x0] =	vst.idx.msk $0xffff, v6  }
0x3e1: {  	v14 =	vadd.s32 v17, v33;
	v6 =	vld [tilespmem:$0x1FF70];
	[tilespmem:v2+s16+$0x0] =	vst.idx.msk $0xffff, v46  }
0x3e2: {  	v2 =	vld [tilespmem:$0x1FAB0];
	_ =	sdelay $0x1  }
0x3e3: {  	v49 =	vadd.s32 v58, v39  }
0x3e4: {  	v8 =	vld.idx.msk [tilespmem:v50+s12+$0x0], $0xffff  }
0x3e5: {  	v60 =	vadd.s32 v63, v33;
	v63 =	vor.u32 v11, v37;
	v14 =	vld.idx.msk [tilespmem:v14+s12+$0x0], $0xffff  }
0x3e6: {  	v51 =	vor.u32 v18, v34;
	v4 =	vadd.s32 v4, v39;
	v46 =	vadd.s32 v2, v33;
	v2 =	vld [tilespmem:$0x1FB90];
	_ =	sdelay $0x1  }
0x3e7: {  	v58 =	vld.idx.msk [tilespmem:v49+s12+$0x0], $0xffff;
	v1 =	vor.u32 v13, v38  }
0x3e8: {  	v55 =	vor.u32 v13, v40  }
0x3e9: {  	v57 =	vor.u32 v30, v61;
	v56 =	vld.idx.msk [tilespmem:v60+s12+$0x0], $0xffff;
	[tilespmem:v63+s16+$0x0] =	vst.idx.msk $0xffff, v8;
	v8 =	vor.u32 v13, v41  }
0x3ea: {  	v4 =	vld.idx.msk [tilespmem:v4+s12+$0x0], $0xffff;
	[tilespmem:v51+s16+$0x0] =	vst.idx.msk $0xffff, v14;
	v59 =	vadd.s32 v2, v39;
	v2 =	vadd.s32 v25, v33  }
0x3eb: {  	v49 =	vadd.s32 v10, v39;
	v10 =	vld [tilespmem:$0x1FFC0]  }
0x3ec: {  	v12 =	vld [tilespmem:$0x1FFD0];
	[tilespmem:v1+s16+$0x0] =	vst.idx.msk $0xffff, v58  }
0x3ed: {  	[tilespmem:v55+s16+$0x0] =	vst.idx.msk $0xffff, v16  }
0x3ee: {  	v62 =	vadd.s32 v21, v33;
	v1 =	vld [tilespmem:$0x1FE00];
	[tilespmem:v57+s16+$0x0] =	vst.idx.msk $0xffff, v56  }
0x3ef: {  	[tilespmem:v8+s16+$0x0] =	vst.idx.msk $0xffff, v4;
	v55 =	vld.idx.msk [tilespmem:v2+s12+$0x0], $0xffff  }
0x3f0: {  	v2 =	vld [tilespmem:$0x1F800];
	_ =	sdelay $0x2  }
0x3f1: {  	v62 =	vld.idx.msk [tilespmem:v62+s12+$0x0], $0xffff  }
0x3f2: {  	v14 =	vadd.s32 v10, v39;
	v10 =	vld.idx.msk [tilespmem:v49+s12+$0x0], $0xffff;
	v48 =	vadd.s32 v12, v33;
	v12 =	vor.u32 v13, v37;
	_ =	sdelay $0x3  }
0x3f3: {  	v51 =	vadd.s32 v1, v33;
	v1 =	vld [tilespmem:$0x1FF80];
	[tilespmem:v2+s16+$0x0] =	vst.idx.msk $0xffff, v62  }
0x3f4: {  	v54 =	vadd.s32 v32, v33;
	v2 =	vld [tilespmem:$0x1FBA0];
	[tilespmem:v12+s16+$0x0] =	vst.idx.msk $0xffff, v10  }
0x3f5: {  	v6 =	vadd.s32 v6, v39;
	v4 =	vld [tilespmem:$0x1F810];
	_ =	sdelay $0x2  }
0x3f6: {  	v19 =	vmov v25;
	v25 =	vld [tilespmem:$0x1FC30]  }
0x3f7: {  	v44 =	vor.u32 v22, v35;
	v47 =	vld.idx.msk [tilespmem:v54+s12+$0x0], $0xffff  }
0x3f8: {  	v29 =	vmovc v53;
	v45 =	vor.u32 v24, v35;
	v23 =	vmov v52;
	v50 =	vor.u32 v20, v34;
	v58 =	vld.idx.msk [tilespmem:v6+s12+$0x0], $0xffff  }
0x3f9: {  	v60 =	vor.u32 v15, v38;
	v56 =	vadd.s32 v52, v33;
	v57 =	vor.u32 v26, v36;
	v61 =	vld.idx.msk [tilespmem:v59+s12+$0x0], $0xffff  }
0x3fa: {  	v49 =	vor.u32 v24, v34;
	v63 =	vld.idx.msk [tilespmem:v14+s12+$0x0], $0xffff;
	v59 =	vadd.s32 v1, v39;
	v1 =	vor.u32 v15, v40  }
0x3fb: {  	v62 =	vadd.s32 v2, v39;
	v2 =	vor.u32 v15, v41;
	v54 =	vadd.s32 v25, v33;
	v53 =	vld.idx.msk [tilespmem:v4+s12+$0x0], $0xffff  }
.LBB2_8:
0x3fc: {  	v6 =	vld [tilespmem:$0x1FE40]  }
0x3fd: {  	v16 =	vld [tilespmem:$0x1FBC0];
	_ =	sdelay $0x3  }
0x3fe: {  	v52 =	vmov v33;
	v6 =	vadd.s32 v6, v33;
	v33 =	vmov v39  }
0x3ff: {  	[tilespmem:v60+s16+$0x0] =	vst.idx.msk $0xffff, v58;
	v58 =	vadd.s32 v16, v33;
	v16 =	vld [tilespmem:$0x1FE60]  }
0x400: {  	s23 =	sadd.s32 $0x4, s23  }
0x401: {  	s24 =	sshrl.u32 s23, $0x3;
	s25 =	sand.u32 $0x4, s23  }
0x402: {  	s26 =	sshrl.u32 s25, $0x2;
	s28 =	sshll.u32 s24, $0x5;
	[tilespmem:v1+s16+$0x0] =	vst.idx.msk $0xffff, v61  }
0x403: {  	s26 =	sor.u32 s26, s28;
	v61 =	vld.idx.msk [tilespmem:v62+s12+$0x0], $0xffff  }
0x404: {  	[tilespmem:v57+s16+$0x0] =	vst.idx.msk $0xffff, v55;
	v57 =	vor.u32 s26, v16;
	v16 =	vld [tilespmem:$0x1FE80];
	_ =	sdelay $0x1  }
0x405: {  	s24 =	sshll.u32 s24, $0x4  }
0x406: {  	[tilespmem:v50+s16+$0x0] =	vst.idx.msk $0xffff, v47;
	v50 =	vmov v38;
	v38 =	vmov s24  }
0x407: {  	v38 =	vshll.u32 v38, $0x7  }
0x408: {  	v55 =	vor.u32 v16, v38;
	v16 =	vld [tilespmem:$0x1FC80]  }
0x409: {  	v62 =	vmov s26  }
0x40a: {  	v14 =	vor.u32 v22, v34;
	v39 =	vshll.u32 v62, $0x3  }
0x40b: {  	[tilespmem:v2+s16+$0x0] =	vst.idx.msk $0xffff, v63;
	v2 =	vld.idx.msk [tilespmem:v54+s12+$0x0], $0xffff;
	v54 =	vmovc v34;
	v34 =	vmov v37;
	v39 =	vand.u32 $0x7FFFFC00, v39;
	v37 =	vand.u32 $0x7F, v57  }
0x40c: {  	v62 =	vld.idx.msk [tilespmem:v42+s12+$0x0], $0xffff;
	v39 =	vor.u32 v37, v39  }
0x40d: {  	v42 =	vadd.s32 v16, v39;
	v16 =	vld [tilespmem:$0x1FE50];
	_ =	sdelay $0x2  }
0x40e: {  	v4 =	vor.u32 v28, v36;
	v8 =	vmov v36;
	v36 =	vmov v40  }
0x40f: {  	v47 =	vmov v41;
	v10 =	vld [tilespmem:$0x1FCA0];
	v1 =	vor.u32 v0, v36  }
0x410: {  	v63 =	vor.u32 v0, v47;
	v57 =	vadd.s32 v16, v52;
	v16 =	vld [tilespmem:$0x1FCB0]  }
0x411: {  	v12 =	vld.idx.msk [tilespmem:v56+s12+$0x0], $0xffff  }
0x412: {  	v56 =	vld.idx.msk [tilespmem:v59+s12+$0x0], $0xffff;
	v59 =	vor.u32 v0, v50;
	[tilespmem:v44+s16+$0x0] =	vst.idx.msk $0xffff, v53  }
0x413: {  	v43 =	vld.idx.msk [tilespmem:v43+s12+$0x0], $0xffff;
	v60 =	vadd.s32 v29, v33  }
0x414: {  	v10 =	vadd.s32 v10, v33;
	[tilespmem:v1+s16+$0x0] =	vst.idx.msk $0xffff, v61;
	v1 =	vld [tilespmem:$0x1FF60]  }
0x415: {  	[tilespmem:v63+s16+$0x0] =	vst.idx.msk $0xffff, v62;
	v62 =	vadd.s32 v16, v33;
	v16 =	vld [tilespmem:$0x1FF30]  }
0x416: {  	[tilespmem:v14+s16+$0x0] =	vst.idx.msk $0xffff, v12  }
0x417: {  	v14 =	vld [tilespmem:$0x1FEC0];
	[tilespmem:v59+s16+$0x0] =	vst.idx.msk $0xffff, v56  }
0x418: {  	v53 =	vld.idx.msk [tilespmem:v60+s12+$0x0], $0xffff  }
0x419: {  	v10 =	vld.idx.msk [tilespmem:v10+s12+$0x0], $0xffff;
	v1 =	vadd.s32 v1, v39  }
0x41a: {  	[tilespmem:v45+s16+$0x0] =	vst.idx.msk $0xffff, v43;
	v45 =	vor.u32 v18, v47;
	v60 =	vadd.s32 v16, v39;
	v16 =	vld [tilespmem:$0x1FE20]  }
0x41b: {  	v6 =	vld.idx.msk [tilespmem:v6+s12+$0x0], $0xffff  }
0x41c: {  	v56 =	vld.idx.msk [tilespmem:v58+s12+$0x0], $0xffff  }
0x41d: {  	[tilespmem:v4+s16+$0x0] =	vst.idx.msk $0xffff, v2;
	v2 =	vld [tilespmem:$0x1FED0]  }
0x41e: {  	v1 =	vld.idx.msk [tilespmem:v1+s12+$0x0], $0xffff  }
0x41f: {  	[tilespmem:v45+s16+$0x0] =	vst.idx.msk $0xffff, v10;
	v45 =	vadd.s32 v16, v52;
	v16 =	vld [tilespmem:$0x1FE10];
	_ =	sdelay $0x1  }
0x420: {  	v12 =	vld [tilespmem:$0x1FD80]  }
0x421: {  	v44 =	vld.idx.msk [tilespmem:v51+s12+$0x0], $0xffff;
	v14 =	vadd.s32 v14, v39;
	[tilespmem:v49+s16+$0x0] =	vst.idx.msk $0xffff, v6  }
0x422: {  	v2 =	vadd.s32 v2, v39;
	v48 =	vld.idx.msk [tilespmem:v48+s12+$0x0], $0xffff  }
0x423: {  	v51 =	vor.u32 v26, v54;
	v59 =	vadd.s32 v16, v33;
	v16 =	vld [tilespmem:$0x1FDC0];
	_ =	sdelay $0x1  }
0x424: {  	s30 =	sshll.u32 s25, $0x4;
	v61 =	vor.u32 v18, v50;
	v12 =	vadd.s32 v12, v39  }
0x425: {  	s25 =	sor.u32 $0x10, s30;
	v4 =	vor.u32 v18, v36;
	v14 =	vld.idx.msk [tilespmem:v14+s12+$0x0], $0xffff  }
0x426: {  	v8 =	vor.u32 v30, v8;
	v40 =	vor.u32 s25, v55;
	v2 =	vld.idx.msk [tilespmem:v2+s12+$0x0], $0xffff  }
0x427: {  	v63 =	vor.u32 v27, v40;
	[tilespmem:v51+s16+$0x0] =	vst.idx.msk $0xffff, v48;
	v48 =	vadd.s32 v16, v39;
	v16 =	vld [tilespmem:$0x1FF20];
	_ =	sdelay $0x1  }
0x428: {  	v12 =	vld.idx.msk [tilespmem:v12+s12+$0x0], $0xffff;
	[tilespmem:v61+s16+$0x0] =	vst.idx.msk $0xffff, v53  }
0x429: {  	s31 =	sor.u32 $0x20, s30;
	v6 =	vld [tilespmem:$0x1FDB0];
	v38 =	vor.u32 s30, v55;
	[tilespmem:v4+s16+$0x0] =	vst.idx.msk $0xffff, v56  }
0x42a: {  	v41 =	vor.u32 s31, v55;
	v58 =	vor.u32 v27, v38;
	[tilespmem:v8+s16+$0x0] =	vst.idx.msk $0xffff, v44  }
0x42b: {  	v61 =	vor.u32 v27, v41;
	[tilespmem:v63+s16+$0x0] =	vst.idx.msk $0xffff, v14;
	v63 =	vadd.s32 v16, v39;
	v16 =	vld [tilespmem:$0x1FF50]  }
0x42c: {  	v10 =	vld [tilespmem:$0x1FAD0]  }
0x42d: {  	v4 =	vld [tilespmem:$0x1FF00]  }
0x42e: {  	v6 =	vadd.s32 v6, v39;
	v46 =	vld.idx.msk [tilespmem:v46+s12+$0x0], $0xffff  }
0x42f: {  	[tilespmem:v58+s16+$0x0] =	vst.idx.msk $0xffff, v12;
	v12 =	vld.idx.msk [tilespmem:v62+s12+$0x0], $0xffff  }
0x430: {  	v43 =	vor.u32 v26, v35;
	[tilespmem:v61+s16+$0x0] =	vst.idx.msk $0xffff, v1;
	v61 =	vadd.s32 v16, v39;
	v16 =	vld [tilespmem:$0x1FFB0]  }
0x431: {  	s24 =	sor.u32 $0x30, s30;
	v8 =	vld [tilespmem:$0x1FEF0];
	v10 =	vadd.s32 v10, v52  }
0x432: {  	v37 =	vor.u32 s24, v55  }
0x433: {  	v56 =	vor.u32 v27, v37;
	v4 =	vadd.s32 v4, v39;
	v6 =	vld.idx.msk [tilespmem:v6+s12+$0x0], $0xffff  }
0x434: {  	v14 =	vor.u32 v20, v47;
	v53 =	vld.idx.msk [tilespmem:v60+s12+$0x0], $0xffff  }
0x435: {  	[tilespmem:v43+s16+$0x0] =	vst.idx.msk $0xffff, v46;
	v62 =	vor.u32 v3, v40;
	v46 =	vadd.s32 v16, v39;
	v16 =	vld [tilespmem:$0x1FA60]  }
0x436: {  	v8 =	vadd.s32 v8, v39;
	v10 =	vld.idx.msk [tilespmem:v10+s12+$0x0], $0xffff  }
0x437: {  	v1 =	vld.idx.msk [tilespmem:v57+s12+$0x0], $0xffff  }
0x438: {  	v49 =	vor.u32 v28, v54;
	[tilespmem:v56+s16+$0x0] =	vst.idx.msk $0xffff, v2;
	v4 =	vld.idx.msk [tilespmem:v4+s12+$0x0], $0xffff  }
0x439: {  	v58 =	vor.u32 v3, v38;
	[tilespmem:v14+s16+$0x0] =	vst.idx.msk $0xffff, v12;
	v12 =	vld [tilespmem:$0x1FAF0]  }
0x43a: {  	v60 =	vor.u32 v3, v41;
	[tilespmem:v62+s16+$0x0] =	vst.idx.msk $0xffff, v53;
	v53 =	vadd.s32 v16, v33;
	v16 =	vld [tilespmem:$0x1FF10]  }
0x43b: {  	v8 =	vld.idx.msk [tilespmem:v8+s12+$0x0], $0xffff  }
0x43c: {  	v2 =	vor.u32 v3, v37;
	v14 =	vld [tilespmem:$0x1FCD0]  }
0x43d: {  	v44 =	vor.u32 v28, v35;
	[tilespmem:v49+s16+$0x0] =	vst.idx.msk $0xffff, v1;
	v1 =	vld [tilespmem:$0x1FDE0]  }
0x43e: {  	[tilespmem:v58+s16+$0x0] =	vst.idx.msk $0xffff, v6;
	v12 =	vadd.s32 v12, v52;
	v6 =	vld.idx.msk [tilespmem:v59+s12+$0x0], $0xffff  }
0x43f: {  	[tilespmem:v60+s16+$0x0] =	vst.idx.msk $0xffff, v4;
	v60 =	vadd.s32 v16, v39;
	v16 =	vld [tilespmem:$0x1FFA0]  }
0x440: {  	v4 =	vld.idx.msk [tilespmem:v45+s12+$0x0], $0xffff  }
0x441: {  	v62 =	vor.u32 v5, v38;
	[tilespmem:v2+s16+$0x0] =	vst.idx.msk $0xffff, v8;
	v48 =	vld.idx.msk [tilespmem:v48+s12+$0x0], $0xffff  }
0x442: {  	v1 =	vadd.s32 v1, v39;
	v2 =	vld [tilespmem:$0x1FBD0];
	[tilespmem:v44+s16+$0x0] =	vst.idx.msk $0xffff, v10  }
0x443: {  	v8 =	vld.idx.msk [tilespmem:v12+s12+$0x0], $0xffff  }
0x444: {  	v49 =	vadd.s32 v16, v39;
	v16 =	vld [tilespmem:$0x1FA80]  }
0x445: {  	v51 =	vor.u32 v22, v47;
	v12 =	vld [tilespmem:$0x1FF40]  }
0x446: {  	v55 =	vld.idx.msk [tilespmem:v63+s12+$0x0], $0xffff;
	v63 =	vor.u32 v5, v40;
	[tilespmem:v62+s16+$0x0] =	vst.idx.msk $0xffff, v48  }
0x447: {  	v10 =	vor.u32 v30, v54;
	v1 =	vld.idx.msk [tilespmem:v1+s12+$0x0], $0xffff  }
0x448: {  	v14 =	vadd.s32 v14, v33;
	v57 =	vld.idx.msk [tilespmem:v61+s12+$0x0], $0xffff  }
0x449: {  	v43 =	vadd.s32 v16, v33;
	v16 =	vld [tilespmem:$0x1FB40]  }
0x44a: {  	[tilespmem:v51+s16+$0x0] =	vst.idx.msk $0xffff, v6;
	v6 =	vld [tilespmem:$0x1FD60]  }
0x44b: {  	v2 =	vadd.s32 v2, v33;
	v61 =	vor.u32 v5, v41;
	[tilespmem:v63+s16+$0x0] =	vst.idx.msk $0xffff, v55;
	v46 =	vld.idx.msk [tilespmem:v46+s12+$0x0], $0xffff  }
0x44c: {  	[tilespmem:v10+s16+$0x0] =	vst.idx.msk $0xffff, v4;
	v10 =	vor.u32 v7, v40;
	v56 =	vld.idx.msk [tilespmem:v60+s12+$0x0], $0xffff  }
0x44d: {  	v35 =	vor.u32 v30, v35;
	v12 =	vadd.s32 v12, v39;
	v14 =	vld.idx.msk [tilespmem:v14+s12+$0x0], $0xffff  }
0x44e: {  	v51 =	vor.u32 v24, v47;
	v63 =	vadd.s32 v16, v39;
	v16 =	vld [tilespmem:$0x1FCE0]  }
0x44f: {  	v62 =	vor.u32 v5, v37;
	v4 =	vld [tilespmem:$0x1FEB0]  }
0x450: {  	v55 =	vor.u32 v7, v38;
	v2 =	vld.idx.msk [tilespmem:v2+s12+$0x0], $0xffff;
	[tilespmem:v61+s16+$0x0] =	vst.idx.msk $0xffff, v57  }
0x451: {  	v6 =	vadd.s32 v6, v33;
	[tilespmem:v10+s16+$0x0] =	vst.idx.msk $0xffff, v56;
	v10 =	vld [tilespmem:$0x1FD40]  }
0x452: {  	[tilespmem:v35+s16+$0x0] =	vst.idx.msk $0xffff, v8;
	v8 =	vor.u32 v7, v41;
	v12 =	vld.idx.msk [tilespmem:v12+s12+$0x0], $0xffff  }
0x453: {  	[tilespmem:v51+s16+$0x0] =	vst.idx.msk $0xffff, v14;
	v61 =	vadd.s32 v16, v33;
	v16 =	vld [tilespmem:$0x1FEE0]  }
0x454: {  	v14 =	vld [tilespmem:$0x1FBF0];
	v4 =	vadd.s32 v4, v39;
	[tilespmem:v62+s16+$0x0] =	vst.idx.msk $0xffff, v46  }
0x455: {  	[tilespmem:v55+s16+$0x0] =	vst.idx.msk $0xffff, v1;
	v1 =	vor.u32 v7, v37;
	v49 =	vld.idx.msk [tilespmem:v49+s12+$0x0], $0xffff  }
0x456: {  	v52 =	vor.u32 v20, v50;
	v6 =	vld.idx.msk [tilespmem:v6+s12+$0x0], $0xffff;
	v10 =	vadd.s32 v10, v39  }
0x457: {  	v44 =	vor.u32 v22, v50;
	v35 =	vmov v50;
	v50 =	vor.u32 v15, v34;
	[tilespmem:v8+s16+$0x0] =	vst.idx.msk $0xffff, v12;
	v12 =	vld [tilespmem:$0x1FB60]  }
0x458: {  	v60 =	vor.u32 v20, v36;
	v62 =	vadd.s32 v16, v39;
	v16 =	vld [tilespmem:$0x1FE90]  }
0x459: {  	v14 =	vadd.s32 v14, v33;
	v4 =	vld.idx.msk [tilespmem:v4+s12+$0x0], $0xffff  }
0x45a: {  	[tilespmem:v1+s16+$0x0] =	vst.idx.msk $0xffff, v49;
	v54 =	vld.idx.msk [tilespmem:v63+s12+$0x0], $0xffff  }
0x45b: {  	v51 =	vor.u32 v9, v38;
	v10 =	vld.idx.msk [tilespmem:v10+s12+$0x0], $0xffff  }
0x45c: {  	[tilespmem:v50+s16+$0x0] =	vst.idx.msk $0xffff, v6;
	v6 =	vld [tilespmem:$0x1FC00]  }
0x45d: {  	[tilespmem:v60+s16+$0x0] =	vst.idx.msk $0xffff, v2;
	v55 =	vadd.s32 v16, v39;
	v16 =	vld [tilespmem:$0x1FE30]  }
0x45e: {  	v1 =	vld.idx.msk [tilespmem:v14+s12+$0x0], $0xffff  }
0x45f: {  	v2 =	vadd.s32 v31, v33;
	v63 =	vor.u32 v9, v40;
	v14 =	vld [tilespmem:$0x1FCF0]  }
0x460: {  	[tilespmem:v51+s16+$0x0] =	vst.idx.msk $0xffff, v4;
	v4 =	vor.u32 v9, v37;
	v8 =	vld.idx.msk [tilespmem:v61+s12+$0x0], $0xffff  }
0x461: {  	v57 =	vor.u32 v26, v47;
	v12 =	vadd.s32 v12, v39;
	v46 =	vld.idx.msk [tilespmem:v62+s12+$0x0], $0xffff  }
0x462: {  	v62 =	vor.u32 v22, v36;
	v61 =	vadd.s32 v16, v39;
	v16 =	vld [tilespmem:$0x1FF90]  }
0x463: {  	v6 =	vadd.s32 v6, v33  }
0x464: {  	v60 =	vor.u32 v9, v41;
	v2 =	vld.idx.msk [tilespmem:v2+s12+$0x0], $0xffff;
	[tilespmem:v63+s16+$0x0] =	vst.idx.msk $0xffff, v54  }
0x465: {  	[tilespmem:v4+s16+$0x0] =	vst.idx.msk $0xffff, v10;
	v10 =	vld [tilespmem:$0x1FFE0];
	v14 =	vadd.s32 v14, v33  }
0x466: {  	v12 =	vld.idx.msk [tilespmem:v12+s12+$0x0], $0xffff;
	[tilespmem:v57+s16+$0x0] =	vst.idx.msk $0xffff, v8;
	v57 =	vor.u32 v11, v40  }
0x467: {  	[tilespmem:v62+s16+$0x0] =	vst.idx.msk $0xffff, v1;
	v63 =	vadd.s32 v16, v39;
	v16 =	vld [tilespmem:$0x1FEA0]  }
0x468: {  	v4 =	vld.idx.msk [tilespmem:v6+s12+$0x0], $0xffff  }
0x469: {  	[tilespmem:v60+s16+$0x0] =	vst.idx.msk $0xffff, v46;
	v6 =	vld [tilespmem:$0x1FD00]  }
0x46a: {  	v54 =	vor.u32 v0, v34;
	v14 =	vld.idx.msk [tilespmem:v14+s12+$0x0], $0xffff  }
0x46b: {  	v1 =	vor.u32 v28, v47;
	[tilespmem:v57+s16+$0x0] =	vst.idx.msk $0xffff, v12;
	v12 =	vld [tilespmem:$0x1FE70]  }
0x46c: {  	v56 =	vadd.s32 v16, v39;
	v16 =	vld [tilespmem:$0x1FB70]  }
0x46d: {  	v59 =	vor.u32 v11, v41;
	v8 =	vadd.s32 v17, v33;
	v49 =	vld.idx.msk [tilespmem:v61+s12+$0x0], $0xffff  }
0x46e: {  	v50 =	vld.idx.msk [tilespmem:v55+s12+$0x0], $0xffff;
	v55 =	vor.u32 v11, v38;
	v6 =	vadd.s32 v6, v33  }
0x46f: {  	v51 =	vld.idx.msk [tilespmem:v63+s12+$0x0], $0xffff;
	[tilespmem:v54+s16+$0x0] =	vst.idx.msk $0xffff, v2;
	v2 =	vor.u32 v11, v37  }
0x470: {  	v12 =	vadd.s32 v12, v39;
	[tilespmem:v1+s16+$0x0] =	vst.idx.msk $0xffff, v14;
	v14 =	vld [tilespmem:$0x1FF70]  }
0x471: {  	v58 =	vadd.s32 v16, v39;
	v16 =	vld [tilespmem:$0x1FAB0]  }
0x472: {  	v54 =	vor.u32 v18, v34;
	[tilespmem:v59+s16+$0x0] =	vst.idx.msk $0xffff, v49;
	v8 =	vld.idx.msk [tilespmem:v8+s12+$0x0], $0xffff  }
0x473: {  	[tilespmem:v55+s16+$0x0] =	vst.idx.msk $0xffff, v50;
	v6 =	vld.idx.msk [tilespmem:v6+s12+$0x0], $0xffff  }
0x474: {  	v48 =	vor.u32 v24, v36;
	v1 =	vadd.s32 v32, v33;
	v50 =	vld.idx.msk [tilespmem:v56+s12+$0x0], $0xffff;
	[tilespmem:v2+s16+$0x0] =	vst.idx.msk $0xffff, v51  }
0x475: {  	v12 =	vld.idx.msk [tilespmem:v12+s12+$0x0], $0xffff  }
0x476: {  	v46 =	vadd.s32 v16, v33;
	v16 =	vld [tilespmem:$0x1FB90]  }
0x477: {  	v60 =	vadd.s32 v21, v33;
	[tilespmem:v54+s16+$0x0] =	vst.idx.msk $0xffff, v8;
	v8 =	vld [tilespmem:$0x1FFD0]  }
0x478: {  	v10 =	vadd.s32 v10, v39;
	v56 =	vld.idx.msk [tilespmem:v58+s12+$0x0], $0xffff  }
0x479: {  	v55 =	vor.u32 v13, v38;
	[tilespmem:v48+s16+$0x0] =	vst.idx.msk $0xffff, v4;
	v4 =	vor.u32 v30, v47;
	v47 =	vld.idx.msk [tilespmem:v1+s12+$0x0], $0xffff  }
0x47a: {  	v1 =	vld [tilespmem:$0x1FE00]  }
0x47b: {  	v59 =	vadd.s32 v16, v39;
	v16 =	vld [tilespmem:$0x1FFC0]  }
0x47c: {  	v14 =	vadd.s32 v14, v39;
	v2 =	vld.idx.msk [tilespmem:v60+s12+$0x0], $0xffff  }
0x47d: {  	v57 =	vor.u32 v13, v40  }
0x47e: {  	v62 =	vor.u32 v13, v41;
	v63 =	vadd.s32 v19, v33;
	v10 =	vld.idx.msk [tilespmem:v10+s12+$0x0], $0xffff;
	[tilespmem:v55+s16+$0x0] =	vst.idx.msk $0xffff, v50  }
0x47f: {  	v48 =	vadd.s32 v8, v33;
	v8 =	vor.u32 v13, v37;
	v51 =	vadd.s32 v1, v33;
	v1 =	vld [tilespmem:$0x1FF80]  }
0x480: {  	p1 =	slt.u32 s23, $0x3C;
	[tilespmem:v4+s16+$0x0] =	vst.idx.msk $0xffff, v6;
	v4 =	vld [tilespmem:$0x1FBA0];
	v16 =	vadd.s32 v16, v39  }
.Ltmp7:
0x481: {  	v45 =	vor.u32 v24, v35;
	v49 =	vor.u32 v24, v34;
	v58 =	vld.idx.msk [tilespmem:v14+s12+$0x0], $0xffff;
	[tilespmem:v52+s16+$0x0] =	vst.idx.msk $0xffff, v2;
	(pc) =	sbr.rel @p1 .LBB2_8-.Ltmp7, $4  }
0x482: {  	v60 =	vor.u32 v15, v38;
	v54 =	vadd.s32 v25, v33;
	v53 =	vld.idx.msk [tilespmem:v53+s12+$0x0], $0xffff;
	[tilespmem:v57+s16+$0x0] =	vst.idx.msk $0xffff, v56  }
0x483: {  	v50 =	vor.u32 v20, v34;
	v2 =	vor.u32 v15, v41;
	[tilespmem:v62+s16+$0x0] =	vst.idx.msk $0xffff, v10;
	v55 =	vld.idx.msk [tilespmem:v63+s12+$0x0], $0xffff  }
0x484: {  	v56 =	vadd.s32 v23, v33;
	v57 =	vor.u32 v26, v36;
	[tilespmem:v8+s16+$0x0] =	vst.idx.msk $0xffff, v12;
	v61 =	vld.idx.msk [tilespmem:v59+s12+$0x0], $0xffff  }
0x485: {  	v59 =	vadd.s32 v1, v39;
	v1 =	vor.u32 v15, v40;
	v62 =	vadd.s32 v4, v39;
	v63 =	vld.idx.msk [tilespmem:v16+s12+$0x0], $0xffff  }
0x486: {  	v4 =	vld [tilespmem:$0x1FD60];
	_ =	sdelay $0x4  }
0x487: {  	v4 =	vadd.s32 v4, v39;
	_ =	sdelay $0x4  }
0x488: {  	v6 =	vor.u32 v15, v37;
	v4 =	vld.idx.msk [tilespmem:v4+s12+$0x0], $0xffff  }
0x489: {  	v8 =	vadd.s32 v31, v39  }
0x48a: {  	[tilespmem:v2+s16+$0x0] =	vst.idx.msk $0xffff, v63  }
0x48b: {  	[tilespmem:v1+s16+$0x0] =	vst.idx.msk $0xffff, v61;
	v1 =	vld.idx.msk [tilespmem:v42+s12+$0x0], $0xffff  }
0x48c: {  	v2 =	vor.u32 v0, v41;
	v10 =	vld [tilespmem:$0x1FCA0]  }
0x48d: {  	v12 =	vor.u32 v0, v40;
	v14 =	vld.idx.msk [tilespmem:v62+s12+$0x0], $0xffff;
	[tilespmem:v6+s16+$0x0] =	vst.idx.msk $0xffff, v4  }
0x48e: {  	[tilespmem:v60+s16+$0x0] =	vst.idx.msk $0xffff, v58;
	v6 =	vld.idx.msk [tilespmem:v8+s12+$0x0], $0xffff;
	v8 =	vor.u32 v0, v37  }
0x48f: {  	v4 =	vld [tilespmem:$0x1FBC0];
	_ =	sdelay $0x1  }
0x490: {  	v62 =	vor.u32 v0, v38;
	v16 =	vld.idx.msk [tilespmem:v59+s12+$0x0], $0xffff;
	v10 =	vadd.s32 v10, v39;
	[tilespmem:v2+s16+$0x0] =	vst.idx.msk $0xffff, v1  }
0x491: {  	[tilespmem:v12+s16+$0x0] =	vst.idx.msk $0xffff, v14  }
0x492: {  	v52 =	vadd.s32 v17, v39;
	[tilespmem:v8+s16+$0x0] =	vst.idx.msk $0xffff, v6  }
0x493: {  	v4 =	vadd.s32 v4, v39;
	v8 =	vld [tilespmem:$0x1FCB0];
	_ =	sdelay $0x1  }
0x494: {  	v63 =	vadd.s32 v29, v39;
	v1 =	vld.idx.msk [tilespmem:v10+s12+$0x0], $0xffff;
	[tilespmem:v62+s16+$0x0] =	vst.idx.msk $0xffff, v16  }
0x495: {  	v2 =	vor.u32 v18, v41;
	v10 =	vld [tilespmem:$0x1FBD0]  }
0x496: {  	v14 =	vor.u32 v18, v37;
	v12 =	vld.idx.msk [tilespmem:v52+s12+$0x0], $0xffff  }
0x497: {  	v6 =	vor.u32 v18, v40;
	v4 =	vld.idx.msk [tilespmem:v4+s12+$0x0], $0xffff;
	v8 =	vadd.s32 v8, v39  }
0x498: {  	[tilespmem:v50+s16+$0x0] =	vst.idx.msk $0xffff, v47  }
0x499: {  	v58 =	vadd.s32 v32, v39;
	v52 =	vor.u32 v18, v38;
	v16 =	vld.idx.msk [tilespmem:v63+s12+$0x0], $0xffff;
	[tilespmem:v57+s16+$0x0] =	vst.idx.msk $0xffff, v55  }
0x49a: {  	[tilespmem:v2+s16+$0x0] =	vst.idx.msk $0xffff, v1;
	v10 =	vadd.s32 v10, v39  }
0x49b: {  	v1 =	vld.idx.msk [tilespmem:v56+s12+$0x0], $0xffff;
	[tilespmem:v14+s16+$0x0] =	vst.idx.msk $0xffff, v12  }
0x49c: {  	v59 =	vadd.s32 v21, v39;
	[tilespmem:v6+s16+$0x0] =	vst.idx.msk $0xffff, v4;
	v4 =	vld.idx.msk [tilespmem:v8+s12+$0x0], $0xffff  }
0x49d: {  	v2 =	vor.u32 v22, v34;
	v8 =	vld [tilespmem:$0x1FE10]  }
0x49e: {  	v6 =	vor.u32 v20, v41;
	[tilespmem:v52+s16+$0x0] =	vst.idx.msk $0xffff, v16;
	v16 =	vld.idx.msk [tilespmem:v58+s12+$0x0], $0xffff  }
0x49f: {  	v12 =	vor.u32 v20, v40;
	v10 =	vld.idx.msk [tilespmem:v10+s12+$0x0], $0xffff  }
0x4a0: {  	v42 =	vor.u32 v20, v37;
	v14 =	vld [tilespmem:$0x1FBF0]  }
0x4a1: {  	[tilespmem:v44+s16+$0x0] =	vst.idx.msk $0xffff, v53;
	v61 =	vld.idx.msk [tilespmem:v59+s12+$0x0], $0xffff  }
0x4a2: {  	v60 =	vor.u32 v20, v38;
	v62 =	vadd.s32 v23, v39;
	[tilespmem:v2+s16+$0x0] =	vst.idx.msk $0xffff, v1;
	v2 =	vld.idx.msk [tilespmem:v54+s12+$0x0], $0xffff  }
0x4a3: {  	v23 =	vld [tilespmem:$0x1FA60];
	[tilespmem:v6+s16+$0x0] =	vst.idx.msk $0xffff, v4  }
0x4a4: {  	v1 =	vor.u32 v28, v36;
	v8 =	vadd.s32 v8, v39;
	v32 =	vld [tilespmem:$0x1FE40];
	[tilespmem:v12+s16+$0x0] =	vst.idx.msk $0xffff, v10  }
0x4a5: {  	v6 =	vld.idx.msk [tilespmem:v43+s12+$0x0], $0xffff;
	v14 =	vadd.s32 v14, v39;
	[tilespmem:v42+s16+$0x0] =	vst.idx.msk $0xffff, v16  }
0x4a6: {  	v12 =	vld [tilespmem:$0x1FCD0]  }
0x4a7: {  	[tilespmem:v60+s16+$0x0] =	vst.idx.msk $0xffff, v61;
	v60 =	vld.idx.msk [tilespmem:v62+s12+$0x0], $0xffff  }
0x4a8: {  	v63 =	vadd.s32 v23, v39;
	v61 =	vor.u32 v22, v37;
	v55 =	vld [tilespmem:$0x1FC00]  }
0x4a9: {  	v10 =	vor.u32 v22, v41;
	[tilespmem:v1+s16+$0x0] =	vst.idx.msk $0xffff, v2;
	v8 =	vld.idx.msk [tilespmem:v8+s12+$0x0], $0xffff;
	v4 =	vadd.s32 v32, v33  }
0x4aa: {  	v16 =	vor.u32 v22, v40;
	[tilespmem:v45+s16+$0x0] =	vst.idx.msk $0xffff, v6;
	v14 =	vld.idx.msk [tilespmem:v14+s12+$0x0], $0xffff  }
0x4ab: {  	v17 =	vld [tilespmem:$0x1FA80]  }
0x4ac: {  	v46 =	vld.idx.msk [tilespmem:v46+s12+$0x0], $0xffff;
	v12 =	vadd.s32 v12, v39  }
0x4ad: {  	v1 =	vor.u32 v22, v38;
	v62 =	vadd.s32 v32, v39;
	v2 =	vld.idx.msk [tilespmem:v63+s12+$0x0], $0xffff;
	[tilespmem:v61+s16+$0x0] =	vst.idx.msk $0xffff, v60  }
0x4ae: {  	v59 =	vadd.s32 v55, v39;
	[tilespmem:v10+s16+$0x0] =	vst.idx.msk $0xffff, v8;
	v4 =	vld.idx.msk [tilespmem:v4+s12+$0x0], $0xffff  }
0x4af: {  	v8 =	vld.idx.msk [tilespmem:v51+s12+$0x0], $0xffff;
	v10 =	vor.u32 v30, v36;
	[tilespmem:v16+s16+$0x0] =	vst.idx.msk $0xffff, v14  }
0x4b0: {  	v16 =	vld [tilespmem:$0x1FCE0]  }
0x4b1: {  	v6 =	vadd.s32 v17, v39;
	v14 =	vor.u32 v24, v41;
	v12 =	vld.idx.msk [tilespmem:v12+s12+$0x0], $0xffff  }
0x4b2: {  	v43 =	vld.idx.msk [tilespmem:v62+s12+$0x0], $0xffff;
	[tilespmem:v1+s16+$0x0] =	vst.idx.msk $0xffff, v2  }
0x4b3: {  	v63 =	vor.u32 v24, v40;
	v42 =	vld.idx.msk [tilespmem:v59+s12+$0x0], $0xffff;
	[tilespmem:v49+s16+$0x0] =	vst.idx.msk $0xffff, v4  }
0x4b4: {  	v47 =	vld [tilespmem:$0x1FFD0];
	[tilespmem:v10+s16+$0x0] =	vst.idx.msk $0xffff, v8  }
0x4b5: {  	v2 =	vor.u32 v24, v37;
	v16 =	vadd.s32 v16, v39;
	v21 =	vld [tilespmem:$0x1FAB0]  }
0x4b6: {  	v6 =	vld.idx.msk [tilespmem:v6+s12+$0x0], $0xffff;
	[tilespmem:v14+s16+$0x0] =	vst.idx.msk $0xffff, v12  }
0x4b7: {  	v1 =	vadd.s32 v19, v39;
	v4 =	vor.u32 v24, v38;
	v31 =	vld [tilespmem:$0x1FE50]  }
0x4b8: {  	v8 =	vor.u32 v26, v34;
	v10 =	vld.idx.msk [tilespmem:v48+s12+$0x0], $0xffff;
	[tilespmem:v63+s16+$0x0] =	vst.idx.msk $0xffff, v42  }
0x4b9: {  	v12 =	vor.u32 v26, v35;
	v51 =	vld [tilespmem:$0x1FAD0];
	v49 =	vadd.s32 v47, v39  }
0x4ba: {  	v53 =	vor.u32 v26, v41;
	[tilespmem:v2+s16+$0x0] =	vst.idx.msk $0xffff, v43;
	v16 =	vld.idx.msk [tilespmem:v16+s12+$0x0], $0xffff;
	v50 =	vadd.s32 v21, v39  }
0x4bb: {  	v2 =	vld [tilespmem:$0x1FCF0]  }
0x4bc: {  	v54 =	vor.u32 v26, v40;
	v1 =	vld.idx.msk [tilespmem:v1+s12+$0x0], $0xffff;
	[tilespmem:v4+s16+$0x0] =	vst.idx.msk $0xffff, v6;
	v14 =	vadd.s32 v31, v33  }
0x4bd: {  	[tilespmem:v8+s16+$0x0] =	vst.idx.msk $0xffff, v10  }
0x4be: {  	v6 =	vor.u32 v26, v37;
	[tilespmem:v12+s16+$0x0] =	vst.idx.msk $0xffff, v46;
	v52 =	vadd.s32 v51, v33;
	v44 =	vld.idx.msk [tilespmem:v49+s12+$0x0], $0xffff  }
0x4bf: {  	[tilespmem:v53+s16+$0x0] =	vst.idx.msk $0xffff, v16;
	v45 =	vld.idx.msk [tilespmem:v50+s12+$0x0], $0xffff  }
0x4c0: {  	v8 =	vor.u32 v26, v38;
	v2 =	vadd.s32 v2, v39;
	v57 =	vld [tilespmem:$0x1FE20]  }
0x4c1: {  	[tilespmem:v54+s16+$0x0] =	vst.idx.msk $0xffff, v1;
	v14 =	vld.idx.msk [tilespmem:v14+s12+$0x0], $0xffff  }
0x4c2: {  	v4 =	vadd.s32 v25, v39;
	v10 =	vadd.s32 v31, v39;
	v25 =	vld [tilespmem:$0x1FAF0]  }
0x4c3: {  	v12 =	vor.u32 v28, v34;
	v55 =	vadd.s32 v51, v39;
	v36 =	vld.idx.msk [tilespmem:v52+s12+$0x0], $0xffff;
	[tilespmem:v6+s16+$0x0] =	vst.idx.msk $0xffff, v44  }
0x4c4: {  	v6 =	vld [tilespmem:$0x1FD00]  }
0x4c5: {  	v16 =	vor.u32 v28, v35;
	v2 =	vld.idx.msk [tilespmem:v2+s12+$0x0], $0xffff;
	v56 =	vadd.s32 v57, v33;
	[tilespmem:v8+s16+$0x0] =	vst.idx.msk $0xffff, v45  }
0x4c6: {  	v58 =	vor.u32 v28, v41;
	v8 =	vld [tilespmem:$0x1FE00]  }
0x4c7: {  	v60 =	vor.u32 v28, v37;
	v10 =	vld.idx.msk [tilespmem:v10+s12+$0x0], $0xffff;
	v1 =	vadd.s32 v25, v33  }
0x4c8: {  	[tilespmem:v12+s16+$0x0] =	vst.idx.msk $0xffff, v14;
	v12 =	vor.u32 v28, v38;
	v14 =	vadd.s32 v57, v39;
	v45 =	vld.idx.msk [tilespmem:v55+s12+$0x0], $0xffff  }
0x4c9: {  	v59 =	vor.u32 v28, v40;
	v4 =	vld.idx.msk [tilespmem:v4+s12+$0x0], $0xffff;
	v6 =	vadd.s32 v6, v39  }
0x4ca: {  	v61 =	vor.u32 v30, v34;
	v62 =	vadd.s32 v25, v39;
	[tilespmem:v16+s16+$0x0] =	vst.idx.msk $0xffff, v36;
	v16 =	vld.idx.msk [tilespmem:v56+s12+$0x0], $0xffff  }
0x4cb: {  	[tilespmem:v58+s16+$0x0] =	vst.idx.msk $0xffff, v2;
	v8 =	vadd.s32 v8, v39  }
0x4cc: {  	v2 =	vor.u32 v30, v35;
	[tilespmem:v60+s16+$0x0] =	vst.idx.msk $0xffff, v10;
	v1 =	vld.idx.msk [tilespmem:v1+s12+$0x0], $0xffff  }
0x4cd: {  	[tilespmem:v12+s16+$0x0] =	vst.idx.msk $0xffff, v45;
	v12 =	vld.idx.msk [tilespmem:v14+s12+$0x0], $0xffff;
	v14 =	vor.u32 v30, v37  }
0x4ce: {  	[tilespmem:v59+s16+$0x0] =	vst.idx.msk $0xffff, v4;
	v4 =	vld.idx.msk [tilespmem:v6+s12+$0x0], $0xffff;
	v6 =	vor.u32 v30, v41  }
0x4cf: {  	v63 =	vld.idx.msk [tilespmem:v62+s12+$0x0], $0xffff;
	[tilespmem:v61+s16+$0x0] =	vst.idx.msk $0xffff, v16;
	v16 =	vor.u32 v30, v38  }
0x4d0: {  	v10 =	vor.u32 v30, v40;
	v8 =	vld.idx.msk [tilespmem:v8+s12+$0x0], $0xffff  }
0x4d1: {  	[tilespmem:v2+s16+$0x0] =	vst.idx.msk $0xffff, v1  }
0x4d2: {  	[tilespmem:v14+s16+$0x0] =	vst.idx.msk $0xffff, v12  }
0x4d3: {  	[tilespmem:v6+s16+$0x0] =	vst.idx.msk $0xffff, v4  }
0x4d4: {  	[tilespmem:v16+s16+$0x0] =	vst.idx.msk $0xffff, v63  }
0x4d5: {  	[tilespmem:v10+s16+$0x0] =	vst.idx.msk $0xffff, v8  }
0x4d6: {  	v37 =	vld [tilespmem:$0x1FD80]  }
0x4d7: {  	v36 =	vld [tilespmem:$0x1FDB0]  }
0x4d8: {  	v35 =	vld [tilespmem:$0x1FDC0]  }
0x4d9: {  	v44 =	vld [tilespmem:$0x1FDE0]  }
0x4da: {  	v10 =	vld [tilespmem:$0x1FEB0]  }
0x4db: {  	v41 =	vld [tilespmem:$0x1FE90]  }
0x4dc: {  	v43 =	vld [tilespmem:$0x1FEA0]  }
0x4dd: {  	v49 =	vld [tilespmem:$0x1FF70]  }
0x4de: {  	v25 =	vld [tilespmem:$0x1FF80]  }
0x4df: {  	v53 =	vld [tilespmem:$0x1FEC0]  }
0x4e0: {  	v47 =	vld [tilespmem:$0x1FF30]  }
0x4e1: {  	v58 =	vld [tilespmem:$0x1FF20]  }
0x4e2: {  	v59 =	vld [tilespmem:$0x1FF10]  }
0x4e3: {  	v34 =	vld [tilespmem:$0x1FF60]  }
0x4e4: {  	v17 =	vld [tilespmem:$0x1FF00]  }
0x4e5: {  	v40 =	vld [tilespmem:$0x1FF50]  }
0x4e6: {  	v46 =	vld [tilespmem:$0x1FF40]  }
0x4e7: {  	v32 =	vld [tilespmem:$0x1FEE0]  }
0x4e8: {  	v38 =	vld [tilespmem:$0x1FE30]  }
0x4e9: {  	v21 =	vld [tilespmem:$0x1FFE0]  }
0x4ea: {  	v6 =	vld [tilespmem:$0x1FFC0]  }
0x4eb: {  	v54 =	vld [tilespmem:$0x1FED0]  }
0x4ec: {  	v19 =	vld [tilespmem:$0x1FEF0]  }
0x4ed: {  	s21 =	sadd.s32 $0x3, s21;
	v48 =	vld [tilespmem:$0x1FFB0]  }
.Ltmp8:
0x4ee: {  	s22 =	sshll.u32 s22, $0x10;
	p1 =	sge.u32 s21, s4;
	v60 =	vld [tilespmem:$0x1FFA0];
	(pc) =	sbr.rel .LBB2_10-.Ltmp8, $4  }
0x4ef: {  	s22 =	sadd.s32 s22, s7;
	s21 =	sshll.u32 @!p1 s21, $0xD;
	s23 =	simm.s32 @!p1 $0x7A1400;
	v8 =	vld [tilespmem:$0x1FF90]  }
0x4f0: {  	[hbm4b:s22+s3] =	stream.linear.scatter [tilespmem:s16], [sflag:$0x4], $0x4000, $0x38;
	v52 =	vld [tilespmem:$0x1FE70]  }
0x4f1: {  	s24 =	simm.s32 @!p1 $0x4000;
	s21 =	sadd.s32 @!p1 s21, s5;
	s22 =	simm.s32 @!p1 $0x800;
	v51 =	vld [tilespmem:$0x1FE60]  }
0x4f2: {  	v14 =	vld [tilespmem:$0x1FE80];
	[tilespmem:s24], [sflag:$0x2] =	stream.strided.gather @!p1 [hbm4b:s21+s22], $0x4000, s23, s22, $0x38  }
.LBB2_12:
0x4f3: {  	_ =	sfence.sel $0x180000  }
0x4f4: {  	[bflag:$0x0] =	sbarrier.arrive $0xFFFF  }
0x4f5: {  	p0 =	sne.s32 s2, $0x0;
	_ =	strace $0x90000047  }
0x4f6: {  	s0 =	sadd.s32 @!p0 $0x100000, s1;
	[bflag:$0x2] =	sbarrier.arrive $0xFFFF  }
0x4f7: {  	[sflag:s0] =	ssyncadd.tile.s32 @!p0 $0x1;
	_ =	shalt  }
.Lfunc_end2:
_tile_overlayer_lowered:
.L_overlay_start_2:
0x4f8: {  	(tag) =	ssettag $0x2  }
0x4f9: {  	s0 =	rddreg [dreg:$0x0];
	s2 =	stileid.u32  }
0x4fa: {  	s1 =	rddreg [dreg:$0x1];
	p0 =	sne.s32 s2, $0x0  }
0x4fb: {  	s3 =	rddreg [dreg:$0x2];
	[bflag:$0x3] =	sbarrier.arrive $0xFFFF;
	s2 =	simm.s32 @!p0 $0x1C05  }
0x4fc: {  	[timem:s3], [sflag:s2] =	dma.local @!p0 [hbm:s0], s1  }
0x4fd: {  	s0 =	simm.s32 @!p0 $0x5  }
0x4fe: {  	_ =	swait.ge @!p0 [sflag:s0], s1  }
0x4ff: {  	s1 =	ssub.s32 @!p0 $0x0, s1;
	[sflag:s0] =	ssyncset.done @!p0 $0x0  }
0x500: {  	[sflag:s0] =	ssyncadd.s32 @!p0 s1  }
0x501: {  	[bflag:$0x3] =	sbarrier.arrive $0xFFFF  }
0x502: {  	_ =	shalt  }

</sc_bundles>
